<compile_context>
chip_gen: v7x
topology: tpu7x:2x2x1
jax: 0.10.2.dev20260603
libtpu: 0.0.44.dev20260713+nightly
codegen_flags: <defaults>
</compile_context>

<pallas_src>
import functools

import jax
import jax.numpy as jnp
from jax import lax
from jax.experimental import pallas as pl
from jax.experimental.pallas import tpu as pltpu
from jax.experimental.pallas import tpu_sc as plsc

F32 = jnp.float32
NW = 32
CHUNK = 128


def _pad_rows(a, n):
    pad = [(0, n - a.shape[0])] + [(0, 0)] * (a.ndim - 1)
    return jnp.pad(a, pad)


def _prep_idx(idx_flat, nchunks):
    b = NW * nchunks * CHUNK
    idx = jnp.pad(idx_flat.reshape(-1).astype(jnp.int32), (0, b - idx_flat.size))
    return idx.reshape(NW, nchunks, CHUNK)


def _sc_gather(table, idx3):
    nc = idx3.shape[1]
    d = table.shape[1]
    b = NW * nc * CHUNK
    mesh = plsc.VectorSubcoreMesh(core_axis_name="c", subcore_axis_name="s")

    def body(table_hbm, idx_hbm, out_hbm, idx_v, rows_v, sem):
        wid = lax.axis_index("s") * 2 + lax.axis_index("c")
        pltpu.sync_copy(idx_hbm.at[wid], idx_v)

        def step(j, c):
            pltpu.async_copy(table_hbm.at[idx_v.at[j]], rows_v, sem).wait()
            pltpu.sync_copy(rows_v, out_hbm.at[pl.ds(wid * (nc * CHUNK) + j * CHUNK, CHUNK)])
            return c

        lax.fori_loop(0, nc, step, 0)

    fn = pl.kernel(
        body,
        mesh=mesh,
        out_type=jax.ShapeDtypeStruct((b, d), F32),
        compiler_params=pltpu.CompilerParams(use_tc_tiling_on_sc=False),
        scratch_types=[
            pltpu.VMEM((nc, CHUNK), jnp.int32),
            pltpu.VMEM((CHUNK, d), F32),
            pltpu.SemaphoreType.DMA,
        ],
    )
    return fn(table, idx3)


def _kpconv_tc(nb3, q, kp, w2, extent, n_valid, mt, foff, flen, coff, cout):
    r, h, drow = nb3.shape
    grid = r // mt

    def body(nb_ref, q_ref, kp_ref, w_ref, out_ref, s1_ref, s2_ref):
        pid = pl.program_id(0)
        nb = nb_ref[...]
        feats = nb[:, :, foff:foff + flen]
        coords = nb[:, :, coff:coff + 3]
        diffs = coords - q_ref[...][:, None, :]
        kpv = kp_ref[...]
        acc = jnp.zeros((mt, cout), F32)
        for k in range(16):
            dd = diffs - kpv[k]
            sq = jnp.sum(dd * dd, axis=-1)
            infl = jnp.maximum(1.0 - jnp.sqrt(sq + 1e-12) / extent, 0.0)
            wf = jnp.sum(infl[:, :, None] * feats, axis=1)
            acc = acc + jnp.dot(wf, w_ref[k * flen:(k + 1) * flen, :],
                                preferred_element_type=F32)
        out_ref[...] = acc
        rid = pid * mt + lax.broadcasted_iota(jnp.int32, (mt, 1), 0)
        a = acc * jnp.where(rid < n_valid, 1.0, 0.0)
        s1 = jnp.sum(a, axis=0, keepdims=True)
        s2 = jnp.sum(a * a, axis=0, keepdims=True)

        @pl.when(pid == 0)
        def _init():
            s1_ref[...] = s1
            s2_ref[...] = s2

        @pl.when(pid > 0)
        def _accum():
            s1_ref[...] += s1
            s2_ref[...] += s2

    return pl.pallas_call(
        body,
        grid=(grid,),
        in_specs=[
            pl.BlockSpec((mt, h, drow), lambda i: (i, 0, 0)),
            pl.BlockSpec((mt, 3), lambda i: (i, 0)),
            pl.BlockSpec((16, 3), lambda i: (0, 0)),
            pl.BlockSpec(w2.shape, lambda i: (0, 0)),
        ],
        out_specs=[
            pl.BlockSpec((mt, cout), lambda i: (i, 0)),
            pl.BlockSpec((1, cout), lambda i: (0, 0)),
            pl.BlockSpec((1, cout), lambda i: (0, 0)),
        ],
        out_shape=[
            jax.ShapeDtypeStruct((r, cout), F32),
            jax.ShapeDtypeStruct((1, cout), F32),
            jax.ShapeDtypeStruct((1, cout), F32),
        ],
    )(nb3, q, kp, w2)


def _bn_lrelu(x, s1, s2, g, b, n_valid, pts=None, out_w=None):
    r, d = x.shape
    mt = 2048 if r % 2048 == 0 else 512
    grid = r // mt
    ow = d if out_w is None else out_w
    with_pts = pts is not None

    def body(*refs):
        if with_pts:
            x_ref, s1_ref, s2_ref, g_ref, b_ref, p_ref, o_ref = refs
        else:
            x_ref, s1_ref, s2_ref, g_ref, b_ref, o_ref = refs
        mean = s1_ref[...] / n_valid
        var = s2_ref[...] / n_valid - mean * mean
        inv = lax.rsqrt(var + 1e-5) * g_ref[...]
        y = (x_ref[...] - mean) * inv + b_ref[...]
        y = jnp.where(y >= 0.0, y, 0.1 * y)
        if with_pts:
            z = jnp.zeros((mt, ow - d - 3), F32)
            o_ref[...] = jnp.concatenate([y, p_ref[...], z], axis=1)
        else:
            o_ref[...] = y

    in_specs = [
        pl.BlockSpec((mt, d), lambda i: (i, 0)),
        pl.BlockSpec((1, d), lambda i: (0, 0)),
        pl.BlockSpec((1, d), lambda i: (0, 0)),
        pl.BlockSpec((1, d), lambda i: (0, 0)),
        pl.BlockSpec((1, d), lambda i: (0, 0)),
    ]
    args = [x, s1, s2, g.reshape(1, d), b.reshape(1, d)]
    if with_pts:
        in_specs.append(pl.BlockSpec((mt, 3), lambda i: (i, 0)))
        args.append(pts)
    return pl.pallas_call(
        body,
        grid=(grid,),
        in_specs=in_specs,
        out_specs=pl.BlockSpec((mt, ow), lambda i: (i, 0)),
        out_shape=jax.ShapeDtypeStruct((r, ow), F32),
    )(*args)


def _decoder_tc(xu, table0, wd, n_valid):
    r = table0.shape[0]
    mt = 2048
    grid = r // mt
    d1 = xu.shape[1]
    dout = wd.shape[1]

    def body(xu_ref, t0_ref, wd_ref, out_ref, s1_ref, s2_ref):
        pid = pl.program_id(0)
        xc = jnp.concatenate([xu_ref[...], t0_ref[...][:, :64]], axis=1)
        xd = jnp.dot(xc, wd_ref[...], preferred_element_type=F32)
        out_ref[...] = xd
        rid = pid * mt + lax.broadcasted_iota(jnp.int32, (mt, 1), 0)
        a = xd * jnp.where(rid < n_valid, 1.0, 0.0)
        s1 = jnp.sum(a, axis=0, keepdims=True)
        s2 = jnp.sum(a * a, axis=0, keepdims=True)

        @pl.when(pid == 0)
        def _init():
            s1_ref[...] = s1
            s2_ref[...] = s2

        @pl.when(pid > 0)
        def _accum():
            s1_ref[...] += s1
            s2_ref[...] += s2

    return pl.pallas_call(
        body,
        grid=(grid,),
        in_specs=[
            pl.BlockSpec((mt, d1), lambda i: (i, 0)),
            pl.BlockSpec((mt, table0.shape[1]), lambda i: (i, 0)),
            pl.BlockSpec(wd.shape, lambda i: (0, 0)),
        ],
        out_specs=[
            pl.BlockSpec((mt, dout), lambda i: (i, 0)),
            pl.BlockSpec((1, dout), lambda i: (0, 0)),
            pl.BlockSpec((1, dout), lambda i: (0, 0)),
        ],
        out_shape=[
            jax.ShapeDtypeStruct((r, dout), F32),
            jax.ShapeDtypeStruct((1, dout), F32),
            jax.ShapeDtypeStruct((1, dout), F32),
        ],
    )(xu, table0, wd)


def _head_tc(xd, s1, s2, gd, bd, wh, bh, ws, bs, n_valid):
    r, d = xd.shape
    mt = 2048
    grid = r // mt
    c = ws.shape[1]

    def body(x_ref, s1_ref, s2_ref, gd_ref, bd_ref, wh_ref, bh_ref,
             ws_ref, bs_ref, out_ref):
        mean = s1_ref[...] / n_valid
        var = s2_ref[...] / n_valid - mean * mean
        inv = lax.rsqrt(var + 1e-5) * gd_ref[...]
        y = (x_ref[...] - mean) * inv + bd_ref[...]
        y = jnp.where(y >= 0.0, y, 0.1 * y)
        h = jnp.dot(y, wh_ref[...], preferred_element_type=F32) + bh_ref[...]
        h = jnp.where(h >= 0.0, h, 0.1 * h)
        out_ref[...] = jnp.dot(h, ws_ref[...], preferred_element_type=F32) + bs_ref[...]

    vec = lambda v: v.reshape(1, -1)
    return pl.pallas_call(
        body,
        grid=(grid,),
        in_specs=[
            pl.BlockSpec((mt, d), lambda i: (i, 0)),
            pl.BlockSpec((1, d), lambda i: (0, 0)),
            pl.BlockSpec((1, d), lambda i: (0, 0)),
            pl.BlockSpec((1, d), lambda i: (0, 0)),
            pl.BlockSpec((1, d), lambda i: (0, 0)),
            pl.BlockSpec(wh.shape, lambda i: (0, 0)),
            pl.BlockSpec((1, d), lambda i: (0, 0)),
            pl.BlockSpec(ws.shape, lambda i: (0, 0)),
            pl.BlockSpec((1, c), lambda i: (0, 0)),
        ],
        out_specs=pl.BlockSpec((mt, c), lambda i: (i, 0)),
        out_shape=jax.ShapeDtypeStruct((r, c), F32),
    )(xd, s1, s2, vec(gd), vec(bd), wh, vec(bh), ws, vec(bs))


def _pad_kp(kp):
    return jnp.pad(kp, ((0, 1), (0, 0)))


def _pad_w(w):
    k, cin, cout = w.shape
    w = jnp.pad(w, ((0, 1), (0, 0), (0, 0)))
    return w.reshape((k + 1) * cin, cout)


@jax.jit
def kernel(features, points0, points1, neighbors0, neighbors1, pool_inds,
           upsample_inds, kp0, kp1, W0, g0, b0, Wp, gp, bp, W1, g1, b1,
           Wd, gd, bd, Wh, bh, Ws, bs):
    n0, n1, h = 50000, 12500, 16
    n0p, n1p = 51200, 12800

    p0 = _pad_rows(points0.astype(F32), n0p)
    p1 = _pad_rows(points1.astype(F32), n1p)

    t0 = jnp.concatenate([
        features.astype(F32), jnp.zeros((n0, 3), F32),
        points0.astype(F32), jnp.zeros((n0, 5), F32)], axis=1)
    g1rows = _sc_gather(t0, _prep_idx(neighbors0, 200))
    nb0 = g1rows.reshape(n0p, h, 16)
    x0, s1a, s2a = _kpconv_tc(nb0, p0, _pad_kp(kp0), _pad_w(W0), 0.12,
                              n0, 256, 0, 5, 8, 64)
    tab0 = _bn_lrelu(x0, s1a, s2a, g0, b0, n0, pts=p0, out_w=72)

    g2rows = _sc_gather(tab0, _prep_idx(pool_inds, 50))
    nbp = g2rows.reshape(n1p, h, 72)
    xp, s1b, s2b = _kpconv_tc(nbp, p1, _pad_kp(kp0), _pad_w(Wp), 0.12,
                              n1, 256, 0, 64, 64, 128)
    tabp = _bn_lrelu(xp, s1b, s2b, gp, bp, n1, pts=p1, out_w=136)

    g3rows = _sc_gather(tabp, _prep_idx(neighbors1, 50))
    nb1 = g3rows.reshape(n1p, h, 136)
    x1, s1c, s2c = _kpconv_tc(nb1, p1, _pad_kp(kp1), _pad_w(W1), 0.24,
                              n1, 128, 0, 128, 128, 128)
    x1n = _bn_lrelu(x1, s1c, s2c, g1, b1, n1)

    g4rows = _sc_gather(x1n, _prep_idx(upsample_inds, 13))
    xu = g4rows[:n0p]
    xd, s1d, s2d = _decoder_tc(xu, tab0, Wd, n0)
    logits = _head_tc(xd, s1d, s2d, gd, bd, Wh, bh, Ws, bs, n0)
    return logits[:n0]

# --- scband reference (transcript-rebuilt; emitter-appended) ---
"""Pipeline reference for scband-kpfcnn-22969485099171 (READ-ONLY COPY).

The authoritative reference and input builder live on the scoring server;
editing this copy changes nothing except your own understanding.
"""

import jax, jax.numpy as jnp
import numpy as np

N0, N1, H, K = 50000, 12500, 16, 15
IN_DIM, D0, D1, C = 5, 64, 128, 19
E0, E1 = 0.12, 0.24


def setup_inputs():
    ks = jax.random.split(jax.random.key(0), 16)
    inp = {}
    inp['features'] = jax.random.normal(ks[0], (N0, IN_DIM), dtype=jnp.float32)
    inp['points0'] = jax.random.uniform(ks[1], (N0, 3), dtype=jnp.float32)
    inp['points1'] = jax.random.uniform(ks[2], (N1, 3), dtype=jnp.float32)
    inp['neighbors0'] = jax.random.randint(ks[3], (N0, H), 0, N0)
    inp['neighbors1'] = jax.random.randint(ks[4], (N1, H), 0, N1)
    inp['pool_inds'] = jax.random.randint(ks[5], (N1, H), 0, N0)
    inp['upsample_inds'] = jax.random.randint(ks[6], (N0,), 0, N1)
    inp['kp0'] = jax.random.uniform(ks[7], (K, 3), minval=-E0, maxval=E0, dtype=jnp.float32)
    inp['kp1'] = jax.random.uniform(ks[8], (K, 3), minval=-E1, maxval=E1, dtype=jnp.float32)
    inp['W0'] = jax.random.normal(ks[9], (K, IN_DIM, D0), dtype=jnp.float32) / np.sqrt(K * IN_DIM)
    inp['g0'] = jnp.ones((D0,), jnp.float32)
    inp['b0'] = jnp.zeros((D0,), jnp.float32)
    inp['Wp'] = jax.random.normal(ks[10], (K, D0, D1), dtype=jnp.float32) / np.sqrt(K * D0)
    inp['gp'] = jnp.ones((D1,), jnp.float32)
    inp['bp'] = jnp.zeros((D1,), jnp.float32)
    inp['W1'] = jax.random.normal(ks[11], (K, D1, D1), dtype=jnp.float32) / np.sqrt(K * D1)
    inp['g1'] = jnp.ones((D1,), jnp.float32)
    inp['b1'] = jnp.zeros((D1,), jnp.float32)
    inp['Wd'] = jax.random.normal(ks[12], (D1 + D0, D1), dtype=jnp.float32) / np.sqrt(D1 + D0)
    inp['gd'] = jnp.ones((D1,), jnp.float32)
    inp['bd'] = jnp.zeros((D1,), jnp.float32)
    inp['Wh'] = jax.random.normal(ks[13], (D1, D1), dtype=jnp.float32) / np.sqrt(D1)
    inp['bh'] = jnp.zeros((D1,), jnp.float32)
    inp['Ws'] = jax.random.normal(ks[14], (D1, C), dtype=jnp.float32) / np.sqrt(D1)
    inp['bs'] = jnp.zeros((C,), jnp.float32)
    return inp


def _bn(x, g, b):
    m = jnp.mean(x, axis=0, keepdims=True)
    v = jnp.var(x, axis=0, keepdims=True)
    return (x - m) / jnp.sqrt(v + 1e-5) * g + b


def _lrelu(x):
    return jax.nn.leaky_relu(x, 0.1)


def _kpconv(q_pts, s_pts, neighb_inds, x, kpts, W, extent):
    # gather neighbor coordinates and features (KPConv core)
    nb_pts = jnp.take(s_pts, neighb_inds, axis=0)              # [M, H, 3]
    diffs = nb_pts - q_pts[:, None, :]                          # [M, H, 3]
    sq = jnp.sum((diffs[:, :, None, :] - kpts[None, None, :, :]) ** 2, axis=-1)  # [M, H, K]
    infl = jnp.clip(1.0 - jnp.sqrt(sq + 1e-12) / extent, 0.0, None)              # linear influence
    nb_x = jnp.take(x, neighb_inds, axis=0)                     # [M, H, Cin]
    wf = jnp.einsum('mhk,mhc->mkc', infl, nb_x)                 # kernel-point weighted feats
    return jnp.einsum('mkc,kcd->md', wf, W)                     # [M, Cout]


def reference(features, points0, points1, neighbors0, neighbors1, pool_inds, upsample_inds,
              kp0, kp1, W0, g0, b0, Wp, gp, bp, W1, g1, b1, Wd, gd, bd, Wh, bh, Ws, bs):
    # encoder level 0: simple KPConv block
    x = _lrelu(_bn(_kpconv(points0, points0, neighbors0, features, kp0, W0, E0), g0, b0))
    skip = x
    # strided KPConv: pool level 0 -> level 1
    x = _lrelu(_bn(_kpconv(points1, points0, pool_inds, x, kp0, Wp, E0), gp, bp))
    # encoder level 1 KPConv
    x = _lrelu(_bn(_kpconv(points1, points1, neighbors1, x, kp1, W1, E1), g1, b1))
    # decoder: nearest upsample + skip concat + unary block
    xu = jnp.take(x, upsample_inds, axis=0)
    xc = jnp.concatenate([xu, skip], axis=1)
    xd = _lrelu(_bn(xc @ Wd, gd, bd))
    # head_mlp + head_softmax (logits)
    h = _lrelu(xd @ Wh + bh)
    return h @ Ws + bs

if __name__ == "__main__":
    import jax
    _d = setup_inputs()
    print(jax.jit(kernel)(*tuple(_d.values())))

</pallas_src>

<mosaic_0001>
#map = affine_map<(d0, d1) -> (0, 0)>
#map1 = affine_map<(d0, d1) -> (0, 0, 0)>
module attributes {stable_mosaic.version = 14 : i64} {
  func.func @body(%arg0: i32, %arg1: i32, %arg2: memref<12800x136xf32, #tpu.memory_space<hbm>>, %arg3: memref<32x50x128xi32, #tpu.memory_space<hbm>>, %arg4: memref<204800x136xf32, #tpu.memory_space<hbm>>, %arg5: memref<50x128xi32, #tpu.memory_space<vmem>>, %arg6: memref<128x136xf32, #tpu.memory_space<vmem>>, %arg7: memref<!tpu.dma_semaphore, #tpu.memory_space<semaphore_mem>>) attributes {dimension_semantics = [#tpu.dimension_semantics<core_parallel>, #tpu.dimension_semantics<subcore_parallel>], iteration_bounds = array<i64: 2, 16>, scalar_prefetch = 0 : i64, scratch_operands = 3 : i64, tpu.core_type = #tpu.core_type<sc_vector_subcore>, window_params = [{transform_indices = #map}, {transform_indices = #map1}, {transform_indices = #map}]} {
    %mul3A = arith.constant 2 : i32
    %mul3A_0 = arith.muli %arg1, %mul3A : i32
    %add3A = arith.addi %mul3A_0, %arg0 : i32
    "tpu.region"() ({
      %run_scoped3A = tpu.sem_alloc : memref<!tpu.dma_semaphore, #tpu.memory_space<semaphore_mem>>
      %dma_start3A = arith.constant 0 : i32
      %dma_start3A_6 = arith.constant 0 : i32
      %dma_start3A_7 = tpu.memref_slice %arg3[%add3A, %dma_start3A, %dma_start3A_6] : memref<32x50x128xi32, #tpu.memory_space<hbm>> -> memref<1x50x128xi32, #tpu.memory_space<hbm>>
      %dma_start3A_8 = tpu.memref_squeeze %dma_start3A_7 : memref<1x50x128xi32, #tpu.memory_space<hbm>> -> memref<50x128xi32, #tpu.memory_space<hbm>>
      %dma_start3A_9 = arith.constant 0 : i32
      %dma_start3A_10 = arith.constant 0 : i32
      %dma_start3A_11 = tpu.memref_slice %arg3[%add3A, %dma_start3A_9, %dma_start3A_10] : memref<32x50x128xi32, #tpu.memory_space<hbm>> -> memref<1x50x128xi32, #tpu.memory_space<hbm>>
      %dma_start3A_12 = tpu.memref_squeeze %dma_start3A_11 : memref<1x50x128xi32, #tpu.memory_space<hbm>> -> memref<50x128xi32, #tpu.memory_space<hbm>>
      tpu.enqueue_dma source(%dma_start3A_12 : memref<50x128xi32, #tpu.memory_space<hbm>>) target(%arg5 : memref<50x128xi32, #tpu.memory_space<vmem>>) target_semaphore(%run_scoped3A : memref<!tpu.dma_semaphore, #tpu.memory_space<semaphore_mem>>)
      %dma_wait3A = arith.constant 0 : i32
      %dma_wait3A_13 = arith.constant 0 : i32
      %dma_wait3A_14 = tpu.memref_slice %arg3[%add3A, %dma_wait3A, %dma_wait3A_13] : memref<32x50x128xi32, #tpu.memory_space<hbm>> -> memref<1x50x128xi32, #tpu.memory_space<hbm>>
      %dma_wait3A_15 = tpu.memref_squeeze %dma_wait3A_14 : memref<1x50x128xi32, #tpu.memory_space<hbm>> -> memref<50x128xi32, #tpu.memory_space<hbm>>
      %dma_wait3A_16 = arith.constant 0 : i32
      %dma_wait3A_17 = arith.constant 0 : i32
      %dma_wait3A_18 = tpu.memref_slice %arg3[%add3A, %dma_wait3A_16, %dma_wait3A_17] : memref<32x50x128xi32, #tpu.memory_space<hbm>> -> memref<1x50x128xi32, #tpu.memory_space<hbm>>
      %dma_wait3A_19 = tpu.memref_squeeze %dma_wait3A_18 : memref<1x50x128xi32, #tpu.memory_space<hbm>> -> memref<50x128xi32, #tpu.memory_space<hbm>>
      tpu.wait_dma2 semaphore(%run_scoped3A : memref<!tpu.dma_semaphore, #tpu.memory_space<semaphore_mem>>) src(%dma_wait3A_19 : memref<50x128xi32, #tpu.memory_space<hbm>>) dst(%arg5 : memref<50x128xi32, #tpu.memory_space<vmem>>)
      tpu.yield
    }) : () -> ()
    %scan3A = arith.constant 0 : i32
    %scan3A_1 = arith.constant 0 : i32
    %scan3A_2 = arith.constant 50 : i32
    %scan3A_3 = arith.addi %scan3A_1, %scan3A_2 : i32
    %scan3A_4 = arith.constant 1 : i32
    scf.for %scan3A_6 = %scan3A_1 to %scan3A_3 step %scan3A_4  : i32 {
      %dma_start3A = arith.constant 0 : i32
      %dma_start3A_7 = tpu.memref_slice %arg5[%scan3A_6, %dma_start3A] : memref<50x128xi32, #tpu.memory_space<vmem>> -> memref<1x128xi32, #tpu.memory_space<vmem>>
      %dma_start3A_8 = tpu.memref_squeeze %dma_start3A_7 : memref<1x128xi32, #tpu.memory_space<vmem>> -> memref<128xi32, #tpu.memory_space<vmem>>
      %dma_start3A_9 = arith.constant 0 : i32
      %dma_start3A_10 = arith.constant 0 : i32
      %dma_start3A_11 = tpu.memref_slice %arg2[%dma_start3A_9, %dma_start3A_10] : memref<12800x136xf32, #tpu.memory_space<hbm>> -> memref<12800x136xf32, #tpu.memory_space<hbm>>
      tpu.enqueue_indirect_dma source(%dma_start3A_11 : memref<12800x136xf32, #tpu.memory_space<hbm>>) target(%arg6 : memref<128x136xf32, #tpu.memory_space<vmem>>) offsets(%dma_start3A_8 : memref<128xi32, #tpu.memory_space<vmem>>) semaphore(%arg7 : memref<!tpu.dma_semaphore, #tpu.memory_space<semaphore_mem>>)
      %dma_wait3A = arith.constant 0 : i32
      %dma_wait3A_12 = tpu.memref_slice %arg5[%scan3A_6, %dma_wait3A] : memref<50x128xi32, #tpu.memory_space<vmem>> -> memref<1x128xi32, #tpu.memory_space<vmem>>
      %dma_wait3A_13 = tpu.memref_squeeze %dma_wait3A_12 : memref<1x128xi32, #tpu.memory_space<vmem>> -> memref<128xi32, #tpu.memory_space<vmem>>
      %dma_wait3A_14 = arith.constant 0 : i32
      %dma_wait3A_15 = arith.constant 0 : i32
      %dma_wait3A_16 = tpu.memref_slice %arg2[%dma_wait3A_14, %dma_wait3A_15] : memref<12800x136xf32, #tpu.memory_space<hbm>> -> memref<12800x136xf32, #tpu.memory_space<hbm>>
      tpu.wait_indirect_dma semaphore(%arg7 : memref<!tpu.dma_semaphore, #tpu.memory_space<semaphore_mem>>) src(%dma_wait3A_16 : memref<12800x136xf32, #tpu.memory_space<hbm>>) dst(%arg6 : memref<128x136xf32, #tpu.memory_space<vmem>>)
      %mul3A_17 = arith.constant 6400 : i32
      %mul3A_18 = arith.muli %add3A, %mul3A_17 : i32
      %mul3A_19 = arith.constant 128 : i32
      %mul3A_20 = arith.muli %scan3A_6, %mul3A_19 : i32
      %add3A_21 = arith.addi %mul3A_18, %mul3A_20 : i32
      "tpu.region"() ({
        %run_scoped3A = tpu.sem_alloc : memref<!tpu.dma_semaphore, #tpu.memory_space<semaphore_mem>>
        %dma_start3A_22 = arith.constant 0 : i32
        %dma_start3A_23 = tpu.memref_slice %arg4[%add3A_21, %dma_start3A_22] : memref<204800x136xf32, #tpu.memory_space<hbm>> -> memref<128x136xf32, #tpu.memory_space<hbm>>
        %dma_start3A_24 = arith.constant 0 : i32
        %dma_start3A_25 = tpu.memref_slice %arg4[%add3A_21, %dma_start3A_24] : memref<204800x136xf32, #tpu.memory_space<hbm>> -> memref<128x136xf32, #tpu.memory_space<hbm>>
        tpu.enqueue_dma source(%arg6 : memref<128x136xf32, #tpu.memory_space<vmem>>) target(%dma_start3A_25 : memref<128x136xf32, #tpu.memory_space<hbm>>) target_semaphore(%run_scoped3A : memref<!tpu.dma_semaphore, #tpu.memory_space<semaphore_mem>>)
        %dma_wait3A_26 = arith.constant 0 : i32
        %dma_wait3A_27 = tpu.memref_slice %arg4[%add3A_21, %dma_wait3A_26] : memref<204800x136xf32, #tpu.memory_space<hbm>> -> memref<128x136xf32, #tpu.memory_space<hbm>>
        %dma_wait3A_28 = arith.constant 0 : i32
        %dma_wait3A_29 = tpu.memref_slice %arg4[%add3A_21, %dma_wait3A_28] : memref<204800x136xf32, #tpu.memory_space<hbm>> -> memref<128x136xf32, #tpu.memory_space<hbm>>
        tpu.wait_dma2 semaphore(%run_scoped3A : memref<!tpu.dma_semaphore, #tpu.memory_space<semaphore_mem>>) src(%arg6 : memref<128x136xf32, #tpu.memory_space<vmem>>) dst(%dma_wait3A_29 : memref<128x136xf32, #tpu.memory_space<hbm>>)
        tpu.yield
      }) : () -> ()
    }
    %scan3A_5 = arith.constant 50 : i32
    return
  }
}

#map = affine_map<(d0, d1) -> (0, 0)>
#map1 = affine_map<(d0, d1) -> (0, 0, 0)>
module attributes {stable_mosaic.version = 14 : i64} {
  func.func @body(%arg0: i32, %arg1: i32, %arg2: memref<50000x16xf32, #tpu.memory_space<hbm>>, %arg3: memref<32x200x128xi32, #tpu.memory_space<hbm>>, %arg4: memref<819200x16xf32, #tpu.memory_space<hbm>>, %arg5: memref<200x128xi32, #tpu.memory_space<vmem>>, %arg6: memref<128x16xf32, #tpu.memory_space<vmem>>, %arg7: memref<!tpu.dma_semaphore, #tpu.memory_space<semaphore_mem>>) attributes {dimension_semantics = [#tpu.dimension_semantics<core_parallel>, #tpu.dimension_semantics<subcore_parallel>], iteration_bounds = array<i64: 2, 16>, scalar_prefetch = 0 : i64, scratch_operands = 3 : i64, tpu.core_type = #tpu.core_type<sc_vector_subcore>, window_params = [{transform_indices = #map}, {transform_indices = #map1}, {transform_indices = #map}]} {
    %mul3A = arith.constant 2 : i32
    %mul3A_0 = arith.muli %arg1, %mul3A : i32
    %add3A = arith.addi %mul3A_0, %arg0 : i32
    "tpu.region"() ({
      %run_scoped3A = tpu.sem_alloc : memref<!tpu.dma_semaphore, #tpu.memory_space<semaphore_mem>>
      %dma_start3A = arith.constant 0 : i32
      %dma_start3A_6 = arith.constant 0 : i32
      %dma_start3A_7 = tpu.memref_slice %arg3[%add3A, %dma_start3A, %dma_start3A_6] : memref<32x200x128xi32, #tpu.memory_space<hbm>> -> memref<1x200x128xi32, #tpu.memory_space<hbm>>
      %dma_start3A_8 = tpu.memref_squeeze %dma_start3A_7 : memref<1x200x128xi32, #tpu.memory_space<hbm>> -> memref<200x128xi32, #tpu.memory_space<hbm>>
      %dma_start3A_9 = arith.constant 0 : i32
      %dma_start3A_10 = arith.constant 0 : i32
      %dma_start3A_11 = tpu.memref_slice %arg3[%add3A, %dma_start3A_9, %dma_start3A_10] : memref<32x200x128xi32, #tpu.memory_space<hbm>> -> memref<1x200x128xi32, #tpu.memory_space<hbm>>
      %dma_start3A_12 = tpu.memref_squeeze %dma_start3A_11 : memref<1x200x128xi32, #tpu.memory_space<hbm>> -> memref<200x128xi32, #tpu.memory_space<hbm>>
      tpu.enqueue_dma source(%dma_start3A_12 : memref<200x128xi32, #tpu.memory_space<hbm>>) target(%arg5 : memref<200x128xi32, #tpu.memory_space<vmem>>) target_semaphore(%run_scoped3A : memref<!tpu.dma_semaphore, #tpu.memory_space<semaphore_mem>>)
      %dma_wait3A = arith.constant 0 : i32
      %dma_wait3A_13 = arith.constant 0 : i32
      %dma_wait3A_14 = tpu.memref_slice %arg3[%add3A, %dma_wait3A, %dma_wait3A_13] : memref<32x200x128xi32, #tpu.memory_space<hbm>> -> memref<1x200x128xi32, #tpu.memory_space<hbm>>
      %dma_wait3A_15 = tpu.memref_squeeze %dma_wait3A_14 : memref<1x200x128xi32, #tpu.memory_space<hbm>> -> memref<200x128xi32, #tpu.memory_space<hbm>>
      %dma_wait3A_16 = arith.constant 0 : i32
      %dma_wait3A_17 = arith.constant 0 : i32
      %dma_wait3A_18 = tpu.memref_slice %arg3[%add3A, %dma_wait3A_16, %dma_wait3A_17] : memref<32x200x128xi32, #tpu.memory_space<hbm>> -> memref<1x200x128xi32, #tpu.memory_space<hbm>>
      %dma_wait3A_19 = tpu.memref_squeeze %dma_wait3A_18 : memref<1x200x128xi32, #tpu.memory_space<hbm>> -> memref<200x128xi32, #tpu.memory_space<hbm>>
      tpu.wait_dma2 semaphore(%run_scoped3A : memref<!tpu.dma_semaphore, #tpu.memory_space<semaphore_mem>>) src(%dma_wait3A_19 : memref<200x128xi32, #tpu.memory_space<hbm>>) dst(%arg5 : memref<200x128xi32, #tpu.memory_space<vmem>>)
      tpu.yield
    }) : () -> ()
    %scan3A = arith.constant 0 : i32
    %scan3A_1 = arith.constant 0 : i32
    %scan3A_2 = arith.constant 200 : i32
    %scan3A_3 = arith.addi %scan3A_1, %scan3A_2 : i32
    %scan3A_4 = arith.constant 1 : i32
    scf.for %scan3A_6 = %scan3A_1 to %scan3A_3 step %scan3A_4  : i32 {
      %dma_start3A = arith.constant 0 : i32
      %dma_start3A_7 = tpu.memref_slice %arg5[%scan3A_6, %dma_start3A] : memref<200x128xi32, #tpu.memory_space<vmem>> -> memref<1x128xi32, #tpu.memory_space<vmem>>
      %dma_start3A_8 = tpu.memref_squeeze %dma_start3A_7 : memref<1x128xi32, #tpu.memory_space<vmem>> -> memref<128xi32, #tpu.memory_space<vmem>>
      %dma_start3A_9 = arith.constant 0 : i32
      %dma_start3A_10 = arith.constant 0 : i32
      %dma_start3A_11 = tpu.memref_slice %arg2[%dma_start3A_9, %dma_start3A_10] : memref<50000x16xf32, #tpu.memory_space<hbm>> -> memref<50000x16xf32, #tpu.memory_space<hbm>>
      tpu.enqueue_indirect_dma source(%dma_start3A_11 : memref<50000x16xf32, #tpu.memory_space<hbm>>) target(%arg6 : memref<128x16xf32, #tpu.memory_space<vmem>>) offsets(%dma_start3A_8 : memref<128xi32, #tpu.memory_space<vmem>>) semaphore(%arg7 : memref<!tpu.dma_semaphore, #tpu.memory_space<semaphore_mem>>)
      %dma_wait3A = arith.constant 0 : i32
      %dma_wait3A_12 = tpu.memref_slice %arg5[%scan3A_6, %dma_wait3A] : memref<200x128xi32, #tpu.memory_space<vmem>> -> memref<1x128xi32, #tpu.memory_space<vmem>>
      %dma_wait3A_13 = tpu.memref_squeeze %dma_wait3A_12 : memref<1x128xi32, #tpu.memory_space<vmem>> -> memref<128xi32, #tpu.memory_space<vmem>>
      %dma_wait3A_14 = arith.constant 0 : i32
      %dma_wait3A_15 = arith.constant 0 : i32
      %dma_wait3A_16 = tpu.memref_slice %arg2[%dma_wait3A_14, %dma_wait3A_15] : memref<50000x16xf32, #tpu.memory_space<hbm>> -> memref<50000x16xf32, #tpu.memory_space<hbm>>
      tpu.wait_indirect_dma semaphore(%arg7 : memref<!tpu.dma_semaphore, #tpu.memory_space<semaphore_mem>>) src(%dma_wait3A_16 : memref<50000x16xf32, #tpu.memory_space<hbm>>) dst(%arg6 : memref<128x16xf32, #tpu.memory_space<vmem>>)
      %mul3A_17 = arith.constant 25600 : i32
      %mul3A_18 = arith.muli %add3A, %mul3A_17 : i32
      %mul3A_19 = arith.constant 128 : i32
      %mul3A_20 = arith.muli %scan3A_6, %mul3A_19 : i32
      %add3A_21 = arith.addi %mul3A_18, %mul3A_20 : i32
      "tpu.region"() ({
        %run_scoped3A = tpu.sem_alloc : memref<!tpu.dma_semaphore, #tpu.memory_space<semaphore_mem>>
        %dma_start3A_22 = arith.constant 0 : i32
        %dma_start3A_23 = tpu.memref_slice %arg4[%add3A_21, %dma_start3A_22] : memref<819200x16xf32, #tpu.memory_space<hbm>> -> memref<128x16xf32, #tpu.memory_space<hbm>>
        %dma_start3A_24 = arith.constant 0 : i32
        %dma_start3A_25 = tpu.memref_slice %arg4[%add3A_21, %dma_start3A_24] : memref<819200x16xf32, #tpu.memory_space<hbm>> -> memref<128x16xf32, #tpu.memory_space<hbm>>
        tpu.enqueue_dma source(%arg6 : memref<128x16xf32, #tpu.memory_space<vmem>>) target(%dma_start3A_25 : memref<128x16xf32, #tpu.memory_space<hbm>>) target_semaphore(%run_scoped3A : memref<!tpu.dma_semaphore, #tpu.memory_space<semaphore_mem>>)
        %dma_wait3A_26 = arith.constant 0 : i32
        %dma_wait3A_27 = tpu.memref_slice %arg4[%add3A_21, %dma_wait3A_26] : memref<819200x16xf32, #tpu.memory_space<hbm>> -> memref<128x16xf32, #tpu.memory_space<hbm>>
        %dma_wait3A_28 = arith.constant 0 : i32
        %dma_wait3A_29 = tpu.memref_slice %arg4[%add3A_21, %dma_wait3A_28] : memref<819200x16xf32, #tpu.memory_space<hbm>> -> memref<128x16xf32, #tpu.memory_space<hbm>>
        tpu.wait_dma2 semaphore(%run_scoped3A : memref<!tpu.dma_semaphore, #tpu.memory_space<semaphore_mem>>) src(%arg6 : memref<128x16xf32, #tpu.memory_space<vmem>>) dst(%dma_wait3A_29 : memref<128x16xf32, #tpu.memory_space<hbm>>)
        tpu.yield
      }) : () -> ()
    }
    %scan3A_5 = arith.constant 200 : i32
    return
  }
}

#map = affine_map<(d0, d1) -> (0, 0)>
#map1 = affine_map<(d0, d1) -> (0, 0, 0)>
module attributes {stable_mosaic.version = 14 : i64} {
  func.func @body(%arg0: i32, %arg1: i32, %arg2: memref<51200x72xf32, #tpu.memory_space<hbm>>, %arg3: memref<32x50x128xi32, #tpu.memory_space<hbm>>, %arg4: memref<204800x72xf32, #tpu.memory_space<hbm>>, %arg5: memref<50x128xi32, #tpu.memory_space<vmem>>, %arg6: memref<128x72xf32, #tpu.memory_space<vmem>>, %arg7: memref<!tpu.dma_semaphore, #tpu.memory_space<semaphore_mem>>) attributes {dimension_semantics = [#tpu.dimension_semantics<core_parallel>, #tpu.dimension_semantics<subcore_parallel>], iteration_bounds = array<i64: 2, 16>, scalar_prefetch = 0 : i64, scratch_operands = 3 : i64, tpu.core_type = #tpu.core_type<sc_vector_subcore>, window_params = [{transform_indices = #map}, {transform_indices = #map1}, {transform_indices = #map}]} {
    %mul3A = arith.constant 2 : i32
    %mul3A_0 = arith.muli %arg1, %mul3A : i32
    %add3A = arith.addi %mul3A_0, %arg0 : i32
    "tpu.region"() ({
      %run_scoped3A = tpu.sem_alloc : memref<!tpu.dma_semaphore, #tpu.memory_space<semaphore_mem>>
      %dma_start3A = arith.constant 0 : i32
      %dma_start3A_6 = arith.constant 0 : i32
      %dma_start3A_7 = tpu.memref_slice %arg3[%add3A, %dma_start3A, %dma_start3A_6] : memref<32x50x128xi32, #tpu.memory_space<hbm>> -> memref<1x50x128xi32, #tpu.memory_space<hbm>>
      %dma_start3A_8 = tpu.memref_squeeze %dma_start3A_7 : memref<1x50x128xi32, #tpu.memory_space<hbm>> -> memref<50x128xi32, #tpu.memory_space<hbm>>
      %dma_start3A_9 = arith.constant 0 : i32
      %dma_start3A_10 = arith.constant 0 : i32
      %dma_start3A_11 = tpu.memref_slice %arg3[%add3A, %dma_start3A_9, %dma_start3A_10] : memref<32x50x128xi32, #tpu.memory_space<hbm>> -> memref<1x50x128xi32, #tpu.memory_space<hbm>>
      %dma_start3A_12 = tpu.memref_squeeze %dma_start3A_11 : memref<1x50x128xi32, #tpu.memory_space<hbm>> -> memref<50x128xi32, #tpu.memory_space<hbm>>
      tpu.enqueue_dma source(%dma_start3A_12 : memref<50x128xi32, #tpu.memory_space<hbm>>) target(%arg5 : memref<50x128xi32, #tpu.memory_space<vmem>>) target_semaphore(%run_scoped3A : memref<!tpu.dma_semaphore, #tpu.memory_space<semaphore_mem>>)
      %dma_wait3A = arith.constant 0 : i32
      %dma_wait3A_13 = arith.constant 0 : i32
      %dma_wait3A_14 = tpu.memref_slice %arg3[%add3A, %dma_wait3A, %dma_wait3A_13] : memref<32x50x128xi32, #tpu.memory_space<hbm>> -> memref<1x50x128xi32, #tpu.memory_space<hbm>>
      %dma_wait3A_15 = tpu.memref_squeeze %dma_wait3A_14 : memref<1x50x128xi32, #tpu.memory_space<hbm>> -> memref<50x128xi32, #tpu.memory_space<hbm>>
      %dma_wait3A_16 = arith.constant 0 : i32
      %dma_wait3A_17 = arith.constant 0 : i32
      %dma_wait3A_18 = tpu.memref_slice %arg3[%add3A, %dma_wait3A_16, %dma_wait3A_17] : memref<32x50x128xi32, #tpu.memory_space<hbm>> -> memref<1x50x128xi32, #tpu.memory_space<hbm>>
      %dma_wait3A_19 = tpu.memref_squeeze %dma_wait3A_18 : memref<1x50x128xi32, #tpu.memory_space<hbm>> -> memref<50x128xi32, #tpu.memory_space<hbm>>
      tpu.wait_dma2 semaphore(%run_scoped3A : memref<!tpu.dma_semaphore, #tpu.memory_space<semaphore_mem>>) src(%dma_wait3A_19 : memref<50x128xi32, #tpu.memory_space<hbm>>) dst(%arg5 : memref<50x128xi32, #tpu.memory_space<vmem>>)
      tpu.yield
    }) : () -> ()
    %scan3A = arith.constant 0 : i32
    %scan3A_1 = arith.constant 0 : i32
    %scan3A_2 = arith.constant 50 : i32
    %scan3A_3 = arith.addi %scan3A_1, %scan3A_2 : i32
    %scan3A_4 = arith.constant 1 : i32
    scf.for %scan3A_6 = %scan3A_1 to %scan3A_3 step %scan3A_4  : i32 {
      %dma_start3A = arith.constant 0 : i32
      %dma_start3A_7 = tpu.memref_slice %arg5[%scan3A_6, %dma_start3A] : memref<50x128xi32, #tpu.memory_space<vmem>> -> memref<1x128xi32, #tpu.memory_space<vmem>>
      %dma_start3A_8 = tpu.memref_squeeze %dma_start3A_7 : memref<1x128xi32, #tpu.memory_space<vmem>> -> memref<128xi32, #tpu.memory_space<vmem>>
      %dma_start3A_9 = arith.constant 0 : i32
      %dma_start3A_10 = arith.constant 0 : i32
      %dma_start3A_11 = tpu.memref_slice %arg2[%dma_start3A_9, %dma_start3A_10] : memref<51200x72xf32, #tpu.memory_space<hbm>> -> memref<51200x72xf32, #tpu.memory_space<hbm>>
      tpu.enqueue_indirect_dma source(%dma_start3A_11 : memref<51200x72xf32, #tpu.memory_space<hbm>>) target(%arg6 : memref<128x72xf32, #tpu.memory_space<vmem>>) offsets(%dma_start3A_8 : memref<128xi32, #tpu.memory_space<vmem>>) semaphore(%arg7 : memref<!tpu.dma_semaphore, #tpu.memory_space<semaphore_mem>>)
      %dma_wait3A = arith.constant 0 : i32
      %dma_wait3A_12 = tpu.memref_slice %arg5[%scan3A_6, %dma_wait3A] : memref<50x128xi32, #tpu.memory_space<vmem>> -> memref<1x128xi32, #tpu.memory_space<vmem>>
      %dma_wait3A_13 = tpu.memref_squeeze %dma_wait3A_12 : memref<1x128xi32, #tpu.memory_space<vmem>> -> memref<128xi32, #tpu.memory_space<vmem>>
      %dma_wait3A_14 = arith.constant 0 : i32
      %dma_wait3A_15 = arith.constant 0 : i32
      %dma_wait3A_16 = tpu.memref_slice %arg2[%dma_wait3A_14, %dma_wait3A_15] : memref<51200x72xf32, #tpu.memory_space<hbm>> -> memref<51200x72xf32, #tpu.memory_space<hbm>>
      tpu.wait_indirect_dma semaphore(%arg7 : memref<!tpu.dma_semaphore, #tpu.memory_space<semaphore_mem>>) src(%dma_wait3A_16 : memref<51200x72xf32, #tpu.memory_space<hbm>>) dst(%arg6 : memref<128x72xf32, #tpu.memory_space<vmem>>)
      %mul3A_17 = arith.constant 6400 : i32
      %mul3A_18 = arith.muli %add3A, %mul3A_17 : i32
      %mul3A_19 = arith.constant 128 : i32
      %mul3A_20 = arith.muli %scan3A_6, %mul3A_19 : i32
      %add3A_21 = arith.addi %mul3A_18, %mul3A_20 : i32
      "tpu.region"() ({
        %run_scoped3A = tpu.sem_alloc : memref<!tpu.dma_semaphore, #tpu.memory_space<semaphore_mem>>
        %dma_start3A_22 = arith.constant 0 : i32
        %dma_start3A_23 = tpu.memref_slice %arg4[%add3A_21, %dma_start3A_22] : memref<204800x72xf32, #tpu.memory_space<hbm>> -> memref<128x72xf32, #tpu.memory_space<hbm>>
        %dma_start3A_24 = arith.constant 0 : i32
        %dma_start3A_25 = tpu.memref_slice %arg4[%add3A_21, %dma_start3A_24] : memref<204800x72xf32, #tpu.memory_space<hbm>> -> memref<128x72xf32, #tpu.memory_space<hbm>>
        tpu.enqueue_dma source(%arg6 : memref<128x72xf32, #tpu.memory_space<vmem>>) target(%dma_start3A_25 : memref<128x72xf32, #tpu.memory_space<hbm>>) target_semaphore(%run_scoped3A : memref<!tpu.dma_semaphore, #tpu.memory_space<semaphore_mem>>)
        %dma_wait3A_26 = arith.constant 0 : i32
        %dma_wait3A_27 = tpu.memref_slice %arg4[%add3A_21, %dma_wait3A_26] : memref<204800x72xf32, #tpu.memory_space<hbm>> -> memref<128x72xf32, #tpu.memory_space<hbm>>
        %dma_wait3A_28 = arith.constant 0 : i32
        %dma_wait3A_29 = tpu.memref_slice %arg4[%add3A_21, %dma_wait3A_28] : memref<204800x72xf32, #tpu.memory_space<hbm>> -> memref<128x72xf32, #tpu.memory_space<hbm>>
        tpu.wait_dma2 semaphore(%run_scoped3A : memref<!tpu.dma_semaphore, #tpu.memory_space<semaphore_mem>>) src(%arg6 : memref<128x72xf32, #tpu.memory_space<vmem>>) dst(%dma_wait3A_29 : memref<128x72xf32, #tpu.memory_space<hbm>>)
        tpu.yield
      }) : () -> ()
    }
    %scan3A_5 = arith.constant 50 : i32
    return
  }
}

#map = affine_map<(d0, d1) -> (0, 0)>
#map1 = affine_map<(d0, d1) -> (0, 0, 0)>
module attributes {stable_mosaic.version = 14 : i64} {
  func.func @body(%arg0: i32, %arg1: i32, %arg2: memref<12800x128xf32, #tpu.memory_space<hbm>>, %arg3: memref<32x13x128xi32, #tpu.memory_space<hbm>>, %arg4: memref<53248x128xf32, #tpu.memory_space<hbm>>, %arg5: memref<13x128xi32, #tpu.memory_space<vmem>>, %arg6: memref<128x128xf32, #tpu.memory_space<vmem>>, %arg7: memref<!tpu.dma_semaphore, #tpu.memory_space<semaphore_mem>>) attributes {dimension_semantics = [#tpu.dimension_semantics<core_parallel>, #tpu.dimension_semantics<subcore_parallel>], iteration_bounds = array<i64: 2, 16>, scalar_prefetch = 0 : i64, scratch_operands = 3 : i64, tpu.core_type = #tpu.core_type<sc_vector_subcore>, window_params = [{transform_indices = #map}, {transform_indices = #map1}, {transform_indices = #map}]} {
    %mul3A = arith.constant 2 : i32
    %mul3A_0 = arith.muli %arg1, %mul3A : i32
    %add3A = arith.addi %mul3A_0, %arg0 : i32
    "tpu.region"() ({
      %run_scoped3A = tpu.sem_alloc : memref<!tpu.dma_semaphore, #tpu.memory_space<semaphore_mem>>
      %dma_start3A = arith.constant 0 : i32
      %dma_start3A_6 = arith.constant 0 : i32
      %dma_start3A_7 = tpu.memref_slice %arg3[%add3A, %dma_start3A, %dma_start3A_6] : memref<32x13x128xi32, #tpu.memory_space<hbm>> -> memref<1x13x128xi32, #tpu.memory_space<hbm>>
      %dma_start3A_8 = tpu.memref_squeeze %dma_start3A_7 : memref<1x13x128xi32, #tpu.memory_space<hbm>> -> memref<13x128xi32, #tpu.memory_space<hbm>>
      %dma_start3A_9 = arith.constant 0 : i32
      %dma_start3A_10 = arith.constant 0 : i32
      %dma_start3A_11 = tpu.memref_slice %arg3[%add3A, %dma_start3A_9, %dma_start3A_10] : memref<32x13x128xi32, #tpu.memory_space<hbm>> -> memref<1x13x128xi32, #tpu.memory_space<hbm>>
      %dma_start3A_12 = tpu.memref_squeeze %dma_start3A_11 : memref<1x13x128xi32, #tpu.memory_space<hbm>> -> memref<13x128xi32, #tpu.memory_space<hbm>>
      tpu.enqueue_dma source(%dma_start3A_12 : memref<13x128xi32, #tpu.memory_space<hbm>>) target(%arg5 : memref<13x128xi32, #tpu.memory_space<vmem>>) target_semaphore(%run_scoped3A : memref<!tpu.dma_semaphore, #tpu.memory_space<semaphore_mem>>)
      %dma_wait3A = arith.constant 0 : i32
      %dma_wait3A_13 = arith.constant 0 : i32
      %dma_wait3A_14 = tpu.memref_slice %arg3[%add3A, %dma_wait3A, %dma_wait3A_13] : memref<32x13x128xi32, #tpu.memory_space<hbm>> -> memref<1x13x128xi32, #tpu.memory_space<hbm>>
      %dma_wait3A_15 = tpu.memref_squeeze %dma_wait3A_14 : memref<1x13x128xi32, #tpu.memory_space<hbm>> -> memref<13x128xi32, #tpu.memory_space<hbm>>
      %dma_wait3A_16 = arith.constant 0 : i32
      %dma_wait3A_17 = arith.constant 0 : i32
      %dma_wait3A_18 = tpu.memref_slice %arg3[%add3A, %dma_wait3A_16, %dma_wait3A_17] : memref<32x13x128xi32, #tpu.memory_space<hbm>> -> memref<1x13x128xi32, #tpu.memory_space<hbm>>
      %dma_wait3A_19 = tpu.memref_squeeze %dma_wait3A_18 : memref<1x13x128xi32, #tpu.memory_space<hbm>> -> memref<13x128xi32, #tpu.memory_space<hbm>>
      tpu.wait_dma2 semaphore(%run_scoped3A : memref<!tpu.dma_semaphore, #tpu.memory_space<semaphore_mem>>) src(%dma_wait3A_19 : memref<13x128xi32, #tpu.memory_space<hbm>>) dst(%arg5 : memref<13x128xi32, #tpu.memory_space<vmem>>)
      tpu.yield
    }) : () -> ()
    %scan3A = arith.constant 0 : i32
    %scan3A_1 = arith.constant 0 : i32
    %scan3A_2 = arith.constant 13 : i32
    %scan3A_3 = arith.addi %scan3A_1, %scan3A_2 : i32
    %scan3A_4 = arith.constant 1 : i32
    scf.for %scan3A_6 = %scan3A_1 to %scan3A_3 step %scan3A_4  : i32 {
      %dma_start3A = arith.constant 0 : i32
      %dma_start3A_7 = tpu.memref_slice %arg5[%scan3A_6, %dma_start3A] : memref<13x128xi32, #tpu.memory_space<vmem>> -> memref<1x128xi32, #tpu.memory_space<vmem>>
      %dma_start3A_8 = tpu.memref_squeeze %dma_start3A_7 : memref<1x128xi32, #tpu.memory_space<vmem>> -> memref<128xi32, #tpu.memory_space<vmem>>
      %dma_start3A_9 = arith.constant 0 : i32
      %dma_start3A_10 = arith.constant 0 : i32
      %dma_start3A_11 = tpu.memref_slice %arg2[%dma_start3A_9, %dma_start3A_10] : memref<12800x128xf32, #tpu.memory_space<hbm>> -> memref<12800x128xf32, #tpu.memory_space<hbm>>
      tpu.enqueue_indirect_dma source(%dma_start3A_11 : memref<12800x128xf32, #tpu.memory_space<hbm>>) target(%arg6 : memref<128x128xf32, #tpu.memory_space<vmem>>) offsets(%dma_start3A_8 : memref<128xi32, #tpu.memory_space<vmem>>) semaphore(%arg7 : memref<!tpu.dma_semaphore, #tpu.memory_space<semaphore_mem>>)
      %dma_wait3A = arith.constant 0 : i32
      %dma_wait3A_12 = tpu.memref_slice %arg5[%scan3A_6, %dma_wait3A] : memref<13x128xi32, #tpu.memory_space<vmem>> -> memref<1x128xi32, #tpu.memory_space<vmem>>
      %dma_wait3A_13 = tpu.memref_squeeze %dma_wait3A_12 : memref<1x128xi32, #tpu.memory_space<vmem>> -> memref<128xi32, #tpu.memory_space<vmem>>
      %dma_wait3A_14 = arith.constant 0 : i32
      %dma_wait3A_15 = arith.constant 0 : i32
      %dma_wait3A_16 = tpu.memref_slice %arg2[%dma_wait3A_14, %dma_wait3A_15] : memref<12800x128xf32, #tpu.memory_space<hbm>> -> memref<12800x128xf32, #tpu.memory_space<hbm>>
      tpu.wait_indirect_dma semaphore(%arg7 : memref<!tpu.dma_semaphore, #tpu.memory_space<semaphore_mem>>) src(%dma_wait3A_16 : memref<12800x128xf32, #tpu.memory_space<hbm>>) dst(%arg6 : memref<128x128xf32, #tpu.memory_space<vmem>>)
      %mul3A_17 = arith.constant 1664 : i32
      %mul3A_18 = arith.muli %add3A, %mul3A_17 : i32
      %mul3A_19 = arith.constant 128 : i32
      %mul3A_20 = arith.muli %scan3A_6, %mul3A_19 : i32
      %add3A_21 = arith.addi %mul3A_18, %mul3A_20 : i32
      "tpu.region"() ({
        %run_scoped3A = tpu.sem_alloc : memref<!tpu.dma_semaphore, #tpu.memory_space<semaphore_mem>>
        %dma_start3A_22 = arith.constant 0 : i32
        %dma_start3A_23 = tpu.memref_slice %arg4[%add3A_21, %dma_start3A_22] : memref<53248x128xf32, #tpu.memory_space<hbm>> -> memref<128x128xf32, #tpu.memory_space<hbm>>
        %dma_start3A_24 = arith.constant 0 : i32
        %dma_start3A_25 = tpu.memref_slice %arg4[%add3A_21, %dma_start3A_24] : memref<53248x128xf32, #tpu.memory_space<hbm>> -> memref<128x128xf32, #tpu.memory_space<hbm>>
        tpu.enqueue_dma source(%arg6 : memref<128x128xf32, #tpu.memory_space<vmem>>) target(%dma_start3A_25 : memref<128x128xf32, #tpu.memory_space<hbm>>) target_semaphore(%run_scoped3A : memref<!tpu.dma_semaphore, #tpu.memory_space<semaphore_mem>>)
        %dma_wait3A_26 = arith.constant 0 : i32
        %dma_wait3A_27 = tpu.memref_slice %arg4[%add3A_21, %dma_wait3A_26] : memref<53248x128xf32, #tpu.memory_space<hbm>> -> memref<128x128xf32, #tpu.memory_space<hbm>>
        %dma_wait3A_28 = arith.constant 0 : i32
        %dma_wait3A_29 = tpu.memref_slice %arg4[%add3A_21, %dma_wait3A_28] : memref<53248x128xf32, #tpu.memory_space<hbm>> -> memref<128x128xf32, #tpu.memory_space<hbm>>
        tpu.wait_dma2 semaphore(%run_scoped3A : memref<!tpu.dma_semaphore, #tpu.memory_space<semaphore_mem>>) src(%arg6 : memref<128x128xf32, #tpu.memory_space<vmem>>) dst(%dma_wait3A_29 : memref<128x128xf32, #tpu.memory_space<hbm>>)
        tpu.yield
      }) : () -> ()
    }
    %scan3A_5 = arith.constant 13 : i32
    return
  }
}

module attributes {stable_mosaic.version = 14 : i64} {
  func.func @body(%arg0: i32, %arg1: memref<256x16x16xf32, #tpu.memory_space<vmem>>, %arg2: memref<256x3xf32, #tpu.memory_space<vmem>>, %arg3: memref<16x3xf32, #tpu.memory_space<vmem>>, %arg4: memref<80x64xf32, #tpu.memory_space<vmem>>, %arg5: memref<256x64xf32, #tpu.memory_space<vmem>>, %arg6: memref<1x64xf32, #tpu.memory_space<vmem>>, %arg7: memref<1x64xf32, #tpu.memory_space<vmem>>) attributes {dimension_semantics = [#tpu.dimension_semantics<arbitrary>], iteration_bounds = array<i64: 200>, scalar_prefetch = 0 : i64, scratch_operands = 0 : i64, tpu.core_type = #tpu.core_type<tc>, window_params = [{transform_indices = @transform_0, window_bounds = array<i64: 256, 16, 16>}, {transform_indices = @transform_1, window_bounds = array<i64: 256, 3>}, {pipeline_mode = #tpu.pipeline_mode<synchronous>, transform_indices = @transform_2, window_bounds = array<i64: 16, 3>}, {pipeline_mode = #tpu.pipeline_mode<synchronous>, transform_indices = @transform_3, window_bounds = array<i64: 80, 64>}, {transform_indices = @transform_4, window_bounds = array<i64: 256, 64>}, {pipeline_mode = #tpu.pipeline_mode<synchronous>, transform_indices = @transform_5, window_bounds = array<i64: 1, 64>}, {pipeline_mode = #tpu.pipeline_mode<synchronous>, transform_indices = @transform_6, window_bounds = array<i64: 1, 64>}]} {
    %get3A = arith.constant 0 : index
    %get3A_0 = arith.constant 0 : index
    %get3A_1 = arith.constant 0 : index
    %get3A_2 = vector.load %arg1[%get3A, %get3A_0, %get3A_1] : memref<256x16x16xf32, #tpu.memory_space<vmem>>, vector<256x16x16xf32>
    %slice3A = vector.extract_strided_slice %get3A_2 {offsets = [0, 0, 0], sizes = [256, 16, 5], strides = [1, 1, 1]} : vector<256x16x16xf32> to vector<256x16x5xf32>
    %slice3A_3 = vector.extract_strided_slice %get3A_2 {offsets = [0, 0, 8], sizes = [256, 16, 3], strides = [1, 1, 1]} : vector<256x16x16xf32> to vector<256x16x3xf32>
    %get3A_4 = arith.constant 0 : index
    %get3A_5 = arith.constant 0 : index
    %get3A_6 = vector.load %arg2[%get3A_4, %get3A_5] : memref<256x3xf32, #tpu.memory_space<vmem>>, vector<256x3xf32>
    %broadcast_in_dim3A = vector.shape_cast %get3A_6 : vector<256x3xf32> to vector<256x1x3xf32>
    %sub3A = vector.broadcast %broadcast_in_dim3A : vector<256x1x3xf32> to vector<256x16x3xf32>
    %sub3A_7 = arith.subf %slice3A_3, %sub3A : vector<256x16x3xf32>
    %get3A_8 = arith.constant 0 : index
    %get3A_9 = arith.constant 0 : index
    %get3A_10 = vector.load %arg3[%get3A_8, %get3A_9] : memref<16x3xf32, #tpu.memory_space<vmem>>, vector<16x3xf32>
    %broadcast_in_dim3A_11 = arith.constant 0.000000e+00 : f32
    %broadcast_in_dim3A_12 = vector.broadcast %broadcast_in_dim3A_11 : f32 to vector<256x64xf32>
    %slice3A_13 = vector.extract_strided_slice %get3A_10 {offsets = [0, 0], sizes = [1, 3], strides = [1, 1]} : vector<16x3xf32> to vector<1x3xf32>
    %squeeze3A = vector.shape_cast %slice3A_13 : vector<1x3xf32> to vector<3xf32>
    %broadcast_in_dim3A_14 = vector.shape_cast %squeeze3A : vector<3xf32> to vector<1x1x3xf32>
    %sub3A_15 = vector.broadcast %broadcast_in_dim3A_14 : vector<1x1x3xf32> to vector<256x16x3xf32>
    %sub3A_16 = arith.subf %sub3A_7, %sub3A_15 : vector<256x16x3xf32>
    %mul3A = arith.mulf %sub3A_16, %sub3A_16 : vector<256x16x3xf32>
    %reduce_sum3A = arith.constant dense<0.000000e+00> : vector<256x16xf32>
    %reduce_sum3A_17 = vector.multi_reduction <add>, %mul3A, %reduce_sum3A [2] : vector<256x16x3xf32> to vector<256x16xf32>
    %add3A = arith.constant 9.99999996E-13 : f32
    %add3A_18 = vector.broadcast %add3A : f32 to vector<256x16xf32>
    %add3A_19 = arith.addf %reduce_sum3A_17, %add3A_18 : vector<256x16xf32>
    %sqrt3A = math.sqrt %add3A_19 : vector<256x16xf32>
    %div3A = arith.constant 1.200000e-01 : f32
    %div3A_20 = vector.broadcast %div3A : f32 to vector<256x16xf32>
    %div3A_21 = arith.divf %sqrt3A, %div3A_20 : vector<256x16xf32>
    %sub3A_22 = arith.constant 1.000000e+00 : f32
    %sub3A_23 = vector.broadcast %sub3A_22 : f32 to vector<256x16xf32>
    %sub3A_24 = arith.subf %sub3A_23, %div3A_21 : vector<256x16xf32>
    %max3A = arith.constant 0.000000e+00 : f32
    %max3A_25 = vector.broadcast %max3A : f32 to vector<256x16xf32>
    %max3A_26 = arith.maximumf %sub3A_24, %max3A_25 : vector<256x16xf32>
    %broadcast_in_dim3A_27 = vector.shape_cast %max3A_26 : vector<256x16xf32> to vector<256x16x1xf32>
    %mul3A_28 = vector.broadcast %broadcast_in_dim3A_27 : vector<256x16x1xf32> to vector<256x16x5xf32>
    %mul3A_29 = arith.mulf %mul3A_28, %slice3A : vector<256x16x5xf32>
    %reduce_sum3A_30 = arith.constant dense<0.000000e+00> : vector<256x5xf32>
    %reduce_sum3A_31 = vector.multi_reduction <add>, %mul3A_29, %reduce_sum3A_30 [1] : vector<256x16x5xf32> to vector<256x5xf32>
    %get3A_32 = arith.constant 0 : index
    %get3A_33 = arith.constant 0 : index
    %get3A_34 = vector.load %arg4[%get3A_32, %get3A_33] : memref<80x64xf32, #tpu.memory_space<vmem>>, vector<5x64xf32>
    %dot_general3A = arith.constant dense<0.000000e+00> : vector<256x64xf32>
    %dot_general3A_35 = tpu.matmul %reduce_sum3A_31, %get3A_34, %dot_general3A {dimension_numbers = #tpu.dot_dimension_numbers<[1], [0], [0], [1], [0, 0, 1, 1], [], []>, transpose_lhs_hint = false} : vector<256x5xf32>, vector<5x64xf32>, vector<256x64xf32> -> vector<256x64xf32>
    %add3A_36 = arith.addf %broadcast_in_dim3A_12, %dot_general3A_35 : vector<256x64xf32>
    %slice3A_37 = vector.extract_strided_slice %get3A_10 {offsets = [1, 0], sizes = [1, 3], strides = [1, 1]} : vector<16x3xf32> to vector<1x3xf32>
    %squeeze3A_38 = vector.shape_cast %slice3A_37 : vector<1x3xf32> to vector<3xf32>
    %broadcast_in_dim3A_39 = vector.shape_cast %squeeze3A_38 : vector<3xf32> to vector<1x1x3xf32>
    %sub3A_40 = vector.broadcast %broadcast_in_dim3A_39 : vector<1x1x3xf32> to vector<256x16x3xf32>
    %sub3A_41 = arith.subf %sub3A_7, %sub3A_40 : vector<256x16x3xf32>
    %mul3A_42 = arith.mulf %sub3A_41, %sub3A_41 : vector<256x16x3xf32>
    %reduce_sum3A_43 = arith.constant dense<0.000000e+00> : vector<256x16xf32>
    %reduce_sum3A_44 = vector.multi_reduction <add>, %mul3A_42, %reduce_sum3A_43 [2] : vector<256x16x3xf32> to vector<256x16xf32>
    %add3A_45 = arith.constant 9.99999996E-13 : f32
    %add3A_46 = vector.broadcast %add3A_45 : f32 to vector<256x16xf32>
    %add3A_47 = arith.addf %reduce_sum3A_44, %add3A_46 : vector<256x16xf32>
    %sqrt3A_48 = math.sqrt %add3A_47 : vector<256x16xf32>
    %div3A_49 = arith.constant 1.200000e-01 : f32
    %div3A_50 = vector.broadcast %div3A_49 : f32 to vector<256x16xf32>
    %div3A_51 = arith.divf %sqrt3A_48, %div3A_50 : vector<256x16xf32>
    %sub3A_52 = arith.constant 1.000000e+00 : f32
    %sub3A_53 = vector.broadcast %sub3A_52 : f32 to vector<256x16xf32>
    %sub3A_54 = arith.subf %sub3A_53, %div3A_51 : vector<256x16xf32>
    %max3A_55 = arith.constant 0.000000e+00 : f32
    %max3A_56 = vector.broadcast %max3A_55 : f32 to vector<256x16xf32>
    %max3A_57 = arith.maximumf %sub3A_54, %max3A_56 : vector<256x16xf32>
    %broadcast_in_dim3A_58 = vector.shape_cast %max3A_57 : vector<256x16xf32> to vector<256x16x1xf32>
    %mul3A_59 = vector.broadcast %broadcast_in_dim3A_58 : vector<256x16x1xf32> to vector<256x16x5xf32>
    %mul3A_60 = arith.mulf %mul3A_59, %slice3A : vector<256x16x5xf32>
    %reduce_sum3A_61 = arith.constant dense<0.000000e+00> : vector<256x5xf32>
    %reduce_sum3A_62 = vector.multi_reduction <add>, %mul3A_60, %reduce_sum3A_61 [1] : vector<256x16x5xf32> to vector<256x5xf32>
    %get3A_63 = arith.constant 5 : index
    %get3A_64 = arith.constant 0 : index
    %get3A_65 = vector.load %arg4[%get3A_63, %get3A_64] : memref<80x64xf32, #tpu.memory_space<vmem>>, vector<5x64xf32>
    %dot_general3A_66 = arith.constant dense<0.000000e+00> : vector<256x64xf32>
    %dot_general3A_67 = tpu.matmul %reduce_sum3A_62, %get3A_65, %dot_general3A_66 {dimension_numbers = #tpu.dot_dimension_numbers<[1], [0], [0], [1], [0, 0, 1, 1], [], []>, transpose_lhs_hint = false} : vector<256x5xf32>, vector<5x64xf32>, vector<256x64xf32> -> vector<256x64xf32>
    %add3A_68 = arith.addf %add3A_36, %dot_general3A_67 : vector<256x64xf32>
    %slice3A_69 = vector.extract_strided_slice %get3A_10 {offsets = [2, 0], sizes = [1, 3], strides = [1, 1]} : vector<16x3xf32> to vector<1x3xf32>
    %squeeze3A_70 = vector.shape_cast %slice3A_69 : vector<1x3xf32> to vector<3xf32>
    %broadcast_in_dim3A_71 = vector.shape_cast %squeeze3A_70 : vector<3xf32> to vector<1x1x3xf32>
    %sub3A_72 = vector.broadcast %broadcast_in_dim3A_71 : vector<1x1x3xf32> to vector<256x16x3xf32>
    %sub3A_73 = arith.subf %sub3A_7, %sub3A_72 : vector<256x16x3xf32>
    %mul3A_74 = arith.mulf %sub3A_73, %sub3A_73 : vector<256x16x3xf32>
    %reduce_sum3A_75 = arith.constant dense<0.000000e+00> : vector<256x16xf32>
    %reduce_sum3A_76 = vector.multi_reduction <add>, %mul3A_74, %reduce_sum3A_75 [2] : vector<256x16x3xf32> to vector<256x16xf32>
    %add3A_77 = arith.constant 9.99999996E-13 : f32
    %add3A_78 = vector.broadcast %add3A_77 : f32 to vector<256x16xf32>
    %add3A_79 = arith.addf %reduce_sum3A_76, %add3A_78 : vector<256x16xf32>
    %sqrt3A_80 = math.sqrt %add3A_79 : vector<256x16xf32>
    %div3A_81 = arith.constant 1.200000e-01 : f32
    %div3A_82 = vector.broadcast %div3A_81 : f32 to vector<256x16xf32>
    %div3A_83 = arith.divf %sqrt3A_80, %div3A_82 : vector<256x16xf32>
    %sub3A_84 = arith.constant 1.000000e+00 : f32
    %sub3A_85 = vector.broadcast %sub3A_84 : f32 to vector<256x16xf32>
    %sub3A_86 = arith.subf %sub3A_85, %div3A_83 : vector<256x16xf32>
    %max3A_87 = arith.constant 0.000000e+00 : f32
    %max3A_88 = vector.broadcast %max3A_87 : f32 to vector<256x16xf32>
    %max3A_89 = arith.maximumf %sub3A_86, %max3A_88 : vector<256x16xf32>
    %broadcast_in_dim3A_90 = vector.shape_cast %max3A_89 : vector<256x16xf32> to vector<256x16x1xf32>
    %mul3A_91 = vector.broadcast %broadcast_in_dim3A_90 : vector<256x16x1xf32> to vector<256x16x5xf32>
    %mul3A_92 = arith.mulf %mul3A_91, %slice3A : vector<256x16x5xf32>
    %reduce_sum3A_93 = arith.constant dense<0.000000e+00> : vector<256x5xf32>
    %reduce_sum3A_94 = vector.multi_reduction <add>, %mul3A_92, %reduce_sum3A_93 [1] : vector<256x16x5xf32> to vector<256x5xf32>
    %get3A_95 = arith.constant 10 : index
    %get3A_96 = arith.constant 0 : index
    %get3A_97 = vector.load %arg4[%get3A_95, %get3A_96] : memref<80x64xf32, #tpu.memory_space<vmem>>, vector<5x64xf32>
    %dot_general3A_98 = arith.constant dense<0.000000e+00> : vector<256x64xf32>
    %dot_general3A_99 = tpu.matmul %reduce_sum3A_94, %get3A_97, %dot_general3A_98 {dimension_numbers = #tpu.dot_dimension_numbers<[1], [0], [0], [1], [0, 0, 1, 1], [], []>, transpose_lhs_hint = false} : vector<256x5xf32>, vector<5x64xf32>, vector<256x64xf32> -> vector<256x64xf32>
    %add3A_100 = arith.addf %add3A_68, %dot_general3A_99 : vector<256x64xf32>
    %slice3A_101 = vector.extract_strided_slice %get3A_10 {offsets = [3, 0], sizes = [1, 3], strides = [1, 1]} : vector<16x3xf32> to vector<1x3xf32>
    %squeeze3A_102 = vector.shape_cast %slice3A_101 : vector<1x3xf32> to vector<3xf32>
    %broadcast_in_dim3A_103 = vector.shape_cast %squeeze3A_102 : vector<3xf32> to vector<1x1x3xf32>
    %sub3A_104 = vector.broadcast %broadcast_in_dim3A_103 : vector<1x1x3xf32> to vector<256x16x3xf32>
    %sub3A_105 = arith.subf %sub3A_7, %sub3A_104 : vector<256x16x3xf32>
    %mul3A_106 = arith.mulf %sub3A_105, %sub3A_105 : vector<256x16x3xf32>
    %reduce_sum3A_107 = arith.constant dense<0.000000e+00> : vector<256x16xf32>
    %reduce_sum3A_108 = vector.multi_reduction <add>, %mul3A_106, %reduce_sum3A_107 [2] : vector<256x16x3xf32> to vector<256x16xf32>
    %add3A_109 = arith.constant 9.99999996E-13 : f32
    %add3A_110 = vector.broadcast %add3A_109 : f32 to vector<256x16xf32>
    %add3A_111 = arith.addf %reduce_sum3A_108, %add3A_110 : vector<256x16xf32>
    %sqrt3A_112 = math.sqrt %add3A_111 : vector<256x16xf32>
    %div3A_113 = arith.constant 1.200000e-01 : f32
    %div3A_114 = vector.broadcast %div3A_113 : f32 to vector<256x16xf32>
    %div3A_115 = arith.divf %sqrt3A_112, %div3A_114 : vector<256x16xf32>
    %sub3A_116 = arith.constant 1.000000e+00 : f32
    %sub3A_117 = vector.broadcast %sub3A_116 : f32 to vector<256x16xf32>
    %sub3A_118 = arith.subf %sub3A_117, %div3A_115 : vector<256x16xf32>
    %max3A_119 = arith.constant 0.000000e+00 : f32
    %max3A_120 = vector.broadcast %max3A_119 : f32 to vector<256x16xf32>
    %max3A_121 = arith.maximumf %sub3A_118, %max3A_120 : vector<256x16xf32>
    %broadcast_in_dim3A_122 = vector.shape_cast %max3A_121 : vector<256x16xf32> to vector<256x16x1xf32>
    %mul3A_123 = vector.broadcast %broadcast_in_dim3A_122 : vector<256x16x1xf32> to vector<256x16x5xf32>
    %mul3A_124 = arith.mulf %mul3A_123, %slice3A : vector<256x16x5xf32>
    %reduce_sum3A_125 = arith.constant dense<0.000000e+00> : vector<256x5xf32>
    %reduce_sum3A_126 = vector.multi_reduction <add>, %mul3A_124, %reduce_sum3A_125 [1] : vector<256x16x5xf32> to vector<256x5xf32>
    %get3A_127 = arith.constant 15 : index
    %get3A_128 = arith.constant 0 : index
    %get3A_129 = vector.load %arg4[%get3A_127, %get3A_128] : memref<80x64xf32, #tpu.memory_space<vmem>>, vector<5x64xf32>
    %dot_general3A_130 = arith.constant dense<0.000000e+00> : vector<256x64xf32>
    %dot_general3A_131 = tpu.matmul %reduce_sum3A_126, %get3A_129, %dot_general3A_130 {dimension_numbers = #tpu.dot_dimension_numbers<[1], [0], [0], [1], [0, 0, 1, 1], [], []>, transpose_lhs_hint = false} : vector<256x5xf32>, vector<5x64xf32>, vector<256x64xf32> -> vector<256x64xf32>
    %add3A_132 = arith.addf %add3A_100, %dot_general3A_131 : vector<256x64xf32>
    %slice3A_133 = vector.extract_strided_slice %get3A_10 {offsets = [4, 0], sizes = [1, 3], strides = [1, 1]} : vector<16x3xf32> to vector<1x3xf32>
    %squeeze3A_134 = vector.shape_cast %slice3A_133 : vector<1x3xf32> to vector<3xf32>
    %broadcast_in_dim3A_135 = vector.shape_cast %squeeze3A_134 : vector<3xf32> to vector<1x1x3xf32>
    %sub3A_136 = vector.broadcast %broadcast_in_dim3A_135 : vector<1x1x3xf32> to vector<256x16x3xf32>
    %sub3A_137 = arith.subf %sub3A_7, %sub3A_136 : vector<256x16x3xf32>
    %mul3A_138 = arith.mulf %sub3A_137, %sub3A_137 : vector<256x16x3xf32>
    %reduce_sum3A_139 = arith.constant dense<0.000000e+00> : vector<256x16xf32>
    %reduce_sum3A_140 = vector.multi_reduction <add>, %mul3A_138, %reduce_sum3A_139 [2] : vector<256x16x3xf32> to vector<256x16xf32>
    %add3A_141 = arith.constant 9.99999996E-13 : f32
    %add3A_142 = vector.broadcast %add3A_141 : f32 to vector<256x16xf32>
    %add3A_143 = arith.addf %reduce_sum3A_140, %add3A_142 : vector<256x16xf32>
    %sqrt3A_144 = math.sqrt %add3A_143 : vector<256x16xf32>
    %div3A_145 = arith.constant 1.200000e-01 : f32
    %div3A_146 = vector.broadcast %div3A_145 : f32 to vector<256x16xf32>
    %div3A_147 = arith.divf %sqrt3A_144, %div3A_146 : vector<256x16xf32>
    %sub3A_148 = arith.constant 1.000000e+00 : f32
    %sub3A_149 = vector.broadcast %sub3A_148 : f32 to vector<256x16xf32>
    %sub3A_150 = arith.subf %sub3A_149, %div3A_147 : vector<256x16xf32>
    %max3A_151 = arith.constant 0.000000e+00 : f32
    %max3A_152 = vector.broadcast %max3A_151 : f32 to vector<256x16xf32>
    %max3A_153 = arith.maximumf %sub3A_150, %max3A_152 : vector<256x16xf32>
    %broadcast_in_dim3A_154 = vector.shape_cast %max3A_153 : vector<256x16xf32> to vector<256x16x1xf32>
    %mul3A_155 = vector.broadcast %broadcast_in_dim3A_154 : vector<256x16x1xf32> to vector<256x16x5xf32>
    %mul3A_156 = arith.mulf %mul3A_155, %slice3A : vector<256x16x5xf32>
    %reduce_sum3A_157 = arith.constant dense<0.000000e+00> : vector<256x5xf32>
    %reduce_sum3A_158 = vector.multi_reduction <add>, %mul3A_156, %reduce_sum3A_157 [1] : vector<256x16x5xf32> to vector<256x5xf32>
    %get3A_159 = arith.constant 20 : index
    %get3A_160 = arith.constant 0 : index
    %get3A_161 = vector.load %arg4[%get3A_159, %get3A_160] : memref<80x64xf32, #tpu.memory_space<vmem>>, vector<5x64xf32>
    %dot_general3A_162 = arith.constant dense<0.000000e+00> : vector<256x64xf32>
    %dot_general3A_163 = tpu.matmul %reduce_sum3A_158, %get3A_161, %dot_general3A_162 {dimension_numbers = #tpu.dot_dimension_numbers<[1], [0], [0], [1], [0, 0, 1, 1], [], []>, transpose_lhs_hint = false} : vector<256x5xf32>, vector<5x64xf32>, vector<256x64xf32> -> vector<256x64xf32>
    %add3A_164 = arith.addf %add3A_132, %dot_general3A_163 : vector<256x64xf32>
    %slice3A_165 = vector.extract_strided_slice %get3A_10 {offsets = [5, 0], sizes = [1, 3], strides = [1, 1]} : vector<16x3xf32> to vector<1x3xf32>
    %squeeze3A_166 = vector.shape_cast %slice3A_165 : vector<1x3xf32> to vector<3xf32>
    %broadcast_in_dim3A_167 = vector.shape_cast %squeeze3A_166 : vector<3xf32> to vector<1x1x3xf32>
    %sub3A_168 = vector.broadcast %broadcast_in_dim3A_167 : vector<1x1x3xf32> to vector<256x16x3xf32>
    %sub3A_169 = arith.subf %sub3A_7, %sub3A_168 : vector<256x16x3xf32>
    %mul3A_170 = arith.mulf %sub3A_169, %sub3A_169 : vector<256x16x3xf32>
    %reduce_sum3A_171 = arith.constant dense<0.000000e+00> : vector<256x16xf32>
    %reduce_sum3A_172 = vector.multi_reduction <add>, %mul3A_170, %reduce_sum3A_171 [2] : vector<256x16x3xf32> to vector<256x16xf32>
    %add3A_173 = arith.constant 9.99999996E-13 : f32
    %add3A_174 = vector.broadcast %add3A_173 : f32 to vector<256x16xf32>
    %add3A_175 = arith.addf %reduce_sum3A_172, %add3A_174 : vector<256x16xf32>
    %sqrt3A_176 = math.sqrt %add3A_175 : vector<256x16xf32>
    %div3A_177 = arith.constant 1.200000e-01 : f32
    %div3A_178 = vector.broadcast %div3A_177 : f32 to vector<256x16xf32>
    %div3A_179 = arith.divf %sqrt3A_176, %div3A_178 : vector<256x16xf32>
    %sub3A_180 = arith.constant 1.000000e+00 : f32
    %sub3A_181 = vector.broadcast %sub3A_180 : f32 to vector<256x16xf32>
    %sub3A_182 = arith.subf %sub3A_181, %div3A_179 : vector<256x16xf32>
    %max3A_183 = arith.constant 0.000000e+00 : f32
    %max3A_184 = vector.broadcast %max3A_183 : f32 to vector<256x16xf32>
    %max3A_185 = arith.maximumf %sub3A_182, %max3A_184 : vector<256x16xf32>
    %broadcast_in_dim3A_186 = vector.shape_cast %max3A_185 : vector<256x16xf32> to vector<256x16x1xf32>
    %mul3A_187 = vector.broadcast %broadcast_in_dim3A_186 : vector<256x16x1xf32> to vector<256x16x5xf32>
    %mul3A_188 = arith.mulf %mul3A_187, %slice3A : vector<256x16x5xf32>
    %reduce_sum3A_189 = arith.constant dense<0.000000e+00> : vector<256x5xf32>
    %reduce_sum3A_190 = vector.multi_reduction <add>, %mul3A_188, %reduce_sum3A_189 [1] : vector<256x16x5xf32> to vector<256x5xf32>
    %get3A_191 = arith.constant 25 : index
    %get3A_192 = arith.constant 0 : index
    %get3A_193 = vector.load %arg4[%get3A_191, %get3A_192] : memref<80x64xf32, #tpu.memory_space<vmem>>, vector<5x64xf32>
    %dot_general3A_194 = arith.constant dense<0.000000e+00> : vector<256x64xf32>
    %dot_general3A_195 = tpu.matmul %reduce_sum3A_190, %get3A_193, %dot_general3A_194 {dimension_numbers = #tpu.dot_dimension_numbers<[1], [0], [0], [1], [0, 0, 1, 1], [], []>, transpose_lhs_hint = false} : vector<256x5xf32>, vector<5x64xf32>, vector<256x64xf32> -> vector<256x64xf32>
    %add3A_196 = arith.addf %add3A_164, %dot_general3A_195 : vector<256x64xf32>
    %slice3A_197 = vector.extract_strided_slice %get3A_10 {offsets = [6, 0], sizes = [1, 3], strides = [1, 1]} : vector<16x3xf32> to vector<1x3xf32>
    %squeeze3A_198 = vector.shape_cast %slice3A_197 : vector<1x3xf32> to vector<3xf32>
    %broadcast_in_dim3A_199 = vector.shape_cast %squeeze3A_198 : vector<3xf32> to vector<1x1x3xf32>
    %sub3A_200 = vector.broadcast %broadcast_in_dim3A_199 : vector<1x1x3xf32> to vector<256x16x3xf32>
    %sub3A_201 = arith.subf %sub3A_7, %sub3A_200 : vector<256x16x3xf32>
    %mul3A_202 = arith.mulf %sub3A_201, %sub3A_201 : vector<256x16x3xf32>
    %reduce_sum3A_203 = arith.constant dense<0.000000e+00> : vector<256x16xf32>
    %reduce_sum3A_204 = vector.multi_reduction <add>, %mul3A_202, %reduce_sum3A_203 [2] : vector<256x16x3xf32> to vector<256x16xf32>
    %add3A_205 = arith.constant 9.99999996E-13 : f32
    %add3A_206 = vector.broadcast %add3A_205 : f32 to vector<256x16xf32>
    %add3A_207 = arith.addf %reduce_sum3A_204, %add3A_206 : vector<256x16xf32>
    %sqrt3A_208 = math.sqrt %add3A_207 : vector<256x16xf32>
    %div3A_209 = arith.constant 1.200000e-01 : f32
    %div3A_210 = vector.broadcast %div3A_209 : f32 to vector<256x16xf32>
    %div3A_211 = arith.divf %sqrt3A_208, %div3A_210 : vector<256x16xf32>
    %sub3A_212 = arith.constant 1.000000e+00 : f32
    %sub3A_213 = vector.broadcast %sub3A_212 : f32 to vector<256x16xf32>
    %sub3A_214 = arith.subf %sub3A_213, %div3A_211 : vector<256x16xf32>
    %max3A_215 = arith.constant 0.000000e+00 : f32
    %max3A_216 = vector.broadcast %max3A_215 : f32 to vector<256x16xf32>
    %max3A_217 = arith.maximumf %sub3A_214, %max3A_216 : vector<256x16xf32>
    %broadcast_in_dim3A_218 = vector.shape_cast %max3A_217 : vector<256x16xf32> to vector<256x16x1xf32>
    %mul3A_219 = vector.broadcast %broadcast_in_dim3A_218 : vector<256x16x1xf32> to vector<256x16x5xf32>
    %mul3A_220 = arith.mulf %mul3A_219, %slice3A : vector<256x16x5xf32>
    %reduce_sum3A_221 = arith.constant dense<0.000000e+00> : vector<256x5xf32>
    %reduce_sum3A_222 = vector.multi_reduction <add>, %mul3A_220, %reduce_sum3A_221 [1] : vector<256x16x5xf32> to vector<256x5xf32>
    %get3A_223 = arith.constant 30 : index
    %get3A_224 = arith.constant 0 : index
    %get3A_225 = vector.load %arg4[%get3A_223, %get3A_224] : memref<80x64xf32, #tpu.memory_space<vmem>>, vector<5x64xf32>
    %dot_general3A_226 = arith.constant dense<0.000000e+00> : vector<256x64xf32>
    %dot_general3A_227 = tpu.matmul %reduce_sum3A_222, %get3A_225, %dot_general3A_226 {dimension_numbers = #tpu.dot_dimension_numbers<[1], [0], [0], [1], [0, 0, 1, 1], [], []>, transpose_lhs_hint = false} : vector<256x5xf32>, vector<5x64xf32>, vector<256x64xf32> -> vector<256x64xf32>
    %add3A_228 = arith.addf %add3A_196, %dot_general3A_227 : vector<256x64xf32>
    %slice3A_229 = vector.extract_strided_slice %get3A_10 {offsets = [7, 0], sizes = [1, 3], strides = [1, 1]} : vector<16x3xf32> to vector<1x3xf32>
    %squeeze3A_230 = vector.shape_cast %slice3A_229 : vector<1x3xf32> to vector<3xf32>
    %broadcast_in_dim3A_231 = vector.shape_cast %squeeze3A_230 : vector<3xf32> to vector<1x1x3xf32>
    %sub3A_232 = vector.broadcast %broadcast_in_dim3A_231 : vector<1x1x3xf32> to vector<256x16x3xf32>
    %sub3A_233 = arith.subf %sub3A_7, %sub3A_232 : vector<256x16x3xf32>
    %mul3A_234 = arith.mulf %sub3A_233, %sub3A_233 : vector<256x16x3xf32>
    %reduce_sum3A_235 = arith.constant dense<0.000000e+00> : vector<256x16xf32>
    %reduce_sum3A_236 = vector.multi_reduction <add>, %mul3A_234, %reduce_sum3A_235 [2] : vector<256x16x3xf32> to vector<256x16xf32>
    %add3A_237 = arith.constant 9.99999996E-13 : f32
    %add3A_238 = vector.broadcast %add3A_237 : f32 to vector<256x16xf32>
    %add3A_239 = arith.addf %reduce_sum3A_236, %add3A_238 : vector<256x16xf32>
    %sqrt3A_240 = math.sqrt %add3A_239 : vector<256x16xf32>
    %div3A_241 = arith.constant 1.200000e-01 : f32
    %div3A_242 = vector.broadcast %div3A_241 : f32 to vector<256x16xf32>
    %div3A_243 = arith.divf %sqrt3A_240, %div3A_242 : vector<256x16xf32>
    %sub3A_244 = arith.constant 1.000000e+00 : f32
    %sub3A_245 = vector.broadcast %sub3A_244 : f32 to vector<256x16xf32>
    %sub3A_246 = arith.subf %sub3A_245, %div3A_243 : vector<256x16xf32>
    %max3A_247 = arith.constant 0.000000e+00 : f32
    %max3A_248 = vector.broadcast %max3A_247 : f32 to vector<256x16xf32>
    %max3A_249 = arith.maximumf %sub3A_246, %max3A_248 : vector<256x16xf32>
    %broadcast_in_dim3A_250 = vector.shape_cast %max3A_249 : vector<256x16xf32> to vector<256x16x1xf32>
    %mul3A_251 = vector.broadcast %broadcast_in_dim3A_250 : vector<256x16x1xf32> to vector<256x16x5xf32>
    %mul3A_252 = arith.mulf %mul3A_251, %slice3A : vector<256x16x5xf32>
    %reduce_sum3A_253 = arith.constant dense<0.000000e+00> : vector<256x5xf32>
    %reduce_sum3A_254 = vector.multi_reduction <add>, %mul3A_252, %reduce_sum3A_253 [1] : vector<256x16x5xf32> to vector<256x5xf32>
    %get3A_255 = arith.constant 35 : index
    %get3A_256 = arith.constant 0 : index
    %get3A_257 = vector.load %arg4[%get3A_255, %get3A_256] : memref<80x64xf32, #tpu.memory_space<vmem>>, vector<5x64xf32>
    %dot_general3A_258 = arith.constant dense<0.000000e+00> : vector<256x64xf32>
    %dot_general3A_259 = tpu.matmul %reduce_sum3A_254, %get3A_257, %dot_general3A_258 {dimension_numbers = #tpu.dot_dimension_numbers<[1], [0], [0], [1], [0, 0, 1, 1], [], []>, transpose_lhs_hint = false} : vector<256x5xf32>, vector<5x64xf32>, vector<256x64xf32> -> vector<256x64xf32>
    %add3A_260 = arith.addf %add3A_228, %dot_general3A_259 : vector<256x64xf32>
    %slice3A_261 = vector.extract_strided_slice %get3A_10 {offsets = [8, 0], sizes = [1, 3], strides = [1, 1]} : vector<16x3xf32> to vector<1x3xf32>
    %squeeze3A_262 = vector.shape_cast %slice3A_261 : vector<1x3xf32> to vector<3xf32>
    %broadcast_in_dim3A_263 = vector.shape_cast %squeeze3A_262 : vector<3xf32> to vector<1x1x3xf32>
    %sub3A_264 = vector.broadcast %broadcast_in_dim3A_263 : vector<1x1x3xf32> to vector<256x16x3xf32>
    %sub3A_265 = arith.subf %sub3A_7, %sub3A_264 : vector<256x16x3xf32>
    %mul3A_266 = arith.mulf %sub3A_265, %sub3A_265 : vector<256x16x3xf32>
    %reduce_sum3A_267 = arith.constant dense<0.000000e+00> : vector<256x16xf32>
    %reduce_sum3A_268 = vector.multi_reduction <add>, %mul3A_266, %reduce_sum3A_267 [2] : vector<256x16x3xf32> to vector<256x16xf32>
    %add3A_269 = arith.constant 9.99999996E-13 : f32
    %add3A_270 = vector.broadcast %add3A_269 : f32 to vector<256x16xf32>
    %add3A_271 = arith.addf %reduce_sum3A_268, %add3A_270 : vector<256x16xf32>
    %sqrt3A_272 = math.sqrt %add3A_271 : vector<256x16xf32>
    %div3A_273 = arith.constant 1.200000e-01 : f32
    %div3A_274 = vector.broadcast %div3A_273 : f32 to vector<256x16xf32>
    %div3A_275 = arith.divf %sqrt3A_272, %div3A_274 : vector<256x16xf32>
    %sub3A_276 = arith.constant 1.000000e+00 : f32
    %sub3A_277 = vector.broadcast %sub3A_276 : f32 to vector<256x16xf32>
    %sub3A_278 = arith.subf %sub3A_277, %div3A_275 : vector<256x16xf32>
    %max3A_279 = arith.constant 0.000000e+00 : f32
    %max3A_280 = vector.broadcast %max3A_279 : f32 to vector<256x16xf32>
    %max3A_281 = arith.maximumf %sub3A_278, %max3A_280 : vector<256x16xf32>
    %broadcast_in_dim3A_282 = vector.shape_cast %max3A_281 : vector<256x16xf32> to vector<256x16x1xf32>
    %mul3A_283 = vector.broadcast %broadcast_in_dim3A_282 : vector<256x16x1xf32> to vector<256x16x5xf32>
    %mul3A_284 = arith.mulf %mul3A_283, %slice3A : vector<256x16x5xf32>
    %reduce_sum3A_285 = arith.constant dense<0.000000e+00> : vector<256x5xf32>
    %reduce_sum3A_286 = vector.multi_reduction <add>, %mul3A_284, %reduce_sum3A_285 [1] : vector<256x16x5xf32> to vector<256x5xf32>
    %get3A_287 = arith.constant 40 : index
    %get3A_288 = arith.constant 0 : index
    %get3A_289 = vector.load %arg4[%get3A_287, %get3A_288] : memref<80x64xf32, #tpu.memory_space<vmem>>, vector<5x64xf32>
    %dot_general3A_290 = arith.constant dense<0.000000e+00> : vector<256x64xf32>
    %dot_general3A_291 = tpu.matmul %reduce_sum3A_286, %get3A_289, %dot_general3A_290 {dimension_numbers = #tpu.dot_dimension_numbers<[1], [0], [0], [1], [0, 0, 1, 1], [], []>, transpose_lhs_hint = false} : vector<256x5xf32>, vector<5x64xf32>, vector<256x64xf32> -> vector<256x64xf32>
    %add3A_292 = arith.addf %add3A_260, %dot_general3A_291 : vector<256x64xf32>
    %slice3A_293 = vector.extract_strided_slice %get3A_10 {offsets = [9, 0], sizes = [1, 3], strides = [1, 1]} : vector<16x3xf32> to vector<1x3xf32>
    %squeeze3A_294 = vector.shape_cast %slice3A_293 : vector<1x3xf32> to vector<3xf32>
    %broadcast_in_dim3A_295 = vector.shape_cast %squeeze3A_294 : vector<3xf32> to vector<1x1x3xf32>
    %sub3A_296 = vector.broadcast %broadcast_in_dim3A_295 : vector<1x1x3xf32> to vector<256x16x3xf32>
    %sub3A_297 = arith.subf %sub3A_7, %sub3A_296 : vector<256x16x3xf32>
    %mul3A_298 = arith.mulf %sub3A_297, %sub3A_297 : vector<256x16x3xf32>
    %reduce_sum3A_299 = arith.constant dense<0.000000e+00> : vector<256x16xf32>
    %reduce_sum3A_300 = vector.multi_reduction <add>, %mul3A_298, %reduce_sum3A_299 [2] : vector<256x16x3xf32> to vector<256x16xf32>
    %add3A_301 = arith.constant 9.99999996E-13 : f32
    %add3A_302 = vector.broadcast %add3A_301 : f32 to vector<256x16xf32>
    %add3A_303 = arith.addf %reduce_sum3A_300, %add3A_302 : vector<256x16xf32>
    %sqrt3A_304 = math.sqrt %add3A_303 : vector<256x16xf32>
    %div3A_305 = arith.constant 1.200000e-01 : f32
    %div3A_306 = vector.broadcast %div3A_305 : f32 to vector<256x16xf32>
    %div3A_307 = arith.divf %sqrt3A_304, %div3A_306 : vector<256x16xf32>
    %sub3A_308 = arith.constant 1.000000e+00 : f32
    %sub3A_309 = vector.broadcast %sub3A_308 : f32 to vector<256x16xf32>
    %sub3A_310 = arith.subf %sub3A_309, %div3A_307 : vector<256x16xf32>
    %max3A_311 = arith.constant 0.000000e+00 : f32
    %max3A_312 = vector.broadcast %max3A_311 : f32 to vector<256x16xf32>
    %max3A_313 = arith.maximumf %sub3A_310, %max3A_312 : vector<256x16xf32>
    %broadcast_in_dim3A_314 = vector.shape_cast %max3A_313 : vector<256x16xf32> to vector<256x16x1xf32>
    %mul3A_315 = vector.broadcast %broadcast_in_dim3A_314 : vector<256x16x1xf32> to vector<256x16x5xf32>
    %mul3A_316 = arith.mulf %mul3A_315, %slice3A : vector<256x16x5xf32>
    %reduce_sum3A_317 = arith.constant dense<0.000000e+00> : vector<256x5xf32>
    %reduce_sum3A_318 = vector.multi_reduction <add>, %mul3A_316, %reduce_sum3A_317 [1] : vector<256x16x5xf32> to vector<256x5xf32>
    %get3A_319 = arith.constant 45 : index
    %get3A_320 = arith.constant 0 : index
    %get3A_321 = vector.load %arg4[%get3A_319, %get3A_320] : memref<80x64xf32, #tpu.memory_space<vmem>>, vector<5x64xf32>
    %dot_general3A_322 = arith.constant dense<0.000000e+00> : vector<256x64xf32>
    %dot_general3A_323 = tpu.matmul %reduce_sum3A_318, %get3A_321, %dot_general3A_322 {dimension_numbers = #tpu.dot_dimension_numbers<[1], [0], [0], [1], [0, 0, 1, 1], [], []>, transpose_lhs_hint = false} : vector<256x5xf32>, vector<5x64xf32>, vector<256x64xf32> -> vector<256x64xf32>
    %add3A_324 = arith.addf %add3A_292, %dot_general3A_323 : vector<256x64xf32>
    %slice3A_325 = vector.extract_strided_slice %get3A_10 {offsets = [10, 0], sizes = [1, 3], strides = [1, 1]} : vector<16x3xf32> to vector<1x3xf32>
    %squeeze3A_326 = vector.shape_cast %slice3A_325 : vector<1x3xf32> to vector<3xf32>
    %broadcast_in_dim3A_327 = vector.shape_cast %squeeze3A_326 : vector<3xf32> to vector<1x1x3xf32>
    %sub3A_328 = vector.broadcast %broadcast_in_dim3A_327 : vector<1x1x3xf32> to vector<256x16x3xf32>
    %sub3A_329 = arith.subf %sub3A_7, %sub3A_328 : vector<256x16x3xf32>
    %mul3A_330 = arith.mulf %sub3A_329, %sub3A_329 : vector<256x16x3xf32>
    %reduce_sum3A_331 = arith.constant dense<0.000000e+00> : vector<256x16xf32>
    %reduce_sum3A_332 = vector.multi_reduction <add>, %mul3A_330, %reduce_sum3A_331 [2] : vector<256x16x3xf32> to vector<256x16xf32>
    %add3A_333 = arith.constant 9.99999996E-13 : f32
    %add3A_334 = vector.broadcast %add3A_333 : f32 to vector<256x16xf32>
    %add3A_335 = arith.addf %reduce_sum3A_332, %add3A_334 : vector<256x16xf32>
    %sqrt3A_336 = math.sqrt %add3A_335 : vector<256x16xf32>
    %div3A_337 = arith.constant 1.200000e-01 : f32
    %div3A_338 = vector.broadcast %div3A_337 : f32 to vector<256x16xf32>
    %div3A_339 = arith.divf %sqrt3A_336, %div3A_338 : vector<256x16xf32>
    %sub3A_340 = arith.constant 1.000000e+00 : f32
    %sub3A_341 = vector.broadcast %sub3A_340 : f32 to vector<256x16xf32>
    %sub3A_342 = arith.subf %sub3A_341, %div3A_339 : vector<256x16xf32>
    %max3A_343 = arith.constant 0.000000e+00 : f32
    %max3A_344 = vector.broadcast %max3A_343 : f32 to vector<256x16xf32>
    %max3A_345 = arith.maximumf %sub3A_342, %max3A_344 : vector<256x16xf32>
    %broadcast_in_dim3A_346 = vector.shape_cast %max3A_345 : vector<256x16xf32> to vector<256x16x1xf32>
    %mul3A_347 = vector.broadcast %broadcast_in_dim3A_346 : vector<256x16x1xf32> to vector<256x16x5xf32>
    %mul3A_348 = arith.mulf %mul3A_347, %slice3A : vector<256x16x5xf32>
    %reduce_sum3A_349 = arith.constant dense<0.000000e+00> : vector<256x5xf32>
    %reduce_sum3A_350 = vector.multi_reduction <add>, %mul3A_348, %reduce_sum3A_349 [1] : vector<256x16x5xf32> to vector<256x5xf32>
    %get3A_351 = arith.constant 50 : index
    %get3A_352 = arith.constant 0 : index
    %get3A_353 = vector.load %arg4[%get3A_351, %get3A_352] : memref<80x64xf32, #tpu.memory_space<vmem>>, vector<5x64xf32>
    %dot_general3A_354 = arith.constant dense<0.000000e+00> : vector<256x64xf32>
    %dot_general3A_355 = tpu.matmul %reduce_sum3A_350, %get3A_353, %dot_general3A_354 {dimension_numbers = #tpu.dot_dimension_numbers<[1], [0], [0], [1], [0, 0, 1, 1], [], []>, transpose_lhs_hint = false} : vector<256x5xf32>, vector<5x64xf32>, vector<256x64xf32> -> vector<256x64xf32>
    %add3A_356 = arith.addf %add3A_324, %dot_general3A_355 : vector<256x64xf32>
    %slice3A_357 = vector.extract_strided_slice %get3A_10 {offsets = [11, 0], sizes = [1, 3], strides = [1, 1]} : vector<16x3xf32> to vector<1x3xf32>
    %squeeze3A_358 = vector.shape_cast %slice3A_357 : vector<1x3xf32> to vector<3xf32>
    %broadcast_in_dim3A_359 = vector.shape_cast %squeeze3A_358 : vector<3xf32> to vector<1x1x3xf32>
    %sub3A_360 = vector.broadcast %broadcast_in_dim3A_359 : vector<1x1x3xf32> to vector<256x16x3xf32>
    %sub3A_361 = arith.subf %sub3A_7, %sub3A_360 : vector<256x16x3xf32>
    %mul3A_362 = arith.mulf %sub3A_361, %sub3A_361 : vector<256x16x3xf32>
    %reduce_sum3A_363 = arith.constant dense<0.000000e+00> : vector<256x16xf32>
    %reduce_sum3A_364 = vector.multi_reduction <add>, %mul3A_362, %reduce_sum3A_363 [2] : vector<256x16x3xf32> to vector<256x16xf32>
    %add3A_365 = arith.constant 9.99999996E-13 : f32
    %add3A_366 = vector.broadcast %add3A_365 : f32 to vector<256x16xf32>
    %add3A_367 = arith.addf %reduce_sum3A_364, %add3A_366 : vector<256x16xf32>
    %sqrt3A_368 = math.sqrt %add3A_367 : vector<256x16xf32>
    %div3A_369 = arith.constant 1.200000e-01 : f32
    %div3A_370 = vector.broadcast %div3A_369 : f32 to vector<256x16xf32>
    %div3A_371 = arith.divf %sqrt3A_368, %div3A_370 : vector<256x16xf32>
    %sub3A_372 = arith.constant 1.000000e+00 : f32
    %sub3A_373 = vector.broadcast %sub3A_372 : f32 to vector<256x16xf32>
    %sub3A_374 = arith.subf %sub3A_373, %div3A_371 : vector<256x16xf32>
    %max3A_375 = arith.constant 0.000000e+00 : f32
    %max3A_376 = vector.broadcast %max3A_375 : f32 to vector<256x16xf32>
    %max3A_377 = arith.maximumf %sub3A_374, %max3A_376 : vector<256x16xf32>
    %broadcast_in_dim3A_378 = vector.shape_cast %max3A_377 : vector<256x16xf32> to vector<256x16x1xf32>
    %mul3A_379 = vector.broadcast %broadcast_in_dim3A_378 : vector<256x16x1xf32> to vector<256x16x5xf32>
    %mul3A_380 = arith.mulf %mul3A_379, %slice3A : vector<256x16x5xf32>
    %reduce_sum3A_381 = arith.constant dense<0.000000e+00> : vector<256x5xf32>
    %reduce_sum3A_382 = vector.multi_reduction <add>, %mul3A_380, %reduce_sum3A_381 [1] : vector<256x16x5xf32> to vector<256x5xf32>
    %get3A_383 = arith.constant 55 : index
    %get3A_384 = arith.constant 0 : index
    %get3A_385 = vector.load %arg4[%get3A_383, %get3A_384] : memref<80x64xf32, #tpu.memory_space<vmem>>, vector<5x64xf32>
    %dot_general3A_386 = arith.constant dense<0.000000e+00> : vector<256x64xf32>
    %dot_general3A_387 = tpu.matmul %reduce_sum3A_382, %get3A_385, %dot_general3A_386 {dimension_numbers = #tpu.dot_dimension_numbers<[1], [0], [0], [1], [0, 0, 1, 1], [], []>, transpose_lhs_hint = false} : vector<256x5xf32>, vector<5x64xf32>, vector<256x64xf32> -> vector<256x64xf32>
    %add3A_388 = arith.addf %add3A_356, %dot_general3A_387 : vector<256x64xf32>
    %slice3A_389 = vector.extract_strided_slice %get3A_10 {offsets = [12, 0], sizes = [1, 3], strides = [1, 1]} : vector<16x3xf32> to vector<1x3xf32>
    %squeeze3A_390 = vector.shape_cast %slice3A_389 : vector<1x3xf32> to vector<3xf32>
    %broadcast_in_dim3A_391 = vector.shape_cast %squeeze3A_390 : vector<3xf32> to vector<1x1x3xf32>
    %sub3A_392 = vector.broadcast %broadcast_in_dim3A_391 : vector<1x1x3xf32> to vector<256x16x3xf32>
    %sub3A_393 = arith.subf %sub3A_7, %sub3A_392 : vector<256x16x3xf32>
    %mul3A_394 = arith.mulf %sub3A_393, %sub3A_393 : vector<256x16x3xf32>
    %reduce_sum3A_395 = arith.constant dense<0.000000e+00> : vector<256x16xf32>
    %reduce_sum3A_396 = vector.multi_reduction <add>, %mul3A_394, %reduce_sum3A_395 [2] : vector<256x16x3xf32> to vector<256x16xf32>
    %add3A_397 = arith.constant 9.99999996E-13 : f32
    %add3A_398 = vector.broadcast %add3A_397 : f32 to vector<256x16xf32>
    %add3A_399 = arith.addf %reduce_sum3A_396, %add3A_398 : vector<256x16xf32>
    %sqrt3A_400 = math.sqrt %add3A_399 : vector<256x16xf32>
    %div3A_401 = arith.constant 1.200000e-01 : f32
    %div3A_402 = vector.broadcast %div3A_401 : f32 to vector<256x16xf32>
    %div3A_403 = arith.divf %sqrt3A_400, %div3A_402 : vector<256x16xf32>
    %sub3A_404 = arith.constant 1.000000e+00 : f32
    %sub3A_405 = vector.broadcast %sub3A_404 : f32 to vector<256x16xf32>
    %sub3A_406 = arith.subf %sub3A_405, %div3A_403 : vector<256x16xf32>
    %max3A_407 = arith.constant 0.000000e+00 : f32
    %max3A_408 = vector.broadcast %max3A_407 : f32 to vector<256x16xf32>
    %max3A_409 = arith.maximumf %sub3A_406, %max3A_408 : vector<256x16xf32>
    %broadcast_in_dim3A_410 = vector.shape_cast %max3A_409 : vector<256x16xf32> to vector<256x16x1xf32>
    %mul3A_411 = vector.broadcast %broadcast_in_dim3A_410 : vector<256x16x1xf32> to vector<256x16x5xf32>
    %mul3A_412 = arith.mulf %mul3A_411, %slice3A : vector<256x16x5xf32>
    %reduce_sum3A_413 = arith.constant dense<0.000000e+00> : vector<256x5xf32>
    %reduce_sum3A_414 = vector.multi_reduction <add>, %mul3A_412, %reduce_sum3A_413 [1] : vector<256x16x5xf32> to vector<256x5xf32>
    %get3A_415 = arith.constant 60 : index
    %get3A_416 = arith.constant 0 : index
    %get3A_417 = vector.load %arg4[%get3A_415, %get3A_416] : memref<80x64xf32, #tpu.memory_space<vmem>>, vector<5x64xf32>
    %dot_general3A_418 = arith.constant dense<0.000000e+00> : vector<256x64xf32>
    %dot_general3A_419 = tpu.matmul %reduce_sum3A_414, %get3A_417, %dot_general3A_418 {dimension_numbers = #tpu.dot_dimension_numbers<[1], [0], [0], [1], [0, 0, 1, 1], [], []>, transpose_lhs_hint = false} : vector<256x5xf32>, vector<5x64xf32>, vector<256x64xf32> -> vector<256x64xf32>
    %add3A_420 = arith.addf %add3A_388, %dot_general3A_419 : vector<256x64xf32>
    %slice3A_421 = vector.extract_strided_slice %get3A_10 {offsets = [13, 0], sizes = [1, 3], strides = [1, 1]} : vector<16x3xf32> to vector<1x3xf32>
    %squeeze3A_422 = vector.shape_cast %slice3A_421 : vector<1x3xf32> to vector<3xf32>
    %broadcast_in_dim3A_423 = vector.shape_cast %squeeze3A_422 : vector<3xf32> to vector<1x1x3xf32>
    %sub3A_424 = vector.broadcast %broadcast_in_dim3A_423 : vector<1x1x3xf32> to vector<256x16x3xf32>
    %sub3A_425 = arith.subf %sub3A_7, %sub3A_424 : vector<256x16x3xf32>
    %mul3A_426 = arith.mulf %sub3A_425, %sub3A_425 : vector<256x16x3xf32>
    %reduce_sum3A_427 = arith.constant dense<0.000000e+00> : vector<256x16xf32>
    %reduce_sum3A_428 = vector.multi_reduction <add>, %mul3A_426, %reduce_sum3A_427 [2] : vector<256x16x3xf32> to vector<256x16xf32>
    %add3A_429 = arith.constant 9.99999996E-13 : f32
    %add3A_430 = vector.broadcast %add3A_429 : f32 to vector<256x16xf32>
    %add3A_431 = arith.addf %reduce_sum3A_428, %add3A_430 : vector<256x16xf32>
    %sqrt3A_432 = math.sqrt %add3A_431 : vector<256x16xf32>
    %div3A_433 = arith.constant 1.200000e-01 : f32
    %div3A_434 = vector.broadcast %div3A_433 : f32 to vector<256x16xf32>
    %div3A_435 = arith.divf %sqrt3A_432, %div3A_434 : vector<256x16xf32>
    %sub3A_436 = arith.constant 1.000000e+00 : f32
    %sub3A_437 = vector.broadcast %sub3A_436 : f32 to vector<256x16xf32>
    %sub3A_438 = arith.subf %sub3A_437, %div3A_435 : vector<256x16xf32>
    %max3A_439 = arith.constant 0.000000e+00 : f32
    %max3A_440 = vector.broadcast %max3A_439 : f32 to vector<256x16xf32>
    %max3A_441 = arith.maximumf %sub3A_438, %max3A_440 : vector<256x16xf32>
    %broadcast_in_dim3A_442 = vector.shape_cast %max3A_441 : vector<256x16xf32> to vector<256x16x1xf32>
    %mul3A_443 = vector.broadcast %broadcast_in_dim3A_442 : vector<256x16x1xf32> to vector<256x16x5xf32>
    %mul3A_444 = arith.mulf %mul3A_443, %slice3A : vector<256x16x5xf32>
    %reduce_sum3A_445 = arith.constant dense<0.000000e+00> : vector<256x5xf32>
    %reduce_sum3A_446 = vector.multi_reduction <add>, %mul3A_444, %reduce_sum3A_445 [1] : vector<256x16x5xf32> to vector<256x5xf32>
    %get3A_447 = arith.constant 65 : index
    %get3A_448 = arith.constant 0 : index
    %get3A_449 = vector.load %arg4[%get3A_447, %get3A_448] : memref<80x64xf32, #tpu.memory_space<vmem>>, vector<5x64xf32>
    %dot_general3A_450 = arith.constant dense<0.000000e+00> : vector<256x64xf32>
    %dot_general3A_451 = tpu.matmul %reduce_sum3A_446, %get3A_449, %dot_general3A_450 {dimension_numbers = #tpu.dot_dimension_numbers<[1], [0], [0], [1], [0, 0, 1, 1], [], []>, transpose_lhs_hint = false} : vector<256x5xf32>, vector<5x64xf32>, vector<256x64xf32> -> vector<256x64xf32>
    %add3A_452 = arith.addf %add3A_420, %dot_general3A_451 : vector<256x64xf32>
    %slice3A_453 = vector.extract_strided_slice %get3A_10 {offsets = [14, 0], sizes = [1, 3], strides = [1, 1]} : vector<16x3xf32> to vector<1x3xf32>
    %squeeze3A_454 = vector.shape_cast %slice3A_453 : vector<1x3xf32> to vector<3xf32>
    %broadcast_in_dim3A_455 = vector.shape_cast %squeeze3A_454 : vector<3xf32> to vector<1x1x3xf32>
    %sub3A_456 = vector.broadcast %broadcast_in_dim3A_455 : vector<1x1x3xf32> to vector<256x16x3xf32>
    %sub3A_457 = arith.subf %sub3A_7, %sub3A_456 : vector<256x16x3xf32>
    %mul3A_458 = arith.mulf %sub3A_457, %sub3A_457 : vector<256x16x3xf32>
    %reduce_sum3A_459 = arith.constant dense<0.000000e+00> : vector<256x16xf32>
    %reduce_sum3A_460 = vector.multi_reduction <add>, %mul3A_458, %reduce_sum3A_459 [2] : vector<256x16x3xf32> to vector<256x16xf32>
    %add3A_461 = arith.constant 9.99999996E-13 : f32
    %add3A_462 = vector.broadcast %add3A_461 : f32 to vector<256x16xf32>
    %add3A_463 = arith.addf %reduce_sum3A_460, %add3A_462 : vector<256x16xf32>
    %sqrt3A_464 = math.sqrt %add3A_463 : vector<256x16xf32>
    %div3A_465 = arith.constant 1.200000e-01 : f32
    %div3A_466 = vector.broadcast %div3A_465 : f32 to vector<256x16xf32>
    %div3A_467 = arith.divf %sqrt3A_464, %div3A_466 : vector<256x16xf32>
    %sub3A_468 = arith.constant 1.000000e+00 : f32
    %sub3A_469 = vector.broadcast %sub3A_468 : f32 to vector<256x16xf32>
    %sub3A_470 = arith.subf %sub3A_469, %div3A_467 : vector<256x16xf32>
    %max3A_471 = arith.constant 0.000000e+00 : f32
    %max3A_472 = vector.broadcast %max3A_471 : f32 to vector<256x16xf32>
    %max3A_473 = arith.maximumf %sub3A_470, %max3A_472 : vector<256x16xf32>
    %broadcast_in_dim3A_474 = vector.shape_cast %max3A_473 : vector<256x16xf32> to vector<256x16x1xf32>
    %mul3A_475 = vector.broadcast %broadcast_in_dim3A_474 : vector<256x16x1xf32> to vector<256x16x5xf32>
    %mul3A_476 = arith.mulf %mul3A_475, %slice3A : vector<256x16x5xf32>
    %reduce_sum3A_477 = arith.constant dense<0.000000e+00> : vector<256x5xf32>
    %reduce_sum3A_478 = vector.multi_reduction <add>, %mul3A_476, %reduce_sum3A_477 [1] : vector<256x16x5xf32> to vector<256x5xf32>
    %get3A_479 = arith.constant 70 : index
    %get3A_480 = arith.constant 0 : index
    %get3A_481 = vector.load %arg4[%get3A_479, %get3A_480] : memref<80x64xf32, #tpu.memory_space<vmem>>, vector<5x64xf32>
    %dot_general3A_482 = arith.constant dense<0.000000e+00> : vector<256x64xf32>
    %dot_general3A_483 = tpu.matmul %reduce_sum3A_478, %get3A_481, %dot_general3A_482 {dimension_numbers = #tpu.dot_dimension_numbers<[1], [0], [0], [1], [0, 0, 1, 1], [], []>, transpose_lhs_hint = false} : vector<256x5xf32>, vector<5x64xf32>, vector<256x64xf32> -> vector<256x64xf32>
    %add3A_484 = arith.addf %add3A_452, %dot_general3A_483 : vector<256x64xf32>
    %slice3A_485 = vector.extract_strided_slice %get3A_10 {offsets = [15, 0], sizes = [1, 3], strides = [1, 1]} : vector<16x3xf32> to vector<1x3xf32>
    %squeeze3A_486 = vector.shape_cast %slice3A_485 : vector<1x3xf32> to vector<3xf32>
    %broadcast_in_dim3A_487 = vector.shape_cast %squeeze3A_486 : vector<3xf32> to vector<1x1x3xf32>
    %sub3A_488 = vector.broadcast %broadcast_in_dim3A_487 : vector<1x1x3xf32> to vector<256x16x3xf32>
    %sub3A_489 = arith.subf %sub3A_7, %sub3A_488 : vector<256x16x3xf32>
    %mul3A_490 = arith.mulf %sub3A_489, %sub3A_489 : vector<256x16x3xf32>
    %reduce_sum3A_491 = arith.constant dense<0.000000e+00> : vector<256x16xf32>
    %reduce_sum3A_492 = vector.multi_reduction <add>, %mul3A_490, %reduce_sum3A_491 [2] : vector<256x16x3xf32> to vector<256x16xf32>
    %add3A_493 = arith.constant 9.99999996E-13 : f32
    %add3A_494 = vector.broadcast %add3A_493 : f32 to vector<256x16xf32>
    %add3A_495 = arith.addf %reduce_sum3A_492, %add3A_494 : vector<256x16xf32>
    %sqrt3A_496 = math.sqrt %add3A_495 : vector<256x16xf32>
    %div3A_497 = arith.constant 1.200000e-01 : f32
    %div3A_498 = vector.broadcast %div3A_497 : f32 to vector<256x16xf32>
    %div3A_499 = arith.divf %sqrt3A_496, %div3A_498 : vector<256x16xf32>
    %sub3A_500 = arith.constant 1.000000e+00 : f32
    %sub3A_501 = vector.broadcast %sub3A_500 : f32 to vector<256x16xf32>
    %sub3A_502 = arith.subf %sub3A_501, %div3A_499 : vector<256x16xf32>
    %max3A_503 = arith.constant 0.000000e+00 : f32
    %max3A_504 = vector.broadcast %max3A_503 : f32 to vector<256x16xf32>
    %max3A_505 = arith.maximumf %sub3A_502, %max3A_504 : vector<256x16xf32>
    %broadcast_in_dim3A_506 = vector.shape_cast %max3A_505 : vector<256x16xf32> to vector<256x16x1xf32>
    %mul3A_507 = vector.broadcast %broadcast_in_dim3A_506 : vector<256x16x1xf32> to vector<256x16x5xf32>
    %mul3A_508 = arith.mulf %mul3A_507, %slice3A : vector<256x16x5xf32>
    %reduce_sum3A_509 = arith.constant dense<0.000000e+00> : vector<256x5xf32>
    %reduce_sum3A_510 = vector.multi_reduction <add>, %mul3A_508, %reduce_sum3A_509 [1] : vector<256x16x5xf32> to vector<256x5xf32>
    %get3A_511 = arith.constant 75 : index
    %get3A_512 = arith.constant 0 : index
    %get3A_513 = vector.load %arg4[%get3A_511, %get3A_512] : memref<80x64xf32, #tpu.memory_space<vmem>>, vector<5x64xf32>
    %dot_general3A_514 = arith.constant dense<0.000000e+00> : vector<256x64xf32>
    %dot_general3A_515 = tpu.matmul %reduce_sum3A_510, %get3A_513, %dot_general3A_514 {dimension_numbers = #tpu.dot_dimension_numbers<[1], [0], [0], [1], [0, 0, 1, 1], [], []>, transpose_lhs_hint = false} : vector<256x5xf32>, vector<5x64xf32>, vector<256x64xf32> -> vector<256x64xf32>
    %add3A_516 = arith.addf %add3A_484, %dot_general3A_515 : vector<256x64xf32>
    %swap3A = arith.constant 0 : index
    %swap3A_517 = arith.constant 0 : index
    %swap3A_518 = vector.load %arg5[%swap3A, %swap3A_517] : memref<256x64xf32, #tpu.memory_space<vmem>>, vector<256x64xf32>
    tpu.vector_store %arg5[%swap3A, %swap3A_517], %add3A_516 {strides = array<i32>} : memref<256x64xf32, #tpu.memory_space<vmem>>, vector<256x64xf32>,
    %mul3A_519 = arith.constant 256 : i32
    %mul3A_520 = arith.muli %arg0, %mul3A_519 : i32
    %iota3A = tpu.iota {dimensions = array<i32: 0>} : vector<256x1xi32>
    %add3A_521 = vector.broadcast %mul3A_520 : i32 to vector<256x1xi32>
    %add3A_522 = arith.addi %add3A_521, %iota3A : vector<256x1xi32>
    %lt3A = arith.constant 50000 : i32
    %lt3A_523 = vector.broadcast %lt3A : i32 to vector<256x1xi32>
    %lt3A_524 = arith.cmpi slt, %add3A_522, %lt3A_523 : vector<256x1xi32>
    %jit3A = arith.constant 1.000000e+00 : f32
    %jit3A_525 = arith.constant 0.000000e+00 : f32
    %broadcast_in_dim3A_526 = vector.broadcast %jit3A : f32 to vector<256x1xf32>
    %broadcast_in_dim3A_527 = vector.broadcast %jit3A_525 : f32 to vector<256x1xf32>
    %select_n3A = arith.select %lt3A_524, %broadcast_in_dim3A_526, %broadcast_in_dim3A_527 : vector<256x1xi1>, vector<256x1xf32>
    %mul3A_528 = vector.broadcast %select_n3A : vector<256x1xf32> to vector<256x64xf32>
    %mul3A_529 = arith.mulf %add3A_516, %mul3A_528 : vector<256x64xf32>
    %reduce_sum3A_530 = arith.constant dense<0.000000e+00> : vector<64xf32>
    %reduce_sum3A_531 = vector.multi_reduction <add>, %mul3A_529, %reduce_sum3A_530 [0] : vector<256x64xf32> to vector<64xf32>
    %broadcast_in_dim3A_532 = vector.shape_cast %reduce_sum3A_531 : vector<64xf32> to vector<1x64xf32>
    %mul3A_533 = arith.mulf %mul3A_529, %mul3A_529 : vector<256x64xf32>
    %reduce_sum3A_534 = arith.constant dense<0.000000e+00> : vector<64xf32>
    %reduce_sum3A_535 = vector.multi_reduction <add>, %mul3A_533, %reduce_sum3A_534 [0] : vector<256x64xf32> to vector<64xf32>
    %broadcast_in_dim3A_536 = vector.shape_cast %reduce_sum3A_535 : vector<64xf32> to vector<1x64xf32>
    %eq3A = arith.constant 0 : i32
    %eq3A_537 = arith.cmpi eq, %arg0, %eq3A : i32
    %convert_element_type3A = arith.extui %eq3A_537 : i1 to i32
    %cond3A = arith.constant 0 : i32
    %cond3A_538 = arith.cmpi ne, %convert_element_type3A, %cond3A : i32
    scf.if %cond3A_538 {
      %swap3A_543 = arith.constant 0 : index
      %swap3A_544 = arith.constant 0 : index
      %swap3A_545 = vector.load %arg6[%swap3A_543, %swap3A_544] : memref<1x64xf32, #tpu.memory_space<vmem>>, vector<1x64xf32>
      tpu.vector_store %arg6[%swap3A_543, %swap3A_544], %broadcast_in_dim3A_532 {strides = array<i32>} : memref<1x64xf32, #tpu.memory_space<vmem>>, vector<1x64xf32>,
      %swap3A_546 = arith.constant 0 : index
      %swap3A_547 = arith.constant 0 : index
      %swap3A_548 = vector.load %arg7[%swap3A_546, %swap3A_547] : memref<1x64xf32, #tpu.memory_space<vmem>>, vector<1x64xf32>
      tpu.vector_store %arg7[%swap3A_546, %swap3A_547], %broadcast_in_dim3A_536 {strides = array<i32>} : memref<1x64xf32, #tpu.memory_space<vmem>>, vector<1x64xf32>,
    } else {
    }
    %gt3A = arith.constant 0 : i32
    %gt3A_539 = arith.cmpi sgt, %arg0, %gt3A : i32
    %convert_element_type3A_540 = arith.extui %gt3A_539 : i1 to i32
    %cond3A_541 = arith.constant 0 : i32
    %cond3A_542 = arith.cmpi ne, %convert_element_type3A_540, %cond3A_541 : i32
    scf.if %cond3A_542 {
      %get3A_543 = arith.constant 0 : index
      %get3A_544 = arith.constant 0 : index
      %get3A_545 = vector.load %arg6[%get3A_543, %get3A_544] : memref<1x64xf32, #tpu.memory_space<vmem>>, vector<1x64xf32>
      %add3A_546 = arith.addf %get3A_545, %broadcast_in_dim3A_532 : vector<1x64xf32>
      %swap3A_547 = arith.constant 0 : index
      %swap3A_548 = arith.constant 0 : index
      %swap3A_549 = vector.load %arg6[%swap3A_547, %swap3A_548] : memref<1x64xf32, #tpu.memory_space<vmem>>, vector<1x64xf32>
      tpu.vector_store %arg6[%swap3A_547, %swap3A_548], %add3A_546 {strides = array<i32>} : memref<1x64xf32, #tpu.memory_space<vmem>>, vector<1x64xf32>,
      %get3A_550 = arith.constant 0 : index
      %get3A_551 = arith.constant 0 : index
      %get3A_552 = vector.load %arg7[%get3A_550, %get3A_551] : memref<1x64xf32, #tpu.memory_space<vmem>>, vector<1x64xf32>
      %add3A_553 = arith.addf %get3A_552, %broadcast_in_dim3A_536 : vector<1x64xf32>
      %swap3A_554 = arith.constant 0 : index
      %swap3A_555 = arith.constant 0 : index
      %swap3A_556 = vector.load %arg7[%swap3A_554, %swap3A_555] : memref<1x64xf32, #tpu.memory_space<vmem>>, vector<1x64xf32>
      tpu.vector_store %arg7[%swap3A_554, %swap3A_555], %add3A_553 {strides = array<i32>} : memref<1x64xf32, #tpu.memory_space<vmem>>, vector<1x64xf32>,
    } else {
    }
    return
  }
  func.func @transform_0(%arg0: i32) -> (i32, i32, i32) {
    %c0_i32 = arith.constant 0 : i32
    %c0_i32_0 = arith.constant 0 : i32
    %c0_i32_1 = arith.constant 0 : i32
    return %arg0, %c0_i32, %c0_i32_0 : i32, i32, i32
  }
  func.func @transform_1(%arg0: i32) -> (i32, i32) {
    %c0_i32 = arith.constant 0 : i32
    %c0_i32_0 = arith.constant 0 : i32
    return %arg0, %c0_i32 : i32, i32
  }
  func.func @transform_2(%arg0: i32) -> (i32, i32) {
    %c0_i32 = arith.constant 0 : i32
    %c0_i32_0 = arith.constant 0 : i32
    %c0_i32_1 = arith.constant 0 : i32
    return %c0_i32, %c0_i32_0 : i32, i32
  }
  func.func @transform_3(%arg0: i32) -> (i32, i32) {
    %c0_i32 = arith.constant 0 : i32
    %c0_i32_0 = arith.constant 0 : i32
    %c0_i32_1 = arith.constant 0 : i32
    return %c0_i32, %c0_i32_0 : i32, i32
  }
  func.func @transform_4(%arg0: i32) -> (i32, i32) {
    %c0_i32 = arith.constant 0 : i32
    %c0_i32_0 = arith.constant 0 : i32
    return %arg0, %c0_i32 : i32, i32
  }
  func.func @transform_5(%arg0: i32) -> (i32, i32) {
    %c0_i32 = arith.constant 0 : i32
    %c0_i32_0 = arith.constant 0 : i32
    %c0_i32_1 = arith.constant 0 : i32
    return %c0_i32, %c0_i32_0 : i32, i32
  }
  func.func @transform_6(%arg0: i32) -> (i32, i32) {
    %c0_i32 = arith.constant 0 : i32
    %c0_i32_0 = arith.constant 0 : i32
    %c0_i32_1 = arith.constant 0 : i32
    return %c0_i32, %c0_i32_0 : i32, i32
  }
}

module attributes {stable_mosaic.version = 14 : i64} {
  func.func @body(%arg0: i32, %arg1: memref<2048x64xf32, #tpu.memory_space<vmem>>, %arg2: memref<1x64xf32, #tpu.memory_space<vmem>>, %arg3: memref<1x64xf32, #tpu.memory_space<vmem>>, %arg4: memref<1x64xf32, #tpu.memory_space<vmem>>, %arg5: memref<1x64xf32, #tpu.memory_space<vmem>>, %arg6: memref<2048x3xf32, #tpu.memory_space<vmem>>, %arg7: memref<2048x72xf32, #tpu.memory_space<vmem>>) attributes {dimension_semantics = [#tpu.dimension_semantics<arbitrary>], iteration_bounds = array<i64: 25>, scalar_prefetch = 0 : i64, scratch_operands = 0 : i64, tpu.core_type = #tpu.core_type<tc>, window_params = [{transform_indices = @transform_0, window_bounds = array<i64: 2048, 64>}, {pipeline_mode = #tpu.pipeline_mode<synchronous>, transform_indices = @transform_1, window_bounds = array<i64: 1, 64>}, {pipeline_mode = #tpu.pipeline_mode<synchronous>, transform_indices = @transform_2, window_bounds = array<i64: 1, 64>}, {pipeline_mode = #tpu.pipeline_mode<synchronous>, transform_indices = @transform_3, window_bounds = array<i64: 1, 64>}, {pipeline_mode = #tpu.pipeline_mode<synchronous>, transform_indices = @transform_4, window_bounds = array<i64: 1, 64>}, {transform_indices = @transform_5, window_bounds = array<i64: 2048, 3>}, {transform_indices = @transform_6, window_bounds = array<i64: 2048, 72>}]} {
    %get3A = arith.constant 0 : index
    %get3A_0 = arith.constant 0 : index
    %get3A_1 = vector.load %arg2[%get3A, %get3A_0] : memref<1x64xf32, #tpu.memory_space<vmem>>, vector<1x64xf32>
    %div3A = arith.constant 5.000000e+04 : f32
    %div3A_2 = vector.broadcast %div3A : f32 to vector<1x64xf32>
    %div3A_3 = arith.divf %get3A_1, %div3A_2 : vector<1x64xf32>
    %get3A_4 = arith.constant 0 : index
    %get3A_5 = arith.constant 0 : index
    %get3A_6 = vector.load %arg3[%get3A_4, %get3A_5] : memref<1x64xf32, #tpu.memory_space<vmem>>, vector<1x64xf32>
    %div3A_7 = arith.constant 5.000000e+04 : f32
    %div3A_8 = vector.broadcast %div3A_7 : f32 to vector<1x64xf32>
    %div3A_9 = arith.divf %get3A_6, %div3A_8 : vector<1x64xf32>
    %mul3A = arith.mulf %div3A_3, %div3A_3 : vector<1x64xf32>
    %sub3A = arith.subf %div3A_9, %mul3A : vector<1x64xf32>
    %add3A = arith.constant 9.99999974E-6 : f32
    %add3A_10 = vector.broadcast %add3A : f32 to vector<1x64xf32>
    %add3A_11 = arith.addf %sub3A, %add3A_10 : vector<1x64xf32>
    %rsqrt3A = math.rsqrt %add3A_11 : vector<1x64xf32>
    %get3A_12 = arith.constant 0 : index
    %get3A_13 = arith.constant 0 : index
    %get3A_14 = vector.load %arg4[%get3A_12, %get3A_13] : memref<1x64xf32, #tpu.memory_space<vmem>>, vector<1x64xf32>
    %mul3A_15 = arith.mulf %rsqrt3A, %get3A_14 : vector<1x64xf32>
    %get3A_16 = arith.constant 0 : index
    %get3A_17 = arith.constant 0 : index
    %get3A_18 = vector.load %arg1[%get3A_16, %get3A_17] : memref<2048x64xf32, #tpu.memory_space<vmem>>, vector<2048x64xf32>
    %sub3A_19 = vector.broadcast %div3A_3 : vector<1x64xf32> to vector<2048x64xf32>
    %sub3A_20 = arith.subf %get3A_18, %sub3A_19 : vector<2048x64xf32>
    %mul3A_21 = vector.broadcast %mul3A_15 : vector<1x64xf32> to vector<2048x64xf32>
    %mul3A_22 = arith.mulf %sub3A_20, %mul3A_21 : vector<2048x64xf32>
    %get3A_23 = arith.constant 0 : index
    %get3A_24 = arith.constant 0 : index
    %get3A_25 = vector.load %arg5[%get3A_23, %get3A_24] : memref<1x64xf32, #tpu.memory_space<vmem>>, vector<1x64xf32>
    %add3A_26 = vector.broadcast %get3A_25 : vector<1x64xf32> to vector<2048x64xf32>
    %add3A_27 = arith.addf %mul3A_22, %add3A_26 : vector<2048x64xf32>
    %ge3A = arith.constant 0.000000e+00 : f32
    %ge3A_28 = vector.broadcast %ge3A : f32 to vector<2048x64xf32>
    %ge3A_29 = arith.cmpf oge, %add3A_27, %ge3A_28 : vector<2048x64xf32>
    %mul3A_30 = arith.constant 1.000000e-01 : f32
    %mul3A_31 = vector.broadcast %mul3A_30 : f32 to vector<2048x64xf32>
    %mul3A_32 = arith.mulf %mul3A_31, %add3A_27 : vector<2048x64xf32>
    %select_n3A = arith.select %ge3A_29, %add3A_27, %mul3A_32 : vector<2048x64xi1>, vector<2048x64xf32>
    %broadcast_in_dim3A = arith.constant 0.000000e+00 : f32
    %broadcast_in_dim3A_33 = vector.broadcast %broadcast_in_dim3A : f32 to vector<2048x5xf32>
    %get3A_34 = arith.constant 0 : index
    %get3A_35 = arith.constant 0 : index
    %get3A_36 = vector.load %arg6[%get3A_34, %get3A_35] : memref<2048x3xf32, #tpu.memory_space<vmem>>, vector<2048x3xf32>
    %concatenate3A = tpu.concatenate %select_n3A, %get3A_36, %broadcast_in_dim3A_33 in 1 : vector<2048x64xf32>, vector<2048x3xf32>, vector<2048x5xf32> -> vector<2048x72xf32>
    %swap3A = arith.constant 0 : index
    %swap3A_37 = arith.constant 0 : index
    %swap3A_38 = vector.load %arg7[%swap3A, %swap3A_37] : memref<2048x72xf32, #tpu.memory_space<vmem>>, vector<2048x72xf32>
    tpu.vector_store %arg7[%swap3A, %swap3A_37], %concatenate3A {strides = array<i32>} : memref<2048x72xf32, #tpu.memory_space<vmem>>, vector<2048x72xf32>,
    return
  }
  func.func @transform_0(%arg0: i32) -> (i32, i32) {
    %c0_i32 = arith.constant 0 : i32
    %c0_i32_0 = arith.constant 0 : i32
    return %arg0, %c0_i32 : i32, i32
  }
  func.func @transform_1(%arg0: i32) -> (i32, i32) {
    %c0_i32 = arith.constant 0 : i32
    %c0_i32_0 = arith.constant 0 : i32
    %c0_i32_1 = arith.constant 0 : i32
    return %c0_i32, %c0_i32_0 : i32, i32
  }
  func.func @transform_2(%arg0: i32) -> (i32, i32) {
    %c0_i32 = arith.constant 0 : i32
    %c0_i32_0 = arith.constant 0 : i32
    %c0_i32_1 = arith.constant 0 : i32
    return %c0_i32, %c0_i32_0 : i32, i32
  }
  func.func @transform_3(%arg0: i32) -> (i32, i32) {
    %c0_i32 = arith.constant 0 : i32
    %c0_i32_0 = arith.constant 0 : i32
    %c0_i32_1 = arith.constant 0 : i32
    return %c0_i32, %c0_i32_0 : i32, i32
  }
  func.func @transform_4(%arg0: i32) -> (i32, i32) {
    %c0_i32 = arith.constant 0 : i32
    %c0_i32_0 = arith.constant 0 : i32
    %c0_i32_1 = arith.constant 0 : i32
    return %c0_i32, %c0_i32_0 : i32, i32
  }
  func.func @transform_5(%arg0: i32) -> (i32, i32) {
    %c0_i32 = arith.constant 0 : i32
    %c0_i32_0 = arith.constant 0 : i32
    return %arg0, %c0_i32 : i32, i32
  }
  func.func @transform_6(%arg0: i32) -> (i32, i32) {
    %c0_i32 = arith.constant 0 : i32
    %c0_i32_0 = arith.constant 0 : i32
    return %arg0, %c0_i32 : i32, i32
  }
}

module attributes {stable_mosaic.version = 14 : i64} {
  func.func @body(%arg0: i32, %arg1: memref<256x16x72xf32, #tpu.memory_space<vmem>>, %arg2: memref<256x3xf32, #tpu.memory_space<vmem>>, %arg3: memref<16x3xf32, #tpu.memory_space<vmem>>, %arg4: memref<1024x128xf32, #tpu.memory_space<vmem>>, %arg5: memref<256x128xf32, #tpu.memory_space<vmem>>, %arg6: memref<1x128xf32, #tpu.memory_space<vmem>>, %arg7: memref<1x128xf32, #tpu.memory_space<vmem>>) attributes {dimension_semantics = [#tpu.dimension_semantics<arbitrary>], iteration_bounds = array<i64: 50>, scalar_prefetch = 0 : i64, scratch_operands = 0 : i64, tpu.core_type = #tpu.core_type<tc>, window_params = [{transform_indices = @transform_0, window_bounds = array<i64: 256, 16, 72>}, {transform_indices = @transform_1, window_bounds = array<i64: 256, 3>}, {pipeline_mode = #tpu.pipeline_mode<synchronous>, transform_indices = @transform_2, window_bounds = array<i64: 16, 3>}, {pipeline_mode = #tpu.pipeline_mode<synchronous>, transform_indices = @transform_3, window_bounds = array<i64: 1024, 128>}, {transform_indices = @transform_4, window_bounds = array<i64: 256, 128>}, {pipeline_mode = #tpu.pipeline_mode<synchronous>, transform_indices = @transform_5, window_bounds = array<i64: 1, 128>}, {pipeline_mode = #tpu.pipeline_mode<synchronous>, transform_indices = @transform_6, window_bounds = array<i64: 1, 128>}]} {
    %get3A = arith.constant 0 : index
    %get3A_0 = arith.constant 0 : index
    %get3A_1 = arith.constant 0 : index
    %get3A_2 = vector.load %arg1[%get3A, %get3A_0, %get3A_1] : memref<256x16x72xf32, #tpu.memory_space<vmem>>, vector<256x16x72xf32>
    %slice3A = vector.extract_strided_slice %get3A_2 {offsets = [0, 0, 0], sizes = [256, 16, 64], strides = [1, 1, 1]} : vector<256x16x72xf32> to vector<256x16x64xf32>
    %slice3A_3 = vector.extract_strided_slice %get3A_2 {offsets = [0, 0, 64], sizes = [256, 16, 3], strides = [1, 1, 1]} : vector<256x16x72xf32> to vector<256x16x3xf32>
    %get3A_4 = arith.constant 0 : index
    %get3A_5 = arith.constant 0 : index
    %get3A_6 = vector.load %arg2[%get3A_4, %get3A_5] : memref<256x3xf32, #tpu.memory_space<vmem>>, vector<256x3xf32>
    %broadcast_in_dim3A = vector.shape_cast %get3A_6 : vector<256x3xf32> to vector<256x1x3xf32>
    %sub3A = vector.broadcast %broadcast_in_dim3A : vector<256x1x3xf32> to vector<256x16x3xf32>
    %sub3A_7 = arith.subf %slice3A_3, %sub3A : vector<256x16x3xf32>
    %get3A_8 = arith.constant 0 : index
    %get3A_9 = arith.constant 0 : index
    %get3A_10 = vector.load %arg3[%get3A_8, %get3A_9] : memref<16x3xf32, #tpu.memory_space<vmem>>, vector<16x3xf32>
    %broadcast_in_dim3A_11 = arith.constant 0.000000e+00 : f32
    %broadcast_in_dim3A_12 = vector.broadcast %broadcast_in_dim3A_11 : f32 to vector<256x128xf32>
    %slice3A_13 = vector.extract_strided_slice %get3A_10 {offsets = [0, 0], sizes = [1, 3], strides = [1, 1]} : vector<16x3xf32> to vector<1x3xf32>
    %squeeze3A = vector.shape_cast %slice3A_13 : vector<1x3xf32> to vector<3xf32>
    %broadcast_in_dim3A_14 = vector.shape_cast %squeeze3A : vector<3xf32> to vector<1x1x3xf32>
    %sub3A_15 = vector.broadcast %broadcast_in_dim3A_14 : vector<1x1x3xf32> to vector<256x16x3xf32>
    %sub3A_16 = arith.subf %sub3A_7, %sub3A_15 : vector<256x16x3xf32>
    %mul3A = arith.mulf %sub3A_16, %sub3A_16 : vector<256x16x3xf32>
    %reduce_sum3A = arith.constant dense<0.000000e+00> : vector<256x16xf32>
    %reduce_sum3A_17 = vector.multi_reduction <add>, %mul3A, %reduce_sum3A [2] : vector<256x16x3xf32> to vector<256x16xf32>
    %add3A = arith.constant 9.99999996E-13 : f32
    %add3A_18 = vector.broadcast %add3A : f32 to vector<256x16xf32>
    %add3A_19 = arith.addf %reduce_sum3A_17, %add3A_18 : vector<256x16xf32>
    %sqrt3A = math.sqrt %add3A_19 : vector<256x16xf32>
    %div3A = arith.constant 1.200000e-01 : f32
    %div3A_20 = vector.broadcast %div3A : f32 to vector<256x16xf32>
    %div3A_21 = arith.divf %sqrt3A, %div3A_20 : vector<256x16xf32>
    %sub3A_22 = arith.constant 1.000000e+00 : f32
    %sub3A_23 = vector.broadcast %sub3A_22 : f32 to vector<256x16xf32>
    %sub3A_24 = arith.subf %sub3A_23, %div3A_21 : vector<256x16xf32>
    %max3A = arith.constant 0.000000e+00 : f32
    %max3A_25 = vector.broadcast %max3A : f32 to vector<256x16xf32>
    %max3A_26 = arith.maximumf %sub3A_24, %max3A_25 : vector<256x16xf32>
    %broadcast_in_dim3A_27 = vector.shape_cast %max3A_26 : vector<256x16xf32> to vector<256x16x1xf32>
    %mul3A_28 = vector.broadcast %broadcast_in_dim3A_27 : vector<256x16x1xf32> to vector<256x16x64xf32>
    %mul3A_29 = arith.mulf %mul3A_28, %slice3A : vector<256x16x64xf32>
    %reduce_sum3A_30 = arith.constant dense<0.000000e+00> : vector<256x64xf32>
    %reduce_sum3A_31 = vector.multi_reduction <add>, %mul3A_29, %reduce_sum3A_30 [1] : vector<256x16x64xf32> to vector<256x64xf32>
    %get3A_32 = arith.constant 0 : index
    %get3A_33 = arith.constant 0 : index
    %get3A_34 = vector.load %arg4[%get3A_32, %get3A_33] : memref<1024x128xf32, #tpu.memory_space<vmem>>, vector<64x128xf32>
    %dot_general3A = arith.constant dense<0.000000e+00> : vector<256x128xf32>
    %dot_general3A_35 = tpu.matmul %reduce_sum3A_31, %get3A_34, %dot_general3A {dimension_numbers = #tpu.dot_dimension_numbers<[1], [0], [0], [1], [0, 0, 1, 1], [], []>, transpose_lhs_hint = false} : vector<256x64xf32>, vector<64x128xf32>, vector<256x128xf32> -> vector<256x128xf32>
    %add3A_36 = arith.addf %broadcast_in_dim3A_12, %dot_general3A_35 : vector<256x128xf32>
    %slice3A_37 = vector.extract_strided_slice %get3A_10 {offsets = [1, 0], sizes = [1, 3], strides = [1, 1]} : vector<16x3xf32> to vector<1x3xf32>
    %squeeze3A_38 = vector.shape_cast %slice3A_37 : vector<1x3xf32> to vector<3xf32>
    %broadcast_in_dim3A_39 = vector.shape_cast %squeeze3A_38 : vector<3xf32> to vector<1x1x3xf32>
    %sub3A_40 = vector.broadcast %broadcast_in_dim3A_39 : vector<1x1x3xf32> to vector<256x16x3xf32>
    %sub3A_41 = arith.subf %sub3A_7, %sub3A_40 : vector<256x16x3xf32>
    %mul3A_42 = arith.mulf %sub3A_41, %sub3A_41 : vector<256x16x3xf32>
    %reduce_sum3A_43 = arith.constant dense<0.000000e+00> : vector<256x16xf32>
    %reduce_sum3A_44 = vector.multi_reduction <add>, %mul3A_42, %reduce_sum3A_43 [2] : vector<256x16x3xf32> to vector<256x16xf32>
    %add3A_45 = arith.constant 9.99999996E-13 : f32
    %add3A_46 = vector.broadcast %add3A_45 : f32 to vector<256x16xf32>
    %add3A_47 = arith.addf %reduce_sum3A_44, %add3A_46 : vector<256x16xf32>
    %sqrt3A_48 = math.sqrt %add3A_47 : vector<256x16xf32>
    %div3A_49 = arith.constant 1.200000e-01 : f32
    %div3A_50 = vector.broadcast %div3A_49 : f32 to vector<256x16xf32>
    %div3A_51 = arith.divf %sqrt3A_48, %div3A_50 : vector<256x16xf32>
    %sub3A_52 = arith.constant 1.000000e+00 : f32
    %sub3A_53 = vector.broadcast %sub3A_52 : f32 to vector<256x16xf32>
    %sub3A_54 = arith.subf %sub3A_53, %div3A_51 : vector<256x16xf32>
    %max3A_55 = arith.constant 0.000000e+00 : f32
    %max3A_56 = vector.broadcast %max3A_55 : f32 to vector<256x16xf32>
    %max3A_57 = arith.maximumf %sub3A_54, %max3A_56 : vector<256x16xf32>
    %broadcast_in_dim3A_58 = vector.shape_cast %max3A_57 : vector<256x16xf32> to vector<256x16x1xf32>
    %mul3A_59 = vector.broadcast %broadcast_in_dim3A_58 : vector<256x16x1xf32> to vector<256x16x64xf32>
    %mul3A_60 = arith.mulf %mul3A_59, %slice3A : vector<256x16x64xf32>
    %reduce_sum3A_61 = arith.constant dense<0.000000e+00> : vector<256x64xf32>
    %reduce_sum3A_62 = vector.multi_reduction <add>, %mul3A_60, %reduce_sum3A_61 [1] : vector<256x16x64xf32> to vector<256x64xf32>
    %get3A_63 = arith.constant 64 : index
    %get3A_64 = arith.constant 0 : index
    %get3A_65 = vector.load %arg4[%get3A_63, %get3A_64] : memref<1024x128xf32, #tpu.memory_space<vmem>>, vector<64x128xf32>
    %dot_general3A_66 = arith.constant dense<0.000000e+00> : vector<256x128xf32>
    %dot_general3A_67 = tpu.matmul %reduce_sum3A_62, %get3A_65, %dot_general3A_66 {dimension_numbers = #tpu.dot_dimension_numbers<[1], [0], [0], [1], [0, 0, 1, 1], [], []>, transpose_lhs_hint = false} : vector<256x64xf32>, vector<64x128xf32>, vector<256x128xf32> -> vector<256x128xf32>
    %add3A_68 = arith.addf %add3A_36, %dot_general3A_67 : vector<256x128xf32>
    %slice3A_69 = vector.extract_strided_slice %get3A_10 {offsets = [2, 0], sizes = [1, 3], strides = [1, 1]} : vector<16x3xf32> to vector<1x3xf32>
    %squeeze3A_70 = vector.shape_cast %slice3A_69 : vector<1x3xf32> to vector<3xf32>
    %broadcast_in_dim3A_71 = vector.shape_cast %squeeze3A_70 : vector<3xf32> to vector<1x1x3xf32>
    %sub3A_72 = vector.broadcast %broadcast_in_dim3A_71 : vector<1x1x3xf32> to vector<256x16x3xf32>
    %sub3A_73 = arith.subf %sub3A_7, %sub3A_72 : vector<256x16x3xf32>
    %mul3A_74 = arith.mulf %sub3A_73, %sub3A_73 : vector<256x16x3xf32>
    %reduce_sum3A_75 = arith.constant dense<0.000000e+00> : vector<256x16xf32>
    %reduce_sum3A_76 = vector.multi_reduction <add>, %mul3A_74, %reduce_sum3A_75 [2] : vector<256x16x3xf32> to vector<256x16xf32>
    %add3A_77 = arith.constant 9.99999996E-13 : f32
    %add3A_78 = vector.broadcast %add3A_77 : f32 to vector<256x16xf32>
    %add3A_79 = arith.addf %reduce_sum3A_76, %add3A_78 : vector<256x16xf32>
    %sqrt3A_80 = math.sqrt %add3A_79 : vector<256x16xf32>
    %div3A_81 = arith.constant 1.200000e-01 : f32
    %div3A_82 = vector.broadcast %div3A_81 : f32 to vector<256x16xf32>
    %div3A_83 = arith.divf %sqrt3A_80, %div3A_82 : vector<256x16xf32>
    %sub3A_84 = arith.constant 1.000000e+00 : f32
    %sub3A_85 = vector.broadcast %sub3A_84 : f32 to vector<256x16xf32>
    %sub3A_86 = arith.subf %sub3A_85, %div3A_83 : vector<256x16xf32>
    %max3A_87 = arith.constant 0.000000e+00 : f32
    %max3A_88 = vector.broadcast %max3A_87 : f32 to vector<256x16xf32>
    %max3A_89 = arith.maximumf %sub3A_86, %max3A_88 : vector<256x16xf32>
    %broadcast_in_dim3A_90 = vector.shape_cast %max3A_89 : vector<256x16xf32> to vector<256x16x1xf32>
    %mul3A_91 = vector.broadcast %broadcast_in_dim3A_90 : vector<256x16x1xf32> to vector<256x16x64xf32>
    %mul3A_92 = arith.mulf %mul3A_91, %slice3A : vector<256x16x64xf32>
    %reduce_sum3A_93 = arith.constant dense<0.000000e+00> : vector<256x64xf32>
    %reduce_sum3A_94 = vector.multi_reduction <add>, %mul3A_92, %reduce_sum3A_93 [1] : vector<256x16x64xf32> to vector<256x64xf32>
    %get3A_95 = arith.constant 128 : index
    %get3A_96 = arith.constant 0 : index
    %get3A_97 = vector.load %arg4[%get3A_95, %get3A_96] : memref<1024x128xf32, #tpu.memory_space<vmem>>, vector<64x128xf32>
    %dot_general3A_98 = arith.constant dense<0.000000e+00> : vector<256x128xf32>
    %dot_general3A_99 = tpu.matmul %reduce_sum3A_94, %get3A_97, %dot_general3A_98 {dimension_numbers = #tpu.dot_dimension_numbers<[1], [0], [0], [1], [0, 0, 1, 1], [], []>, transpose_lhs_hint = false} : vector<256x64xf32>, vector<64x128xf32>, vector<256x128xf32> -> vector<256x128xf32>
    %add3A_100 = arith.addf %add3A_68, %dot_general3A_99 : vector<256x128xf32>
    %slice3A_101 = vector.extract_strided_slice %get3A_10 {offsets = [3, 0], sizes = [1, 3], strides = [1, 1]} : vector<16x3xf32> to vector<1x3xf32>
    %squeeze3A_102 = vector.shape_cast %slice3A_101 : vector<1x3xf32> to vector<3xf32>
    %broadcast_in_dim3A_103 = vector.shape_cast %squeeze3A_102 : vector<3xf32> to vector<1x1x3xf32>
    %sub3A_104 = vector.broadcast %broadcast_in_dim3A_103 : vector<1x1x3xf32> to vector<256x16x3xf32>
    %sub3A_105 = arith.subf %sub3A_7, %sub3A_104 : vector<256x16x3xf32>
    %mul3A_106 = arith.mulf %sub3A_105, %sub3A_105 : vector<256x16x3xf32>
    %reduce_sum3A_107 = arith.constant dense<0.000000e+00> : vector<256x16xf32>
    %reduce_sum3A_108 = vector.multi_reduction <add>, %mul3A_106, %reduce_sum3A_107 [2] : vector<256x16x3xf32> to vector<256x16xf32>
    %add3A_109 = arith.constant 9.99999996E-13 : f32
    %add3A_110 = vector.broadcast %add3A_109 : f32 to vector<256x16xf32>
    %add3A_111 = arith.addf %reduce_sum3A_108, %add3A_110 : vector<256x16xf32>
    %sqrt3A_112 = math.sqrt %add3A_111 : vector<256x16xf32>
    %div3A_113 = arith.constant 1.200000e-01 : f32
    %div3A_114 = vector.broadcast %div3A_113 : f32 to vector<256x16xf32>
    %div3A_115 = arith.divf %sqrt3A_112, %div3A_114 : vector<256x16xf32>
    %sub3A_116 = arith.constant 1.000000e+00 : f32
    %sub3A_117 = vector.broadcast %sub3A_116 : f32 to vector<256x16xf32>
    %sub3A_118 = arith.subf %sub3A_117, %div3A_115 : vector<256x16xf32>
    %max3A_119 = arith.constant 0.000000e+00 : f32
    %max3A_120 = vector.broadcast %max3A_119 : f32 to vector<256x16xf32>
    %max3A_121 = arith.maximumf %sub3A_118, %max3A_120 : vector<256x16xf32>
    %broadcast_in_dim3A_122 = vector.shape_cast %max3A_121 : vector<256x16xf32> to vector<256x16x1xf32>
    %mul3A_123 = vector.broadcast %broadcast_in_dim3A_122 : vector<256x16x1xf32> to vector<256x16x64xf32>
    %mul3A_124 = arith.mulf %mul3A_123, %slice3A : vector<256x16x64xf32>
    %reduce_sum3A_125 = arith.constant dense<0.000000e+00> : vector<256x64xf32>
    %reduce_sum3A_126 = vector.multi_reduction <add>, %mul3A_124, %reduce_sum3A_125 [1] : vector<256x16x64xf32> to vector<256x64xf32>
    %get3A_127 = arith.constant 192 : index
    %get3A_128 = arith.constant 0 : index
    %get3A_129 = vector.load %arg4[%get3A_127, %get3A_128] : memref<1024x128xf32, #tpu.memory_space<vmem>>, vector<64x128xf32>
    %dot_general3A_130 = arith.constant dense<0.000000e+00> : vector<256x128xf32>
    %dot_general3A_131 = tpu.matmul %reduce_sum3A_126, %get3A_129, %dot_general3A_130 {dimension_numbers = #tpu.dot_dimension_numbers<[1], [0], [0], [1], [0, 0, 1, 1], [], []>, transpose_lhs_hint = false} : vector<256x64xf32>, vector<64x128xf32>, vector<256x128xf32> -> vector<256x128xf32>
    %add3A_132 = arith.addf %add3A_100, %dot_general3A_131 : vector<256x128xf32>
    %slice3A_133 = vector.extract_strided_slice %get3A_10 {offsets = [4, 0], sizes = [1, 3], strides = [1, 1]} : vector<16x3xf32> to vector<1x3xf32>
    %squeeze3A_134 = vector.shape_cast %slice3A_133 : vector<1x3xf32> to vector<3xf32>
    %broadcast_in_dim3A_135 = vector.shape_cast %squeeze3A_134 : vector<3xf32> to vector<1x1x3xf32>
    %sub3A_136 = vector.broadcast %broadcast_in_dim3A_135 : vector<1x1x3xf32> to vector<256x16x3xf32>
    %sub3A_137 = arith.subf %sub3A_7, %sub3A_136 : vector<256x16x3xf32>
    %mul3A_138 = arith.mulf %sub3A_137, %sub3A_137 : vector<256x16x3xf32>
    %reduce_sum3A_139 = arith.constant dense<0.000000e+00> : vector<256x16xf32>
    %reduce_sum3A_140 = vector.multi_reduction <add>, %mul3A_138, %reduce_sum3A_139 [2] : vector<256x16x3xf32> to vector<256x16xf32>
    %add3A_141 = arith.constant 9.99999996E-13 : f32
    %add3A_142 = vector.broadcast %add3A_141 : f32 to vector<256x16xf32>
    %add3A_143 = arith.addf %reduce_sum3A_140, %add3A_142 : vector<256x16xf32>
    %sqrt3A_144 = math.sqrt %add3A_143 : vector<256x16xf32>
    %div3A_145 = arith.constant 1.200000e-01 : f32
    %div3A_146 = vector.broadcast %div3A_145 : f32 to vector<256x16xf32>
    %div3A_147 = arith.divf %sqrt3A_144, %div3A_146 : vector<256x16xf32>
    %sub3A_148 = arith.constant 1.000000e+00 : f32
    %sub3A_149 = vector.broadcast %sub3A_148 : f32 to vector<256x16xf32>
    %sub3A_150 = arith.subf %sub3A_149, %div3A_147 : vector<256x16xf32>
    %max3A_151 = arith.constant 0.000000e+00 : f32
    %max3A_152 = vector.broadcast %max3A_151 : f32 to vector<256x16xf32>
    %max3A_153 = arith.maximumf %sub3A_150, %max3A_152 : vector<256x16xf32>
    %broadcast_in_dim3A_154 = vector.shape_cast %max3A_153 : vector<256x16xf32> to vector<256x16x1xf32>
    %mul3A_155 = vector.broadcast %broadcast_in_dim3A_154 : vector<256x16x1xf32> to vector<256x16x64xf32>
    %mul3A_156 = arith.mulf %mul3A_155, %slice3A : vector<256x16x64xf32>
    %reduce_sum3A_157 = arith.constant dense<0.000000e+00> : vector<256x64xf32>
    %reduce_sum3A_158 = vector.multi_reduction <add>, %mul3A_156, %reduce_sum3A_157 [1] : vector<256x16x64xf32> to vector<256x64xf32>
    %get3A_159 = arith.constant 256 : index
    %get3A_160 = arith.constant 0 : index
    %get3A_161 = vector.load %arg4[%get3A_159, %get3A_160] : memref<1024x128xf32, #tpu.memory_space<vmem>>, vector<64x128xf32>
    %dot_general3A_162 = arith.constant dense<0.000000e+00> : vector<256x128xf32>
    %dot_general3A_163 = tpu.matmul %reduce_sum3A_158, %get3A_161, %dot_general3A_162 {dimension_numbers = #tpu.dot_dimension_numbers<[1], [0], [0], [1], [0, 0, 1, 1], [], []>, transpose_lhs_hint = false} : vector<256x64xf32>, vector<64x128xf32>, vector<256x128xf32> -> vector<256x128xf32>
    %add3A_164 = arith.addf %add3A_132, %dot_general3A_163 : vector<256x128xf32>
    %slice3A_165 = vector.extract_strided_slice %get3A_10 {offsets = [5, 0], sizes = [1, 3], strides = [1, 1]} : vector<16x3xf32> to vector<1x3xf32>
    %squeeze3A_166 = vector.shape_cast %slice3A_165 : vector<1x3xf32> to vector<3xf32>
    %broadcast_in_dim3A_167 = vector.shape_cast %squeeze3A_166 : vector<3xf32> to vector<1x1x3xf32>
    %sub3A_168 = vector.broadcast %broadcast_in_dim3A_167 : vector<1x1x3xf32> to vector<256x16x3xf32>
    %sub3A_169 = arith.subf %sub3A_7, %sub3A_168 : vector<256x16x3xf32>
    %mul3A_170 = arith.mulf %sub3A_169, %sub3A_169 : vector<256x16x3xf32>
    %reduce_sum3A_171 = arith.constant dense<0.000000e+00> : vector<256x16xf32>
    %reduce_sum3A_172 = vector.multi_reduction <add>, %mul3A_170, %reduce_sum3A_171 [2] : vector<256x16x3xf32> to vector<256x16xf32>
    %add3A_173 = arith.constant 9.99999996E-13 : f32
    %add3A_174 = vector.broadcast %add3A_173 : f32 to vector<256x16xf32>
    %add3A_175 = arith.addf %reduce_sum3A_172, %add3A_174 : vector<256x16xf32>
    %sqrt3A_176 = math.sqrt %add3A_175 : vector<256x16xf32>
    %div3A_177 = arith.constant 1.200000e-01 : f32
    %div3A_178 = vector.broadcast %div3A_177 : f32 to vector<256x16xf32>
    %div3A_179 = arith.divf %sqrt3A_176, %div3A_178 : vector<256x16xf32>
    %sub3A_180 = arith.constant 1.000000e+00 : f32
    %sub3A_181 = vector.broadcast %sub3A_180 : f32 to vector<256x16xf32>
    %sub3A_182 = arith.subf %sub3A_181, %div3A_179 : vector<256x16xf32>
    %max3A_183 = arith.constant 0.000000e+00 : f32
    %max3A_184 = vector.broadcast %max3A_183 : f32 to vector<256x16xf32>
    %max3A_185 = arith.maximumf %sub3A_182, %max3A_184 : vector<256x16xf32>
    %broadcast_in_dim3A_186 = vector.shape_cast %max3A_185 : vector<256x16xf32> to vector<256x16x1xf32>
    %mul3A_187 = vector.broadcast %broadcast_in_dim3A_186 : vector<256x16x1xf32> to vector<256x16x64xf32>
    %mul3A_188 = arith.mulf %mul3A_187, %slice3A : vector<256x16x64xf32>
    %reduce_sum3A_189 = arith.constant dense<0.000000e+00> : vector<256x64xf32>
    %reduce_sum3A_190 = vector.multi_reduction <add>, %mul3A_188, %reduce_sum3A_189 [1] : vector<256x16x64xf32> to vector<256x64xf32>
    %get3A_191 = arith.constant 320 : index
    %get3A_192 = arith.constant 0 : index
    %get3A_193 = vector.load %arg4[%get3A_191, %get3A_192] : memref<1024x128xf32, #tpu.memory_space<vmem>>, vector<64x128xf32>
    %dot_general3A_194 = arith.constant dense<0.000000e+00> : vector<256x128xf32>
    %dot_general3A_195 = tpu.matmul %reduce_sum3A_190, %get3A_193, %dot_general3A_194 {dimension_numbers = #tpu.dot_dimension_numbers<[1], [0], [0], [1], [0, 0, 1, 1], [], []>, transpose_lhs_hint = false} : vector<256x64xf32>, vector<64x128xf32>, vector<256x128xf32> -> vector<256x128xf32>
    %add3A_196 = arith.addf %add3A_164, %dot_general3A_195 : vector<256x128xf32>
    %slice3A_197 = vector.extract_strided_slice %get3A_10 {offsets = [6, 0], sizes = [1, 3], strides = [1, 1]} : vector<16x3xf32> to vector<1x3xf32>
    %squeeze3A_198 = vector.shape_cast %slice3A_197 : vector<1x3xf32> to vector<3xf32>
    %broadcast_in_dim3A_199 = vector.shape_cast %squeeze3A_198 : vector<3xf32> to vector<1x1x3xf32>
    %sub3A_200 = vector.broadcast %broadcast_in_dim3A_199 : vector<1x1x3xf32> to vector<256x16x3xf32>
    %sub3A_201 = arith.subf %sub3A_7, %sub3A_200 : vector<256x16x3xf32>
    %mul3A_202 = arith.mulf %sub3A_201, %sub3A_201 : vector<256x16x3xf32>
    %reduce_sum3A_203 = arith.constant dense<0.000000e+00> : vector<256x16xf32>
    %reduce_sum3A_204 = vector.multi_reduction <add>, %mul3A_202, %reduce_sum3A_203 [2] : vector<256x16x3xf32> to vector<256x16xf32>
    %add3A_205 = arith.constant 9.99999996E-13 : f32
    %add3A_206 = vector.broadcast %add3A_205 : f32 to vector<256x16xf32>
    %add3A_207 = arith.addf %reduce_sum3A_204, %add3A_206 : vector<256x16xf32>
    %sqrt3A_208 = math.sqrt %add3A_207 : vector<256x16xf32>
    %div3A_209 = arith.constant 1.200000e-01 : f32
    %div3A_210 = vector.broadcast %div3A_209 : f32 to vector<256x16xf32>
    %div3A_211 = arith.divf %sqrt3A_208, %div3A_210 : vector<256x16xf32>
    %sub3A_212 = arith.constant 1.000000e+00 : f32
    %sub3A_213 = vector.broadcast %sub3A_212 : f32 to vector<256x16xf32>
    %sub3A_214 = arith.subf %sub3A_213, %div3A_211 : vector<256x16xf32>
    %max3A_215 = arith.constant 0.000000e+00 : f32
    %max3A_216 = vector.broadcast %max3A_215 : f32 to vector<256x16xf32>
    %max3A_217 = arith.maximumf %sub3A_214, %max3A_216 : vector<256x16xf32>
    %broadcast_in_dim3A_218 = vector.shape_cast %max3A_217 : vector<256x16xf32> to vector<256x16x1xf32>
    %mul3A_219 = vector.broadcast %broadcast_in_dim3A_218 : vector<256x16x1xf32> to vector<256x16x64xf32>
    %mul3A_220 = arith.mulf %mul3A_219, %slice3A : vector<256x16x64xf32>
    %reduce_sum3A_221 = arith.constant dense<0.000000e+00> : vector<256x64xf32>
    %reduce_sum3A_222 = vector.multi_reduction <add>, %mul3A_220, %reduce_sum3A_221 [1] : vector<256x16x64xf32> to vector<256x64xf32>
    %get3A_223 = arith.constant 384 : index
    %get3A_224 = arith.constant 0 : index
    %get3A_225 = vector.load %arg4[%get3A_223, %get3A_224] : memref<1024x128xf32, #tpu.memory_space<vmem>>, vector<64x128xf32>
    %dot_general3A_226 = arith.constant dense<0.000000e+00> : vector<256x128xf32>
    %dot_general3A_227 = tpu.matmul %reduce_sum3A_222, %get3A_225, %dot_general3A_226 {dimension_numbers = #tpu.dot_dimension_numbers<[1], [0], [0], [1], [0, 0, 1, 1], [], []>, transpose_lhs_hint = false} : vector<256x64xf32>, vector<64x128xf32>, vector<256x128xf32> -> vector<256x128xf32>
    %add3A_228 = arith.addf %add3A_196, %dot_general3A_227 : vector<256x128xf32>
    %slice3A_229 = vector.extract_strided_slice %get3A_10 {offsets = [7, 0], sizes = [1, 3], strides = [1, 1]} : vector<16x3xf32> to vector<1x3xf32>
    %squeeze3A_230 = vector.shape_cast %slice3A_229 : vector<1x3xf32> to vector<3xf32>
    %broadcast_in_dim3A_231 = vector.shape_cast %squeeze3A_230 : vector<3xf32> to vector<1x1x3xf32>
    %sub3A_232 = vector.broadcast %broadcast_in_dim3A_231 : vector<1x1x3xf32> to vector<256x16x3xf32>
    %sub3A_233 = arith.subf %sub3A_7, %sub3A_232 : vector<256x16x3xf32>
    %mul3A_234 = arith.mulf %sub3A_233, %sub3A_233 : vector<256x16x3xf32>
    %reduce_sum3A_235 = arith.constant dense<0.000000e+00> : vector<256x16xf32>
    %reduce_sum3A_236 = vector.multi_reduction <add>, %mul3A_234, %reduce_sum3A_235 [2] : vector<256x16x3xf32> to vector<256x16xf32>
    %add3A_237 = arith.constant 9.99999996E-13 : f32
    %add3A_238 = vector.broadcast %add3A_237 : f32 to vector<256x16xf32>
    %add3A_239 = arith.addf %reduce_sum3A_236, %add3A_238 : vector<256x16xf32>
    %sqrt3A_240 = math.sqrt %add3A_239 : vector<256x16xf32>
    %div3A_241 = arith.constant 1.200000e-01 : f32
    %div3A_242 = vector.broadcast %div3A_241 : f32 to vector<256x16xf32>
    %div3A_243 = arith.divf %sqrt3A_240, %div3A_242 : vector<256x16xf32>
    %sub3A_244 = arith.constant 1.000000e+00 : f32
    %sub3A_245 = vector.broadcast %sub3A_244 : f32 to vector<256x16xf32>
    %sub3A_246 = arith.subf %sub3A_245, %div3A_243 : vector<256x16xf32>
    %max3A_247 = arith.constant 0.000000e+00 : f32
    %max3A_248 = vector.broadcast %max3A_247 : f32 to vector<256x16xf32>
    %max3A_249 = arith.maximumf %sub3A_246, %max3A_248 : vector<256x16xf32>
    %broadcast_in_dim3A_250 = vector.shape_cast %max3A_249 : vector<256x16xf32> to vector<256x16x1xf32>
    %mul3A_251 = vector.broadcast %broadcast_in_dim3A_250 : vector<256x16x1xf32> to vector<256x16x64xf32>
    %mul3A_252 = arith.mulf %mul3A_251, %slice3A : vector<256x16x64xf32>
    %reduce_sum3A_253 = arith.constant dense<0.000000e+00> : vector<256x64xf32>
    %reduce_sum3A_254 = vector.multi_reduction <add>, %mul3A_252, %reduce_sum3A_253 [1] : vector<256x16x64xf32> to vector<256x64xf32>
    %get3A_255 = arith.constant 448 : index
    %get3A_256 = arith.constant 0 : index
    %get3A_257 = vector.load %arg4[%get3A_255, %get3A_256] : memref<1024x128xf32, #tpu.memory_space<vmem>>, vector<64x128xf32>
    %dot_general3A_258 = arith.constant dense<0.000000e+00> : vector<256x128xf32>
    %dot_general3A_259 = tpu.matmul %reduce_sum3A_254, %get3A_257, %dot_general3A_258 {dimension_numbers = #tpu.dot_dimension_numbers<[1], [0], [0], [1], [0, 0, 1, 1], [], []>, transpose_lhs_hint = false} : vector<256x64xf32>, vector<64x128xf32>, vector<256x128xf32> -> vector<256x128xf32>
    %add3A_260 = arith.addf %add3A_228, %dot_general3A_259 : vector<256x128xf32>
    %slice3A_261 = vector.extract_strided_slice %get3A_10 {offsets = [8, 0], sizes = [1, 3], strides = [1, 1]} : vector<16x3xf32> to vector<1x3xf32>
    %squeeze3A_262 = vector.shape_cast %slice3A_261 : vector<1x3xf32> to vector<3xf32>
    %broadcast_in_dim3A_263 = vector.shape_cast %squeeze3A_262 : vector<3xf32> to vector<1x1x3xf32>
    %sub3A_264 = vector.broadcast %broadcast_in_dim3A_263 : vector<1x1x3xf32> to vector<256x16x3xf32>
    %sub3A_265 = arith.subf %sub3A_7, %sub3A_264 : vector<256x16x3xf32>
    %mul3A_266 = arith.mulf %sub3A_265, %sub3A_265 : vector<256x16x3xf32>
    %reduce_sum3A_267 = arith.constant dense<0.000000e+00> : vector<256x16xf32>
    %reduce_sum3A_268 = vector.multi_reduction <add>, %mul3A_266, %reduce_sum3A_267 [2] : vector<256x16x3xf32> to vector<256x16xf32>
    %add3A_269 = arith.constant 9.99999996E-13 : f32
    %add3A_270 = vector.broadcast %add3A_269 : f32 to vector<256x16xf32>
    %add3A_271 = arith.addf %reduce_sum3A_268, %add3A_270 : vector<256x16xf32>
    %sqrt3A_272 = math.sqrt %add3A_271 : vector<256x16xf32>
    %div3A_273 = arith.constant 1.200000e-01 : f32
    %div3A_274 = vector.broadcast %div3A_273 : f32 to vector<256x16xf32>
    %div3A_275 = arith.divf %sqrt3A_272, %div3A_274 : vector<256x16xf32>
    %sub3A_276 = arith.constant 1.000000e+00 : f32
    %sub3A_277 = vector.broadcast %sub3A_276 : f32 to vector<256x16xf32>
    %sub3A_278 = arith.subf %sub3A_277, %div3A_275 : vector<256x16xf32>
    %max3A_279 = arith.constant 0.000000e+00 : f32
    %max3A_280 = vector.broadcast %max3A_279 : f32 to vector<256x16xf32>
    %max3A_281 = arith.maximumf %sub3A_278, %max3A_280 : vector<256x16xf32>
    %broadcast_in_dim3A_282 = vector.shape_cast %max3A_281 : vector<256x16xf32> to vector<256x16x1xf32>
    %mul3A_283 = vector.broadcast %broadcast_in_dim3A_282 : vector<256x16x1xf32> to vector<256x16x64xf32>
    %mul3A_284 = arith.mulf %mul3A_283, %slice3A : vector<256x16x64xf32>
    %reduce_sum3A_285 = arith.constant dense<0.000000e+00> : vector<256x64xf32>
    %reduce_sum3A_286 = vector.multi_reduction <add>, %mul3A_284, %reduce_sum3A_285 [1] : vector<256x16x64xf32> to vector<256x64xf32>
    %get3A_287 = arith.constant 512 : index
    %get3A_288 = arith.constant 0 : index
    %get3A_289 = vector.load %arg4[%get3A_287, %get3A_288] : memref<1024x128xf32, #tpu.memory_space<vmem>>, vector<64x128xf32>
    %dot_general3A_290 = arith.constant dense<0.000000e+00> : vector<256x128xf32>
    %dot_general3A_291 = tpu.matmul %reduce_sum3A_286, %get3A_289, %dot_general3A_290 {dimension_numbers = #tpu.dot_dimension_numbers<[1], [0], [0], [1], [0, 0, 1, 1], [], []>, transpose_lhs_hint = false} : vector<256x64xf32>, vector<64x128xf32>, vector<256x128xf32> -> vector<256x128xf32>
    %add3A_292 = arith.addf %add3A_260, %dot_general3A_291 : vector<256x128xf32>
    %slice3A_293 = vector.extract_strided_slice %get3A_10 {offsets = [9, 0], sizes = [1, 3], strides = [1, 1]} : vector<16x3xf32> to vector<1x3xf32>
    %squeeze3A_294 = vector.shape_cast %slice3A_293 : vector<1x3xf32> to vector<3xf32>
    %broadcast_in_dim3A_295 = vector.shape_cast %squeeze3A_294 : vector<3xf32> to vector<1x1x3xf32>
    %sub3A_296 = vector.broadcast %broadcast_in_dim3A_295 : vector<1x1x3xf32> to vector<256x16x3xf32>
    %sub3A_297 = arith.subf %sub3A_7, %sub3A_296 : vector<256x16x3xf32>
    %mul3A_298 = arith.mulf %sub3A_297, %sub3A_297 : vector<256x16x3xf32>
    %reduce_sum3A_299 = arith.constant dense<0.000000e+00> : vector<256x16xf32>
    %reduce_sum3A_300 = vector.multi_reduction <add>, %mul3A_298, %reduce_sum3A_299 [2] : vector<256x16x3xf32> to vector<256x16xf32>
    %add3A_301 = arith.constant 9.99999996E-13 : f32
    %add3A_302 = vector.broadcast %add3A_301 : f32 to vector<256x16xf32>
    %add3A_303 = arith.addf %reduce_sum3A_300, %add3A_302 : vector<256x16xf32>
    %sqrt3A_304 = math.sqrt %add3A_303 : vector<256x16xf32>
    %div3A_305 = arith.constant 1.200000e-01 : f32
    %div3A_306 = vector.broadcast %div3A_305 : f32 to vector<256x16xf32>
    %div3A_307 = arith.divf %sqrt3A_304, %div3A_306 : vector<256x16xf32>
    %sub3A_308 = arith.constant 1.000000e+00 : f32
    %sub3A_309 = vector.broadcast %sub3A_308 : f32 to vector<256x16xf32>
    %sub3A_310 = arith.subf %sub3A_309, %div3A_307 : vector<256x16xf32>
    %max3A_311 = arith.constant 0.000000e+00 : f32
    %max3A_312 = vector.broadcast %max3A_311 : f32 to vector<256x16xf32>
    %max3A_313 = arith.maximumf %sub3A_310, %max3A_312 : vector<256x16xf32>
    %broadcast_in_dim3A_314 = vector.shape_cast %max3A_313 : vector<256x16xf32> to vector<256x16x1xf32>
    %mul3A_315 = vector.broadcast %broadcast_in_dim3A_314 : vector<256x16x1xf32> to vector<256x16x64xf32>
    %mul3A_316 = arith.mulf %mul3A_315, %slice3A : vector<256x16x64xf32>
    %reduce_sum3A_317 = arith.constant dense<0.000000e+00> : vector<256x64xf32>
    %reduce_sum3A_318 = vector.multi_reduction <add>, %mul3A_316, %reduce_sum3A_317 [1] : vector<256x16x64xf32> to vector<256x64xf32>
    %get3A_319 = arith.constant 576 : index
    %get3A_320 = arith.constant 0 : index
    %get3A_321 = vector.load %arg4[%get3A_319, %get3A_320] : memref<1024x128xf32, #tpu.memory_space<vmem>>, vector<64x128xf32>
    %dot_general3A_322 = arith.constant dense<0.000000e+00> : vector<256x128xf32>
    %dot_general3A_323 = tpu.matmul %reduce_sum3A_318, %get3A_321, %dot_general3A_322 {dimension_numbers = #tpu.dot_dimension_numbers<[1], [0], [0], [1], [0, 0, 1, 1], [], []>, transpose_lhs_hint = false} : vector<256x64xf32>, vector<64x128xf32>, vector<256x128xf32> -> vector<256x128xf32>
    %add3A_324 = arith.addf %add3A_292, %dot_general3A_323 : vector<256x128xf32>
    %slice3A_325 = vector.extract_strided_slice %get3A_10 {offsets = [10, 0], sizes = [1, 3], strides = [1, 1]} : vector<16x3xf32> to vector<1x3xf32>
    %squeeze3A_326 = vector.shape_cast %slice3A_325 : vector<1x3xf32> to vector<3xf32>
    %broadcast_in_dim3A_327 = vector.shape_cast %squeeze3A_326 : vector<3xf32> to vector<1x1x3xf32>
    %sub3A_328 = vector.broadcast %broadcast_in_dim3A_327 : vector<1x1x3xf32> to vector<256x16x3xf32>
    %sub3A_329 = arith.subf %sub3A_7, %sub3A_328 : vector<256x16x3xf32>
    %mul3A_330 = arith.mulf %sub3A_329, %sub3A_329 : vector<256x16x3xf32>
    %reduce_sum3A_331 = arith.constant dense<0.000000e+00> : vector<256x16xf32>
    %reduce_sum3A_332 = vector.multi_reduction <add>, %mul3A_330, %reduce_sum3A_331 [2] : vector<256x16x3xf32> to vector<256x16xf32>
    %add3A_333 = arith.constant 9.99999996E-13 : f32
    %add3A_334 = vector.broadcast %add3A_333 : f32 to vector<256x16xf32>
    %add3A_335 = arith.addf %reduce_sum3A_332, %add3A_334 : vector<256x16xf32>
    %sqrt3A_336 = math.sqrt %add3A_335 : vector<256x16xf32>
    %div3A_337 = arith.constant 1.200000e-01 : f32
    %div3A_338 = vector.broadcast %div3A_337 : f32 to vector<256x16xf32>
    %div3A_339 = arith.divf %sqrt3A_336, %div3A_338 : vector<256x16xf32>
    %sub3A_340 = arith.constant 1.000000e+00 : f32
    %sub3A_341 = vector.broadcast %sub3A_340 : f32 to vector<256x16xf32>
    %sub3A_342 = arith.subf %sub3A_341, %div3A_339 : vector<256x16xf32>
    %max3A_343 = arith.constant 0.000000e+00 : f32
    %max3A_344 = vector.broadcast %max3A_343 : f32 to vector<256x16xf32>
    %max3A_345 = arith.maximumf %sub3A_342, %max3A_344 : vector<256x16xf32>
    %broadcast_in_dim3A_346 = vector.shape_cast %max3A_345 : vector<256x16xf32> to vector<256x16x1xf32>
    %mul3A_347 = vector.broadcast %broadcast_in_dim3A_346 : vector<256x16x1xf32> to vector<256x16x64xf32>
    %mul3A_348 = arith.mulf %mul3A_347, %slice3A : vector<256x16x64xf32>
    %reduce_sum3A_349 = arith.constant dense<0.000000e+00> : vector<256x64xf32>
    %reduce_sum3A_350 = vector.multi_reduction <add>, %mul3A_348, %reduce_sum3A_349 [1] : vector<256x16x64xf32> to vector<256x64xf32>
    %get3A_351 = arith.constant 640 : index
    %get3A_352 = arith.constant 0 : index
    %get3A_353 = vector.load %arg4[%get3A_351, %get3A_352] : memref<1024x128xf32, #tpu.memory_space<vmem>>, vector<64x128xf32>
    %dot_general3A_354 = arith.constant dense<0.000000e+00> : vector<256x128xf32>
    %dot_general3A_355 = tpu.matmul %reduce_sum3A_350, %get3A_353, %dot_general3A_354 {dimension_numbers = #tpu.dot_dimension_numbers<[1], [0], [0], [1], [0, 0, 1, 1], [], []>, transpose_lhs_hint = false} : vector<256x64xf32>, vector<64x128xf32>, vector<256x128xf32> -> vector<256x128xf32>
    %add3A_356 = arith.addf %add3A_324, %dot_general3A_355 : vector<256x128xf32>
    %slice3A_357 = vector.extract_strided_slice %get3A_10 {offsets = [11, 0], sizes = [1, 3], strides = [1, 1]} : vector<16x3xf32> to vector<1x3xf32>
    %squeeze3A_358 = vector.shape_cast %slice3A_357 : vector<1x3xf32> to vector<3xf32>
    %broadcast_in_dim3A_359 = vector.shape_cast %squeeze3A_358 : vector<3xf32> to vector<1x1x3xf32>
    %sub3A_360 = vector.broadcast %broadcast_in_dim3A_359 : vector<1x1x3xf32> to vector<256x16x3xf32>
    %sub3A_361 = arith.subf %sub3A_7, %sub3A_360 : vector<256x16x3xf32>
    %mul3A_362 = arith.mulf %sub3A_361, %sub3A_361 : vector<256x16x3xf32>
    %reduce_sum3A_363 = arith.constant dense<0.000000e+00> : vector<256x16xf32>
    %reduce_sum3A_364 = vector.multi_reduction <add>, %mul3A_362, %reduce_sum3A_363 [2] : vector<256x16x3xf32> to vector<256x16xf32>
    %add3A_365 = arith.constant 9.99999996E-13 : f32
    %add3A_366 = vector.broadcast %add3A_365 : f32 to vector<256x16xf32>
    %add3A_367 = arith.addf %reduce_sum3A_364, %add3A_366 : vector<256x16xf32>
    %sqrt3A_368 = math.sqrt %add3A_367 : vector<256x16xf32>
    %div3A_369 = arith.constant 1.200000e-01 : f32
    %div3A_370 = vector.broadcast %div3A_369 : f32 to vector<256x16xf32>
    %div3A_371 = arith.divf %sqrt3A_368, %div3A_370 : vector<256x16xf32>
    %sub3A_372 = arith.constant 1.000000e+00 : f32
    %sub3A_373 = vector.broadcast %sub3A_372 : f32 to vector<256x16xf32>
    %sub3A_374 = arith.subf %sub3A_373, %div3A_371 : vector<256x16xf32>
    %max3A_375 = arith.constant 0.000000e+00 : f32
    %max3A_376 = vector.broadcast %max3A_375 : f32 to vector<256x16xf32>
    %max3A_377 = arith.maximumf %sub3A_374, %max3A_376 : vector<256x16xf32>
    %broadcast_in_dim3A_378 = vector.shape_cast %max3A_377 : vector<256x16xf32> to vector<256x16x1xf32>
    %mul3A_379 = vector.broadcast %broadcast_in_dim3A_378 : vector<256x16x1xf32> to vector<256x16x64xf32>
    %mul3A_380 = arith.mulf %mul3A_379, %slice3A : vector<256x16x64xf32>
    %reduce_sum3A_381 = arith.constant dense<0.000000e+00> : vector<256x64xf32>
    %reduce_sum3A_382 = vector.multi_reduction <add>, %mul3A_380, %reduce_sum3A_381 [1] : vector<256x16x64xf32> to vector<256x64xf32>
    %get3A_383 = arith.constant 704 : index
    %get3A_384 = arith.constant 0 : index
    %get3A_385 = vector.load %arg4[%get3A_383, %get3A_384] : memref<1024x128xf32, #tpu.memory_space<vmem>>, vector<64x128xf32>
    %dot_general3A_386 = arith.constant dense<0.000000e+00> : vector<256x128xf32>
    %dot_general3A_387 = tpu.matmul %reduce_sum3A_382, %get3A_385, %dot_general3A_386 {dimension_numbers = #tpu.dot_dimension_numbers<[1], [0], [0], [1], [0, 0, 1, 1], [], []>, transpose_lhs_hint = false} : vector<256x64xf32>, vector<64x128xf32>, vector<256x128xf32> -> vector<256x128xf32>
    %add3A_388 = arith.addf %add3A_356, %dot_general3A_387 : vector<256x128xf32>
    %slice3A_389 = vector.extract_strided_slice %get3A_10 {offsets = [12, 0], sizes = [1, 3], strides = [1, 1]} : vector<16x3xf32> to vector<1x3xf32>
    %squeeze3A_390 = vector.shape_cast %slice3A_389 : vector<1x3xf32> to vector<3xf32>
    %broadcast_in_dim3A_391 = vector.shape_cast %squeeze3A_390 : vector<3xf32> to vector<1x1x3xf32>
    %sub3A_392 = vector.broadcast %broadcast_in_dim3A_391 : vector<1x1x3xf32> to vector<256x16x3xf32>
    %sub3A_393 = arith.subf %sub3A_7, %sub3A_392 : vector<256x16x3xf32>
    %mul3A_394 = arith.mulf %sub3A_393, %sub3A_393 : vector<256x16x3xf32>
    %reduce_sum3A_395 = arith.constant dense<0.000000e+00> : vector<256x16xf32>
    %reduce_sum3A_396 = vector.multi_reduction <add>, %mul3A_394, %reduce_sum3A_395 [2] : vector<256x16x3xf32> to vector<256x16xf32>
    %add3A_397 = arith.constant 9.99999996E-13 : f32
    %add3A_398 = vector.broadcast %add3A_397 : f32 to vector<256x16xf32>
    %add3A_399 = arith.addf %reduce_sum3A_396, %add3A_398 : vector<256x16xf32>
    %sqrt3A_400 = math.sqrt %add3A_399 : vector<256x16xf32>
    %div3A_401 = arith.constant 1.200000e-01 : f32
    %div3A_402 = vector.broadcast %div3A_401 : f32 to vector<256x16xf32>
    %div3A_403 = arith.divf %sqrt3A_400, %div3A_402 : vector<256x16xf32>
    %sub3A_404 = arith.constant 1.000000e+00 : f32
    %sub3A_405 = vector.broadcast %sub3A_404 : f32 to vector<256x16xf32>
    %sub3A_406 = arith.subf %sub3A_405, %div3A_403 : vector<256x16xf32>
    %max3A_407 = arith.constant 0.000000e+00 : f32
    %max3A_408 = vector.broadcast %max3A_407 : f32 to vector<256x16xf32>
    %max3A_409 = arith.maximumf %sub3A_406, %max3A_408 : vector<256x16xf32>
    %broadcast_in_dim3A_410 = vector.shape_cast %max3A_409 : vector<256x16xf32> to vector<256x16x1xf32>
    %mul3A_411 = vector.broadcast %broadcast_in_dim3A_410 : vector<256x16x1xf32> to vector<256x16x64xf32>
    %mul3A_412 = arith.mulf %mul3A_411, %slice3A : vector<256x16x64xf32>
    %reduce_sum3A_413 = arith.constant dense<0.000000e+00> : vector<256x64xf32>
    %reduce_sum3A_414 = vector.multi_reduction <add>, %mul3A_412, %reduce_sum3A_413 [1] : vector<256x16x64xf32> to vector<256x64xf32>
    %get3A_415 = arith.constant 768 : index
    %get3A_416 = arith.constant 0 : index
    %get3A_417 = vector.load %arg4[%get3A_415, %get3A_416] : memref<1024x128xf32, #tpu.memory_space<vmem>>, vector<64x128xf32>
    %dot_general3A_418 = arith.constant dense<0.000000e+00> : vector<256x128xf32>
    %dot_general3A_419 = tpu.matmul %reduce_sum3A_414, %get3A_417, %dot_general3A_418 {dimension_numbers = #tpu.dot_dimension_numbers<[1], [0], [0], [1], [0, 0, 1, 1], [], []>, transpose_lhs_hint = false} : vector<256x64xf32>, vector<64x128xf32>, vector<256x128xf32> -> vector<256x128xf32>
    %add3A_420 = arith.addf %add3A_388, %dot_general3A_419 : vector<256x128xf32>
    %slice3A_421 = vector.extract_strided_slice %get3A_10 {offsets = [13, 0], sizes = [1, 3], strides = [1, 1]} : vector<16x3xf32> to vector<1x3xf32>
    %squeeze3A_422 = vector.shape_cast %slice3A_421 : vector<1x3xf32> to vector<3xf32>
    %broadcast_in_dim3A_423 = vector.shape_cast %squeeze3A_422 : vector<3xf32> to vector<1x1x3xf32>
    %sub3A_424 = vector.broadcast %broadcast_in_dim3A_423 : vector<1x1x3xf32> to vector<256x16x3xf32>
    %sub3A_425 = arith.subf %sub3A_7, %sub3A_424 : vector<256x16x3xf32>
    %mul3A_426 = arith.mulf %sub3A_425, %sub3A_425 : vector<256x16x3xf32>
    %reduce_sum3A_427 = arith.constant dense<0.000000e+00> : vector<256x16xf32>
    %reduce_sum3A_428 = vector.multi_reduction <add>, %mul3A_426, %reduce_sum3A_427 [2] : vector<256x16x3xf32> to vector<256x16xf32>
    %add3A_429 = arith.constant 9.99999996E-13 : f32
    %add3A_430 = vector.broadcast %add3A_429 : f32 to vector<256x16xf32>
    %add3A_431 = arith.addf %reduce_sum3A_428, %add3A_430 : vector<256x16xf32>
    %sqrt3A_432 = math.sqrt %add3A_431 : vector<256x16xf32>
    %div3A_433 = arith.constant 1.200000e-01 : f32
    %div3A_434 = vector.broadcast %div3A_433 : f32 to vector<256x16xf32>
    %div3A_435 = arith.divf %sqrt3A_432, %div3A_434 : vector<256x16xf32>
    %sub3A_436 = arith.constant 1.000000e+00 : f32
    %sub3A_437 = vector.broadcast %sub3A_436 : f32 to vector<256x16xf32>
    %sub3A_438 = arith.subf %sub3A_437, %div3A_435 : vector<256x16xf32>
    %max3A_439 = arith.constant 0.000000e+00 : f32
    %max3A_440 = vector.broadcast %max3A_439 : f32 to vector<256x16xf32>
    %max3A_441 = arith.maximumf %sub3A_438, %max3A_440 : vector<256x16xf32>
    %broadcast_in_dim3A_442 = vector.shape_cast %max3A_441 : vector<256x16xf32> to vector<256x16x1xf32>
    %mul3A_443 = vector.broadcast %broadcast_in_dim3A_442 : vector<256x16x1xf32> to vector<256x16x64xf32>
    %mul3A_444 = arith.mulf %mul3A_443, %slice3A : vector<256x16x64xf32>
    %reduce_sum3A_445 = arith.constant dense<0.000000e+00> : vector<256x64xf32>
    %reduce_sum3A_446 = vector.multi_reduction <add>, %mul3A_444, %reduce_sum3A_445 [1] : vector<256x16x64xf32> to vector<256x64xf32>
    %get3A_447 = arith.constant 832 : index
    %get3A_448 = arith.constant 0 : index
    %get3A_449 = vector.load %arg4[%get3A_447, %get3A_448] : memref<1024x128xf32, #tpu.memory_space<vmem>>, vector<64x128xf32>
    %dot_general3A_450 = arith.constant dense<0.000000e+00> : vector<256x128xf32>
    %dot_general3A_451 = tpu.matmul %reduce_sum3A_446, %get3A_449, %dot_general3A_450 {dimension_numbers = #tpu.dot_dimension_numbers<[1], [0], [0], [1], [0, 0, 1, 1], [], []>, transpose_lhs_hint = false} : vector<256x64xf32>, vector<64x128xf32>, vector<256x128xf32> -> vector<256x128xf32>
    %add3A_452 = arith.addf %add3A_420, %dot_general3A_451 : vector<256x128xf32>
    %slice3A_453 = vector.extract_strided_slice %get3A_10 {offsets = [14, 0], sizes = [1, 3], strides = [1, 1]} : vector<16x3xf32> to vector<1x3xf32>
    %squeeze3A_454 = vector.shape_cast %slice3A_453 : vector<1x3xf32> to vector<3xf32>
    %broadcast_in_dim3A_455 = vector.shape_cast %squeeze3A_454 : vector<3xf32> to vector<1x1x3xf32>
    %sub3A_456 = vector.broadcast %broadcast_in_dim3A_455 : vector<1x1x3xf32> to vector<256x16x3xf32>
    %sub3A_457 = arith.subf %sub3A_7, %sub3A_456 : vector<256x16x3xf32>
    %mul3A_458 = arith.mulf %sub3A_457, %sub3A_457 : vector<256x16x3xf32>
    %reduce_sum3A_459 = arith.constant dense<0.000000e+00> : vector<256x16xf32>
    %reduce_sum3A_460 = vector.multi_reduction <add>, %mul3A_458, %reduce_sum3A_459 [2] : vector<256x16x3xf32> to vector<256x16xf32>
    %add3A_461 = arith.constant 9.99999996E-13 : f32
    %add3A_462 = vector.broadcast %add3A_461 : f32 to vector<256x16xf32>
    %add3A_463 = arith.addf %reduce_sum3A_460, %add3A_462 : vector<256x16xf32>
    %sqrt3A_464 = math.sqrt %add3A_463 : vector<256x16xf32>
    %div3A_465 = arith.constant 1.200000e-01 : f32
    %div3A_466 = vector.broadcast %div3A_465 : f32 to vector<256x16xf32>
    %div3A_467 = arith.divf %sqrt3A_464, %div3A_466 : vector<256x16xf32>
    %sub3A_468 = arith.constant 1.000000e+00 : f32
    %sub3A_469 = vector.broadcast %sub3A_468 : f32 to vector<256x16xf32>
    %sub3A_470 = arith.subf %sub3A_469, %div3A_467 : vector<256x16xf32>
    %max3A_471 = arith.constant 0.000000e+00 : f32
    %max3A_472 = vector.broadcast %max3A_471 : f32 to vector<256x16xf32>
    %max3A_473 = arith.maximumf %sub3A_470, %max3A_472 : vector<256x16xf32>
    %broadcast_in_dim3A_474 = vector.shape_cast %max3A_473 : vector<256x16xf32> to vector<256x16x1xf32>
    %mul3A_475 = vector.broadcast %broadcast_in_dim3A_474 : vector<256x16x1xf32> to vector<256x16x64xf32>
    %mul3A_476 = arith.mulf %mul3A_475, %slice3A : vector<256x16x64xf32>
    %reduce_sum3A_477 = arith.constant dense<0.000000e+00> : vector<256x64xf32>
    %reduce_sum3A_478 = vector.multi_reduction <add>, %mul3A_476, %reduce_sum3A_477 [1] : vector<256x16x64xf32> to vector<256x64xf32>
    %get3A_479 = arith.constant 896 : index
    %get3A_480 = arith.constant 0 : index
    %get3A_481 = vector.load %arg4[%get3A_479, %get3A_480] : memref<1024x128xf32, #tpu.memory_space<vmem>>, vector<64x128xf32>
    %dot_general3A_482 = arith.constant dense<0.000000e+00> : vector<256x128xf32>
    %dot_general3A_483 = tpu.matmul %reduce_sum3A_478, %get3A_481, %dot_general3A_482 {dimension_numbers = #tpu.dot_dimension_numbers<[1], [0], [0], [1], [0, 0, 1, 1], [], []>, transpose_lhs_hint = false} : vector<256x64xf32>, vector<64x128xf32>, vector<256x128xf32> -> vector<256x128xf32>
    %add3A_484 = arith.addf %add3A_452, %dot_general3A_483 : vector<256x128xf32>
    %slice3A_485 = vector.extract_strided_slice %get3A_10 {offsets = [15, 0], sizes = [1, 3], strides = [1, 1]} : vector<16x3xf32> to vector<1x3xf32>
    %squeeze3A_486 = vector.shape_cast %slice3A_485 : vector<1x3xf32> to vector<3xf32>
    %broadcast_in_dim3A_487 = vector.shape_cast %squeeze3A_486 : vector<3xf32> to vector<1x1x3xf32>
    %sub3A_488 = vector.broadcast %broadcast_in_dim3A_487 : vector<1x1x3xf32> to vector<256x16x3xf32>
    %sub3A_489 = arith.subf %sub3A_7, %sub3A_488 : vector<256x16x3xf32>
    %mul3A_490 = arith.mulf %sub3A_489, %sub3A_489 : vector<256x16x3xf32>
    %reduce_sum3A_491 = arith.constant dense<0.000000e+00> : vector<256x16xf32>
    %reduce_sum3A_492 = vector.multi_reduction <add>, %mul3A_490, %reduce_sum3A_491 [2] : vector<256x16x3xf32> to vector<256x16xf32>
    %add3A_493 = arith.constant 9.99999996E-13 : f32
    %add3A_494 = vector.broadcast %add3A_493 : f32 to vector<256x16xf32>
    %add3A_495 = arith.addf %reduce_sum3A_492, %add3A_494 : vector<256x16xf32>
    %sqrt3A_496 = math.sqrt %add3A_495 : vector<256x16xf32>
    %div3A_497 = arith.constant 1.200000e-01 : f32
    %div3A_498 = vector.broadcast %div3A_497 : f32 to vector<256x16xf32>
    %div3A_499 = arith.divf %sqrt3A_496, %div3A_498 : vector<256x16xf32>
    %sub3A_500 = arith.constant 1.000000e+00 : f32
    %sub3A_501 = vector.broadcast %sub3A_500 : f32 to vector<256x16xf32>
    %sub3A_502 = arith.subf %sub3A_501, %div3A_499 : vector<256x16xf32>
    %max3A_503 = arith.constant 0.000000e+00 : f32
    %max3A_504 = vector.broadcast %max3A_503 : f32 to vector<256x16xf32>
    %max3A_505 = arith.maximumf %sub3A_502, %max3A_504 : vector<256x16xf32>
    %broadcast_in_dim3A_506 = vector.shape_cast %max3A_505 : vector<256x16xf32> to vector<256x16x1xf32>
    %mul3A_507 = vector.broadcast %broadcast_in_dim3A_506 : vector<256x16x1xf32> to vector<256x16x64xf32>
    %mul3A_508 = arith.mulf %mul3A_507, %slice3A : vector<256x16x64xf32>
    %reduce_sum3A_509 = arith.constant dense<0.000000e+00> : vector<256x64xf32>
    %reduce_sum3A_510 = vector.multi_reduction <add>, %mul3A_508, %reduce_sum3A_509 [1] : vector<256x16x64xf32> to vector<256x64xf32>
    %get3A_511 = arith.constant 960 : index
    %get3A_512 = arith.constant 0 : index
    %get3A_513 = vector.load %arg4[%get3A_511, %get3A_512] : memref<1024x128xf32, #tpu.memory_space<vmem>>, vector<64x128xf32>
    %dot_general3A_514 = arith.constant dense<0.000000e+00> : vector<256x128xf32>
    %dot_general3A_515 = tpu.matmul %reduce_sum3A_510, %get3A_513, %dot_general3A_514 {dimension_numbers = #tpu.dot_dimension_numbers<[1], [0], [0], [1], [0, 0, 1, 1], [], []>, transpose_lhs_hint = false} : vector<256x64xf32>, vector<64x128xf32>, vector<256x128xf32> -> vector<256x128xf32>
    %add3A_516 = arith.addf %add3A_484, %dot_general3A_515 : vector<256x128xf32>
    %swap3A = arith.constant 0 : index
    %swap3A_517 = arith.constant 0 : index
    %swap3A_518 = vector.load %arg5[%swap3A, %swap3A_517] : memref<256x128xf32, #tpu.memory_space<vmem>>, vector<256x128xf32>
    tpu.vector_store %arg5[%swap3A, %swap3A_517], %add3A_516 {strides = array<i32>} : memref<256x128xf32, #tpu.memory_space<vmem>>, vector<256x128xf32>,
    %mul3A_519 = arith.constant 256 : i32
    %mul3A_520 = arith.muli %arg0, %mul3A_519 : i32
    %iota3A = tpu.iota {dimensions = array<i32: 0>} : vector<256x1xi32>
    %add3A_521 = vector.broadcast %mul3A_520 : i32 to vector<256x1xi32>
    %add3A_522 = arith.addi %add3A_521, %iota3A : vector<256x1xi32>
    %lt3A = arith.constant 12500 : i32
    %lt3A_523 = vector.broadcast %lt3A : i32 to vector<256x1xi32>
    %lt3A_524 = arith.cmpi slt, %add3A_522, %lt3A_523 : vector<256x1xi32>
    %jit3A = arith.constant 1.000000e+00 : f32
    %jit3A_525 = arith.constant 0.000000e+00 : f32
    %broadcast_in_dim3A_526 = vector.broadcast %jit3A : f32 to vector<256x1xf32>
    %broadcast_in_dim3A_527 = vector.broadcast %jit3A_525 : f32 to vector<256x1xf32>
    %select_n3A = arith.select %lt3A_524, %broadcast_in_dim3A_526, %broadcast_in_dim3A_527 : vector<256x1xi1>, vector<256x1xf32>
    %mul3A_528 = vector.broadcast %select_n3A : vector<256x1xf32> to vector<256x128xf32>
    %mul3A_529 = arith.mulf %add3A_516, %mul3A_528 : vector<256x128xf32>
    %reduce_sum3A_530 = arith.constant dense<0.000000e+00> : vector<128xf32>
    %reduce_sum3A_531 = vector.multi_reduction <add>, %mul3A_529, %reduce_sum3A_530 [0] : vector<256x128xf32> to vector<128xf32>
    %broadcast_in_dim3A_532 = vector.shape_cast %reduce_sum3A_531 : vector<128xf32> to vector<1x128xf32>
    %mul3A_533 = arith.mulf %mul3A_529, %mul3A_529 : vector<256x128xf32>
    %reduce_sum3A_534 = arith.constant dense<0.000000e+00> : vector<128xf32>
    %reduce_sum3A_535 = vector.multi_reduction <add>, %mul3A_533, %reduce_sum3A_534 [0] : vector<256x128xf32> to vector<128xf32>
    %broadcast_in_dim3A_536 = vector.shape_cast %reduce_sum3A_535 : vector<128xf32> to vector<1x128xf32>
    %eq3A = arith.constant 0 : i32
    %eq3A_537 = arith.cmpi eq, %arg0, %eq3A : i32
    %convert_element_type3A = arith.extui %eq3A_537 : i1 to i32
    %cond3A = arith.constant 0 : i32
    %cond3A_538 = arith.cmpi ne, %convert_element_type3A, %cond3A : i32
    scf.if %cond3A_538 {
      %swap3A_543 = arith.constant 0 : index
      %swap3A_544 = arith.constant 0 : index
      %swap3A_545 = vector.load %arg6[%swap3A_543, %swap3A_544] : memref<1x128xf32, #tpu.memory_space<vmem>>, vector<1x128xf32>
      tpu.vector_store %arg6[%swap3A_543, %swap3A_544], %broadcast_in_dim3A_532 {strides = array<i32>} : memref<1x128xf32, #tpu.memory_space<vmem>>, vector<1x128xf32>,
      %swap3A_546 = arith.constant 0 : index
      %swap3A_547 = arith.constant 0 : index
      %swap3A_548 = vector.load %arg7[%swap3A_546, %swap3A_547] : memref<1x128xf32, #tpu.memory_space<vmem>>, vector<1x128xf32>
      tpu.vector_store %arg7[%swap3A_546, %swap3A_547], %broadcast_in_dim3A_536 {strides = array<i32>} : memref<1x128xf32, #tpu.memory_space<vmem>>, vector<1x128xf32>,
    } else {
    }
    %gt3A = arith.constant 0 : i32
    %gt3A_539 = arith.cmpi sgt, %arg0, %gt3A : i32
    %convert_element_type3A_540 = arith.extui %gt3A_539 : i1 to i32
    %cond3A_541 = arith.constant 0 : i32
    %cond3A_542 = arith.cmpi ne, %convert_element_type3A_540, %cond3A_541 : i32
    scf.if %cond3A_542 {
      %get3A_543 = arith.constant 0 : index
      %get3A_544 = arith.constant 0 : index
      %get3A_545 = vector.load %arg6[%get3A_543, %get3A_544] : memref<1x128xf32, #tpu.memory_space<vmem>>, vector<1x128xf32>
      %add3A_546 = arith.addf %get3A_545, %broadcast_in_dim3A_532 : vector<1x128xf32>
      %swap3A_547 = arith.constant 0 : index
      %swap3A_548 = arith.constant 0 : index
      %swap3A_549 = vector.load %arg6[%swap3A_547, %swap3A_548] : memref<1x128xf32, #tpu.memory_space<vmem>>, vector<1x128xf32>
      tpu.vector_store %arg6[%swap3A_547, %swap3A_548], %add3A_546 {strides = array<i32>} : memref<1x128xf32, #tpu.memory_space<vmem>>, vector<1x128xf32>,
      %get3A_550 = arith.constant 0 : index
      %get3A_551 = arith.constant 0 : index
      %get3A_552 = vector.load %arg7[%get3A_550, %get3A_551] : memref<1x128xf32, #tpu.memory_space<vmem>>, vector<1x128xf32>
      %add3A_553 = arith.addf %get3A_552, %broadcast_in_dim3A_536 : vector<1x128xf32>
      %swap3A_554 = arith.constant 0 : index
      %swap3A_555 = arith.constant 0 : index
      %swap3A_556 = vector.load %arg7[%swap3A_554, %swap3A_555] : memref<1x128xf32, #tpu.memory_space<vmem>>, vector<1x128xf32>
      tpu.vector_store %arg7[%swap3A_554, %swap3A_555], %add3A_553 {strides = array<i32>} : memref<1x128xf32, #tpu.memory_space<vmem>>, vector<1x128xf32>,
    } else {
    }
    return
  }
  func.func @transform_0(%arg0: i32) -> (i32, i32, i32) {
    %c0_i32 = arith.constant 0 : i32
    %c0_i32_0 = arith.constant 0 : i32
    %c0_i32_1 = arith.constant 0 : i32
    return %arg0, %c0_i32, %c0_i32_0 : i32, i32, i32
  }
  func.func @transform_1(%arg0: i32) -> (i32, i32) {
    %c0_i32 = arith.constant 0 : i32
    %c0_i32_0 = arith.constant 0 : i32
    return %arg0, %c0_i32 : i32, i32
  }
  func.func @transform_2(%arg0: i32) -> (i32, i32) {
    %c0_i32 = arith.constant 0 : i32
    %c0_i32_0 = arith.constant 0 : i32
    %c0_i32_1 = arith.constant 0 : i32
    return %c0_i32, %c0_i32_0 : i32, i32
  }
  func.func @transform_3(%arg0: i32) -> (i32, i32) {
    %c0_i32 = arith.constant 0 : i32
    %c0_i32_0 = arith.constant 0 : i32
    %c0_i32_1 = arith.constant 0 : i32
    return %c0_i32, %c0_i32_0 : i32, i32
  }
  func.func @transform_4(%arg0: i32) -> (i32, i32) {
    %c0_i32 = arith.constant 0 : i32
    %c0_i32_0 = arith.constant 0 : i32
    return %arg0, %c0_i32 : i32, i32
  }
  func.func @transform_5(%arg0: i32) -> (i32, i32) {
    %c0_i32 = arith.constant 0 : i32
    %c0_i32_0 = arith.constant 0 : i32
    %c0_i32_1 = arith.constant 0 : i32
    return %c0_i32, %c0_i32_0 : i32, i32
  }
  func.func @transform_6(%arg0: i32) -> (i32, i32) {
    %c0_i32 = arith.constant 0 : i32
    %c0_i32_0 = arith.constant 0 : i32
    %c0_i32_1 = arith.constant 0 : i32
    return %c0_i32, %c0_i32_0 : i32, i32
  }
}

module attributes {stable_mosaic.version = 14 : i64} {
  func.func @body(%arg0: i32, %arg1: memref<512x128xf32, #tpu.memory_space<vmem>>, %arg2: memref<1x128xf32, #tpu.memory_space<vmem>>, %arg3: memref<1x128xf32, #tpu.memory_space<vmem>>, %arg4: memref<1x128xf32, #tpu.memory_space<vmem>>, %arg5: memref<1x128xf32, #tpu.memory_space<vmem>>, %arg6: memref<512x3xf32, #tpu.memory_space<vmem>>, %arg7: memref<512x136xf32, #tpu.memory_space<vmem>>) attributes {dimension_semantics = [#tpu.dimension_semantics<arbitrary>], iteration_bounds = array<i64: 25>, scalar_prefetch = 0 : i64, scratch_operands = 0 : i64, tpu.core_type = #tpu.core_type<tc>, window_params = [{transform_indices = @transform_0, window_bounds = array<i64: 512, 128>}, {pipeline_mode = #tpu.pipeline_mode<synchronous>, transform_indices = @transform_1, window_bounds = array<i64: 1, 128>}, {pipeline_mode = #tpu.pipeline_mode<synchronous>, transform_indices = @transform_2, window_bounds = array<i64: 1, 128>}, {pipeline_mode = #tpu.pipeline_mode<synchronous>, transform_indices = @transform_3, window_bounds = array<i64: 1, 128>}, {pipeline_mode = #tpu.pipeline_mode<synchronous>, transform_indices = @transform_4, window_bounds = array<i64: 1, 128>}, {transform_indices = @transform_5, window_bounds = array<i64: 512, 3>}, {transform_indices = @transform_6, window_bounds = array<i64: 512, 136>}]} {
    %get3A = arith.constant 0 : index
    %get3A_0 = arith.constant 0 : index
    %get3A_1 = vector.load %arg2[%get3A, %get3A_0] : memref<1x128xf32, #tpu.memory_space<vmem>>, vector<1x128xf32>
    %div3A = arith.constant 1.250000e+04 : f32
    %div3A_2 = vector.broadcast %div3A : f32 to vector<1x128xf32>
    %div3A_3 = arith.divf %get3A_1, %div3A_2 : vector<1x128xf32>
    %get3A_4 = arith.constant 0 : index
    %get3A_5 = arith.constant 0 : index
    %get3A_6 = vector.load %arg3[%get3A_4, %get3A_5] : memref<1x128xf32, #tpu.memory_space<vmem>>, vector<1x128xf32>
    %div3A_7 = arith.constant 1.250000e+04 : f32
    %div3A_8 = vector.broadcast %div3A_7 : f32 to vector<1x128xf32>
    %div3A_9 = arith.divf %get3A_6, %div3A_8 : vector<1x128xf32>
    %mul3A = arith.mulf %div3A_3, %div3A_3 : vector<1x128xf32>
    %sub3A = arith.subf %div3A_9, %mul3A : vector<1x128xf32>
    %add3A = arith.constant 9.99999974E-6 : f32
    %add3A_10 = vector.broadcast %add3A : f32 to vector<1x128xf32>
    %add3A_11 = arith.addf %sub3A, %add3A_10 : vector<1x128xf32>
    %rsqrt3A = math.rsqrt %add3A_11 : vector<1x128xf32>
    %get3A_12 = arith.constant 0 : index
    %get3A_13 = arith.constant 0 : index
    %get3A_14 = vector.load %arg4[%get3A_12, %get3A_13] : memref<1x128xf32, #tpu.memory_space<vmem>>, vector<1x128xf32>
    %mul3A_15 = arith.mulf %rsqrt3A, %get3A_14 : vector<1x128xf32>
    %get3A_16 = arith.constant 0 : index
    %get3A_17 = arith.constant 0 : index
    %get3A_18 = vector.load %arg1[%get3A_16, %get3A_17] : memref<512x128xf32, #tpu.memory_space<vmem>>, vector<512x128xf32>
    %sub3A_19 = vector.broadcast %div3A_3 : vector<1x128xf32> to vector<512x128xf32>
    %sub3A_20 = arith.subf %get3A_18, %sub3A_19 : vector<512x128xf32>
    %mul3A_21 = vector.broadcast %mul3A_15 : vector<1x128xf32> to vector<512x128xf32>
    %mul3A_22 = arith.mulf %sub3A_20, %mul3A_21 : vector<512x128xf32>
    %get3A_23 = arith.constant 0 : index
    %get3A_24 = arith.constant 0 : index
    %get3A_25 = vector.load %arg5[%get3A_23, %get3A_24] : memref<1x128xf32, #tpu.memory_space<vmem>>, vector<1x128xf32>
    %add3A_26 = vector.broadcast %get3A_25 : vector<1x128xf32> to vector<512x128xf32>
    %add3A_27 = arith.addf %mul3A_22, %add3A_26 : vector<512x128xf32>
    %ge3A = arith.constant 0.000000e+00 : f32
    %ge3A_28 = vector.broadcast %ge3A : f32 to vector<512x128xf32>
    %ge3A_29 = arith.cmpf oge, %add3A_27, %ge3A_28 : vector<512x128xf32>
    %mul3A_30 = arith.constant 1.000000e-01 : f32
    %mul3A_31 = vector.broadcast %mul3A_30 : f32 to vector<512x128xf32>
    %mul3A_32 = arith.mulf %mul3A_31, %add3A_27 : vector<512x128xf32>
    %select_n3A = arith.select %ge3A_29, %add3A_27, %mul3A_32 : vector<512x128xi1>, vector<512x128xf32>
    %broadcast_in_dim3A = arith.constant 0.000000e+00 : f32
    %broadcast_in_dim3A_33 = vector.broadcast %broadcast_in_dim3A : f32 to vector<512x5xf32>
    %get3A_34 = arith.constant 0 : index
    %get3A_35 = arith.constant 0 : index
    %get3A_36 = vector.load %arg6[%get3A_34, %get3A_35] : memref<512x3xf32, #tpu.memory_space<vmem>>, vector<512x3xf32>
    %concatenate3A = tpu.concatenate %select_n3A, %get3A_36, %broadcast_in_dim3A_33 in 1 : vector<512x128xf32>, vector<512x3xf32>, vector<512x5xf32> -> vector<512x136xf32>
    %swap3A = arith.constant 0 : index
    %swap3A_37 = arith.constant 0 : index
    %swap3A_38 = vector.load %arg7[%swap3A, %swap3A_37] : memref<512x136xf32, #tpu.memory_space<vmem>>, vector<512x136xf32>
    tpu.vector_store %arg7[%swap3A, %swap3A_37], %concatenate3A {strides = array<i32>} : memref<512x136xf32, #tpu.memory_space<vmem>>, vector<512x136xf32>,
    return
  }
  func.func @transform_0(%arg0: i32) -> (i32, i32) {
    %c0_i32 = arith.constant 0 : i32
    %c0_i32_0 = arith.constant 0 : i32
    return %arg0, %c0_i32 : i32, i32
  }
  func.func @transform_1(%arg0: i32) -> (i32, i32) {
    %c0_i32 = arith.constant 0 : i32
    %c0_i32_0 = arith.constant 0 : i32
    %c0_i32_1 = arith.constant 0 : i32
    return %c0_i32, %c0_i32_0 : i32, i32
  }
  func.func @transform_2(%arg0: i32) -> (i32, i32) {
    %c0_i32 = arith.constant 0 : i32
    %c0_i32_0 = arith.constant 0 : i32
    %c0_i32_1 = arith.constant 0 : i32
    return %c0_i32, %c0_i32_0 : i32, i32
  }
  func.func @transform_3(%arg0: i32) -> (i32, i32) {
    %c0_i32 = arith.constant 0 : i32
    %c0_i32_0 = arith.constant 0 : i32
    %c0_i32_1 = arith.constant 0 : i32
    return %c0_i32, %c0_i32_0 : i32, i32
  }
  func.func @transform_4(%arg0: i32) -> (i32, i32) {
    %c0_i32 = arith.constant 0 : i32
    %c0_i32_0 = arith.constant 0 : i32
    %c0_i32_1 = arith.constant 0 : i32
    return %c0_i32, %c0_i32_0 : i32, i32
  }
  func.func @transform_5(%arg0: i32) -> (i32, i32) {
    %c0_i32 = arith.constant 0 : i32
    %c0_i32_0 = arith.constant 0 : i32
    return %arg0, %c0_i32 : i32, i32
  }
  func.func @transform_6(%arg0: i32) -> (i32, i32) {
    %c0_i32 = arith.constant 0 : i32
    %c0_i32_0 = arith.constant 0 : i32
    return %arg0, %c0_i32 : i32, i32
  }
}

module attributes {stable_mosaic.version = 14 : i64} {
  func.func @body(%arg0: i32, %arg1: memref<128x16x136xf32, #tpu.memory_space<vmem>>, %arg2: memref<128x3xf32, #tpu.memory_space<vmem>>, %arg3: memref<16x3xf32, #tpu.memory_space<vmem>>, %arg4: memref<2048x128xf32, #tpu.memory_space<vmem>>, %arg5: memref<128x128xf32, #tpu.memory_space<vmem>>, %arg6: memref<1x128xf32, #tpu.memory_space<vmem>>, %arg7: memref<1x128xf32, #tpu.memory_space<vmem>>) attributes {dimension_semantics = [#tpu.dimension_semantics<arbitrary>], iteration_bounds = array<i64: 100>, scalar_prefetch = 0 : i64, scratch_operands = 0 : i64, tpu.core_type = #tpu.core_type<tc>, window_params = [{transform_indices = @transform_0, window_bounds = array<i64: 128, 16, 136>}, {transform_indices = @transform_1, window_bounds = array<i64: 128, 3>}, {pipeline_mode = #tpu.pipeline_mode<synchronous>, transform_indices = @transform_2, window_bounds = array<i64: 16, 3>}, {pipeline_mode = #tpu.pipeline_mode<synchronous>, transform_indices = @transform_3, window_bounds = array<i64: 2048, 128>}, {transform_indices = @transform_4, window_bounds = array<i64: 128, 128>}, {pipeline_mode = #tpu.pipeline_mode<synchronous>, transform_indices = @transform_5, window_bounds = array<i64: 1, 128>}, {pipeline_mode = #tpu.pipeline_mode<synchronous>, transform_indices = @transform_6, window_bounds = array<i64: 1, 128>}]} {
    %get3A = arith.constant 0 : index
    %get3A_0 = arith.constant 0 : index
    %get3A_1 = arith.constant 0 : index
    %get3A_2 = vector.load %arg1[%get3A, %get3A_0, %get3A_1] : memref<128x16x136xf32, #tpu.memory_space<vmem>>, vector<128x16x136xf32>
    %slice3A = vector.extract_strided_slice %get3A_2 {offsets = [0, 0, 0], sizes = [128, 16, 128], strides = [1, 1, 1]} : vector<128x16x136xf32> to vector<128x16x128xf32>
    %slice3A_3 = vector.extract_strided_slice %get3A_2 {offsets = [0, 0, 128], sizes = [128, 16, 3], strides = [1, 1, 1]} : vector<128x16x136xf32> to vector<128x16x3xf32>
    %get3A_4 = arith.constant 0 : index
    %get3A_5 = arith.constant 0 : index
    %get3A_6 = vector.load %arg2[%get3A_4, %get3A_5] : memref<128x3xf32, #tpu.memory_space<vmem>>, vector<128x3xf32>
    %broadcast_in_dim3A = vector.shape_cast %get3A_6 : vector<128x3xf32> to vector<128x1x3xf32>
    %sub3A = vector.broadcast %broadcast_in_dim3A : vector<128x1x3xf32> to vector<128x16x3xf32>
    %sub3A_7 = arith.subf %slice3A_3, %sub3A : vector<128x16x3xf32>
    %get3A_8 = arith.constant 0 : index
    %get3A_9 = arith.constant 0 : index
    %get3A_10 = vector.load %arg3[%get3A_8, %get3A_9] : memref<16x3xf32, #tpu.memory_space<vmem>>, vector<16x3xf32>
    %broadcast_in_dim3A_11 = arith.constant 0.000000e+00 : f32
    %broadcast_in_dim3A_12 = vector.broadcast %broadcast_in_dim3A_11 : f32 to vector<128x128xf32>
    %slice3A_13 = vector.extract_strided_slice %get3A_10 {offsets = [0, 0], sizes = [1, 3], strides = [1, 1]} : vector<16x3xf32> to vector<1x3xf32>
    %squeeze3A = vector.shape_cast %slice3A_13 : vector<1x3xf32> to vector<3xf32>
    %broadcast_in_dim3A_14 = vector.shape_cast %squeeze3A : vector<3xf32> to vector<1x1x3xf32>
    %sub3A_15 = vector.broadcast %broadcast_in_dim3A_14 : vector<1x1x3xf32> to vector<128x16x3xf32>
    %sub3A_16 = arith.subf %sub3A_7, %sub3A_15 : vector<128x16x3xf32>
    %mul3A = arith.mulf %sub3A_16, %sub3A_16 : vector<128x16x3xf32>
    %reduce_sum3A = arith.constant dense<0.000000e+00> : vector<128x16xf32>
    %reduce_sum3A_17 = vector.multi_reduction <add>, %mul3A, %reduce_sum3A [2] : vector<128x16x3xf32> to vector<128x16xf32>
    %add3A = arith.constant 9.99999996E-13 : f32
    %add3A_18 = vector.broadcast %add3A : f32 to vector<128x16xf32>
    %add3A_19 = arith.addf %reduce_sum3A_17, %add3A_18 : vector<128x16xf32>
    %sqrt3A = math.sqrt %add3A_19 : vector<128x16xf32>
    %div3A = arith.constant 2.400000e-01 : f32
    %div3A_20 = vector.broadcast %div3A : f32 to vector<128x16xf32>
    %div3A_21 = arith.divf %sqrt3A, %div3A_20 : vector<128x16xf32>
    %sub3A_22 = arith.constant 1.000000e+00 : f32
    %sub3A_23 = vector.broadcast %sub3A_22 : f32 to vector<128x16xf32>
    %sub3A_24 = arith.subf %sub3A_23, %div3A_21 : vector<128x16xf32>
    %max3A = arith.constant 0.000000e+00 : f32
    %max3A_25 = vector.broadcast %max3A : f32 to vector<128x16xf32>
    %max3A_26 = arith.maximumf %sub3A_24, %max3A_25 : vector<128x16xf32>
    %broadcast_in_dim3A_27 = vector.shape_cast %max3A_26 : vector<128x16xf32> to vector<128x16x1xf32>
    %mul3A_28 = vector.broadcast %broadcast_in_dim3A_27 : vector<128x16x1xf32> to vector<128x16x128xf32>
    %mul3A_29 = arith.mulf %mul3A_28, %slice3A : vector<128x16x128xf32>
    %reduce_sum3A_30 = arith.constant dense<0.000000e+00> : vector<128x128xf32>
    %reduce_sum3A_31 = vector.multi_reduction <add>, %mul3A_29, %reduce_sum3A_30 [1] : vector<128x16x128xf32> to vector<128x128xf32>
    %get3A_32 = arith.constant 0 : index
    %get3A_33 = arith.constant 0 : index
    %get3A_34 = vector.load %arg4[%get3A_32, %get3A_33] : memref<2048x128xf32, #tpu.memory_space<vmem>>, vector<128x128xf32>
    %dot_general3A = arith.constant dense<0.000000e+00> : vector<128x128xf32>
    %dot_general3A_35 = tpu.matmul %reduce_sum3A_31, %get3A_34, %dot_general3A {dimension_numbers = #tpu.dot_dimension_numbers<[1], [0], [0], [1], [0, 0, 1, 1], [], []>, transpose_lhs_hint = false} : vector<128x128xf32>, vector<128x128xf32>, vector<128x128xf32> -> vector<128x128xf32>
    %add3A_36 = arith.addf %broadcast_in_dim3A_12, %dot_general3A_35 : vector<128x128xf32>
    %slice3A_37 = vector.extract_strided_slice %get3A_10 {offsets = [1, 0], sizes = [1, 3], strides = [1, 1]} : vector<16x3xf32> to vector<1x3xf32>
    %squeeze3A_38 = vector.shape_cast %slice3A_37 : vector<1x3xf32> to vector<3xf32>
    %broadcast_in_dim3A_39 = vector.shape_cast %squeeze3A_38 : vector<3xf32> to vector<1x1x3xf32>
    %sub3A_40 = vector.broadcast %broadcast_in_dim3A_39 : vector<1x1x3xf32> to vector<128x16x3xf32>
    %sub3A_41 = arith.subf %sub3A_7, %sub3A_40 : vector<128x16x3xf32>
    %mul3A_42 = arith.mulf %sub3A_41, %sub3A_41 : vector<128x16x3xf32>
    %reduce_sum3A_43 = arith.constant dense<0.000000e+00> : vector<128x16xf32>
    %reduce_sum3A_44 = vector.multi_reduction <add>, %mul3A_42, %reduce_sum3A_43 [2] : vector<128x16x3xf32> to vector<128x16xf32>
    %add3A_45 = arith.constant 9.99999996E-13 : f32
    %add3A_46 = vector.broadcast %add3A_45 : f32 to vector<128x16xf32>
    %add3A_47 = arith.addf %reduce_sum3A_44, %add3A_46 : vector<128x16xf32>
    %sqrt3A_48 = math.sqrt %add3A_47 : vector<128x16xf32>
    %div3A_49 = arith.constant 2.400000e-01 : f32
    %div3A_50 = vector.broadcast %div3A_49 : f32 to vector<128x16xf32>
    %div3A_51 = arith.divf %sqrt3A_48, %div3A_50 : vector<128x16xf32>
    %sub3A_52 = arith.constant 1.000000e+00 : f32
    %sub3A_53 = vector.broadcast %sub3A_52 : f32 to vector<128x16xf32>
    %sub3A_54 = arith.subf %sub3A_53, %div3A_51 : vector<128x16xf32>
    %max3A_55 = arith.constant 0.000000e+00 : f32
    %max3A_56 = vector.broadcast %max3A_55 : f32 to vector<128x16xf32>
    %max3A_57 = arith.maximumf %sub3A_54, %max3A_56 : vector<128x16xf32>
    %broadcast_in_dim3A_58 = vector.shape_cast %max3A_57 : vector<128x16xf32> to vector<128x16x1xf32>
    %mul3A_59 = vector.broadcast %broadcast_in_dim3A_58 : vector<128x16x1xf32> to vector<128x16x128xf32>
    %mul3A_60 = arith.mulf %mul3A_59, %slice3A : vector<128x16x128xf32>
    %reduce_sum3A_61 = arith.constant dense<0.000000e+00> : vector<128x128xf32>
    %reduce_sum3A_62 = vector.multi_reduction <add>, %mul3A_60, %reduce_sum3A_61 [1] : vector<128x16x128xf32> to vector<128x128xf32>
    %get3A_63 = arith.constant 128 : index
    %get3A_64 = arith.constant 0 : index
    %get3A_65 = vector.load %arg4[%get3A_63, %get3A_64] : memref<2048x128xf32, #tpu.memory_space<vmem>>, vector<128x128xf32>
    %dot_general3A_66 = arith.constant dense<0.000000e+00> : vector<128x128xf32>
    %dot_general3A_67 = tpu.matmul %reduce_sum3A_62, %get3A_65, %dot_general3A_66 {dimension_numbers = #tpu.dot_dimension_numbers<[1], [0], [0], [1], [0, 0, 1, 1], [], []>, transpose_lhs_hint = false} : vector<128x128xf32>, vector<128x128xf32>, vector<128x128xf32> -> vector<128x128xf32>
    %add3A_68 = arith.addf %add3A_36, %dot_general3A_67 : vector<128x128xf32>
    %slice3A_69 = vector.extract_strided_slice %get3A_10 {offsets = [2, 0], sizes = [1, 3], strides = [1, 1]} : vector<16x3xf32> to vector<1x3xf32>
    %squeeze3A_70 = vector.shape_cast %slice3A_69 : vector<1x3xf32> to vector<3xf32>
    %broadcast_in_dim3A_71 = vector.shape_cast %squeeze3A_70 : vector<3xf32> to vector<1x1x3xf32>
    %sub3A_72 = vector.broadcast %broadcast_in_dim3A_71 : vector<1x1x3xf32> to vector<128x16x3xf32>
    %sub3A_73 = arith.subf %sub3A_7, %sub3A_72 : vector<128x16x3xf32>
    %mul3A_74 = arith.mulf %sub3A_73, %sub3A_73 : vector<128x16x3xf32>
    %reduce_sum3A_75 = arith.constant dense<0.000000e+00> : vector<128x16xf32>
    %reduce_sum3A_76 = vector.multi_reduction <add>, %mul3A_74, %reduce_sum3A_75 [2] : vector<128x16x3xf32> to vector<128x16xf32>
    %add3A_77 = arith.constant 9.99999996E-13 : f32
    %add3A_78 = vector.broadcast %add3A_77 : f32 to vector<128x16xf32>
    %add3A_79 = arith.addf %reduce_sum3A_76, %add3A_78 : vector<128x16xf32>
    %sqrt3A_80 = math.sqrt %add3A_79 : vector<128x16xf32>
    %div3A_81 = arith.constant 2.400000e-01 : f32
    %div3A_82 = vector.broadcast %div3A_81 : f32 to vector<128x16xf32>
    %div3A_83 = arith.divf %sqrt3A_80, %div3A_82 : vector<128x16xf32>
    %sub3A_84 = arith.constant 1.000000e+00 : f32
    %sub3A_85 = vector.broadcast %sub3A_84 : f32 to vector<128x16xf32>
    %sub3A_86 = arith.subf %sub3A_85, %div3A_83 : vector<128x16xf32>
    %max3A_87 = arith.constant 0.000000e+00 : f32
    %max3A_88 = vector.broadcast %max3A_87 : f32 to vector<128x16xf32>
    %max3A_89 = arith.maximumf %sub3A_86, %max3A_88 : vector<128x16xf32>
    %broadcast_in_dim3A_90 = vector.shape_cast %max3A_89 : vector<128x16xf32> to vector<128x16x1xf32>
    %mul3A_91 = vector.broadcast %broadcast_in_dim3A_90 : vector<128x16x1xf32> to vector<128x16x128xf32>
    %mul3A_92 = arith.mulf %mul3A_91, %slice3A : vector<128x16x128xf32>
    %reduce_sum3A_93 = arith.constant dense<0.000000e+00> : vector<128x128xf32>
    %reduce_sum3A_94 = vector.multi_reduction <add>, %mul3A_92, %reduce_sum3A_93 [1] : vector<128x16x128xf32> to vector<128x128xf32>
    %get3A_95 = arith.constant 256 : index
    %get3A_96 = arith.constant 0 : index
    %get3A_97 = vector.load %arg4[%get3A_95, %get3A_96] : memref<2048x128xf32, #tpu.memory_space<vmem>>, vector<128x128xf32>
    %dot_general3A_98 = arith.constant dense<0.000000e+00> : vector<128x128xf32>
    %dot_general3A_99 = tpu.matmul %reduce_sum3A_94, %get3A_97, %dot_general3A_98 {dimension_numbers = #tpu.dot_dimension_numbers<[1], [0], [0], [1], [0, 0, 1, 1], [], []>, transpose_lhs_hint = false} : vector<128x128xf32>, vector<128x128xf32>, vector<128x128xf32> -> vector<128x128xf32>
    %add3A_100 = arith.addf %add3A_68, %dot_general3A_99 : vector<128x128xf32>
    %slice3A_101 = vector.extract_strided_slice %get3A_10 {offsets = [3, 0], sizes = [1, 3], strides = [1, 1]} : vector<16x3xf32> to vector<1x3xf32>
    %squeeze3A_102 = vector.shape_cast %slice3A_101 : vector<1x3xf32> to vector<3xf32>
    %broadcast_in_dim3A_103 = vector.shape_cast %squeeze3A_102 : vector<3xf32> to vector<1x1x3xf32>
    %sub3A_104 = vector.broadcast %broadcast_in_dim3A_103 : vector<1x1x3xf32> to vector<128x16x3xf32>
    %sub3A_105 = arith.subf %sub3A_7, %sub3A_104 : vector<128x16x3xf32>
    %mul3A_106 = arith.mulf %sub3A_105, %sub3A_105 : vector<128x16x3xf32>
    %reduce_sum3A_107 = arith.constant dense<0.000000e+00> : vector<128x16xf32>
    %reduce_sum3A_108 = vector.multi_reduction <add>, %mul3A_106, %reduce_sum3A_107 [2] : vector<128x16x3xf32> to vector<128x16xf32>
    %add3A_109 = arith.constant 9.99999996E-13 : f32
    %add3A_110 = vector.broadcast %add3A_109 : f32 to vector<128x16xf32>
    %add3A_111 = arith.addf %reduce_sum3A_108, %add3A_110 : vector<128x16xf32>
    %sqrt3A_112 = math.sqrt %add3A_111 : vector<128x16xf32>
    %div3A_113 = arith.constant 2.400000e-01 : f32
    %div3A_114 = vector.broadcast %div3A_113 : f32 to vector<128x16xf32>
    %div3A_115 = arith.divf %sqrt3A_112, %div3A_114 : vector<128x16xf32>
    %sub3A_116 = arith.constant 1.000000e+00 : f32
    %sub3A_117 = vector.broadcast %sub3A_116 : f32 to vector<128x16xf32>
    %sub3A_118 = arith.subf %sub3A_117, %div3A_115 : vector<128x16xf32>
    %max3A_119 = arith.constant 0.000000e+00 : f32
    %max3A_120 = vector.broadcast %max3A_119 : f32 to vector<128x16xf32>
    %max3A_121 = arith.maximumf %sub3A_118, %max3A_120 : vector<128x16xf32>
    %broadcast_in_dim3A_122 = vector.shape_cast %max3A_121 : vector<128x16xf32> to vector<128x16x1xf32>
    %mul3A_123 = vector.broadcast %broadcast_in_dim3A_122 : vector<128x16x1xf32> to vector<128x16x128xf32>
    %mul3A_124 = arith.mulf %mul3A_123, %slice3A : vector<128x16x128xf32>
    %reduce_sum3A_125 = arith.constant dense<0.000000e+00> : vector<128x128xf32>
    %reduce_sum3A_126 = vector.multi_reduction <add>, %mul3A_124, %reduce_sum3A_125 [1] : vector<128x16x128xf32> to vector<128x128xf32>
    %get3A_127 = arith.constant 384 : index
    %get3A_128 = arith.constant 0 : index
    %get3A_129 = vector.load %arg4[%get3A_127, %get3A_128] : memref<2048x128xf32, #tpu.memory_space<vmem>>, vector<128x128xf32>
    %dot_general3A_130 = arith.constant dense<0.000000e+00> : vector<128x128xf32>
    %dot_general3A_131 = tpu.matmul %reduce_sum3A_126, %get3A_129, %dot_general3A_130 {dimension_numbers = #tpu.dot_dimension_numbers<[1], [0], [0], [1], [0, 0, 1, 1], [], []>, transpose_lhs_hint = false} : vector<128x128xf32>, vector<128x128xf32>, vector<128x128xf32> -> vector<128x128xf32>
    %add3A_132 = arith.addf %add3A_100, %dot_general3A_131 : vector<128x128xf32>
    %slice3A_133 = vector.extract_strided_slice %get3A_10 {offsets = [4, 0], sizes = [1, 3], strides = [1, 1]} : vector<16x3xf32> to vector<1x3xf32>
    %squeeze3A_134 = vector.shape_cast %slice3A_133 : vector<1x3xf32> to vector<3xf32>
    %broadcast_in_dim3A_135 = vector.shape_cast %squeeze3A_134 : vector<3xf32> to vector<1x1x3xf32>
    %sub3A_136 = vector.broadcast %broadcast_in_dim3A_135 : vector<1x1x3xf32> to vector<128x16x3xf32>
    %sub3A_137 = arith.subf %sub3A_7, %sub3A_136 : vector<128x16x3xf32>
    %mul3A_138 = arith.mulf %sub3A_137, %sub3A_137 : vector<128x16x3xf32>
    %reduce_sum3A_139 = arith.constant dense<0.000000e+00> : vector<128x16xf32>
    %reduce_sum3A_140 = vector.multi_reduction <add>, %mul3A_138, %reduce_sum3A_139 [2] : vector<128x16x3xf32> to vector<128x16xf32>
    %add3A_141 = arith.constant 9.99999996E-13 : f32
    %add3A_142 = vector.broadcast %add3A_141 : f32 to vector<128x16xf32>
    %add3A_143 = arith.addf %reduce_sum3A_140, %add3A_142 : vector<128x16xf32>
    %sqrt3A_144 = math.sqrt %add3A_143 : vector<128x16xf32>
    %div3A_145 = arith.constant 2.400000e-01 : f32
    %div3A_146 = vector.broadcast %div3A_145 : f32 to vector<128x16xf32>
    %div3A_147 = arith.divf %sqrt3A_144, %div3A_146 : vector<128x16xf32>
    %sub3A_148 = arith.constant 1.000000e+00 : f32
    %sub3A_149 = vector.broadcast %sub3A_148 : f32 to vector<128x16xf32>
    %sub3A_150 = arith.subf %sub3A_149, %div3A_147 : vector<128x16xf32>
    %max3A_151 = arith.constant 0.000000e+00 : f32
    %max3A_152 = vector.broadcast %max3A_151 : f32 to vector<128x16xf32>
    %max3A_153 = arith.maximumf %sub3A_150, %max3A_152 : vector<128x16xf32>
    %broadcast_in_dim3A_154 = vector.shape_cast %max3A_153 : vector<128x16xf32> to vector<128x16x1xf32>
    %mul3A_155 = vector.broadcast %broadcast_in_dim3A_154 : vector<128x16x1xf32> to vector<128x16x128xf32>
    %mul3A_156 = arith.mulf %mul3A_155, %slice3A : vector<128x16x128xf32>
    %reduce_sum3A_157 = arith.constant dense<0.000000e+00> : vector<128x128xf32>
    %reduce_sum3A_158 = vector.multi_reduction <add>, %mul3A_156, %reduce_sum3A_157 [1] : vector<128x16x128xf32> to vector<128x128xf32>
    %get3A_159 = arith.constant 512 : index
    %get3A_160 = arith.constant 0 : index
    %get3A_161 = vector.load %arg4[%get3A_159, %get3A_160] : memref<2048x128xf32, #tpu.memory_space<vmem>>, vector<128x128xf32>
    %dot_general3A_162 = arith.constant dense<0.000000e+00> : vector<128x128xf32>
    %dot_general3A_163 = tpu.matmul %reduce_sum3A_158, %get3A_161, %dot_general3A_162 {dimension_numbers = #tpu.dot_dimension_numbers<[1], [0], [0], [1], [0, 0, 1, 1], [], []>, transpose_lhs_hint = false} : vector<128x128xf32>, vector<128x128xf32>, vector<128x128xf32> -> vector<128x128xf32>
    %add3A_164 = arith.addf %add3A_132, %dot_general3A_163 : vector<128x128xf32>
    %slice3A_165 = vector.extract_strided_slice %get3A_10 {offsets = [5, 0], sizes = [1, 3], strides = [1, 1]} : vector<16x3xf32> to vector<1x3xf32>
    %squeeze3A_166 = vector.shape_cast %slice3A_165 : vector<1x3xf32> to vector<3xf32>
    %broadcast_in_dim3A_167 = vector.shape_cast %squeeze3A_166 : vector<3xf32> to vector<1x1x3xf32>
    %sub3A_168 = vector.broadcast %broadcast_in_dim3A_167 : vector<1x1x3xf32> to vector<128x16x3xf32>
    %sub3A_169 = arith.subf %sub3A_7, %sub3A_168 : vector<128x16x3xf32>
    %mul3A_170 = arith.mulf %sub3A_169, %sub3A_169 : vector<128x16x3xf32>
    %reduce_sum3A_171 = arith.constant dense<0.000000e+00> : vector<128x16xf32>
    %reduce_sum3A_172 = vector.multi_reduction <add>, %mul3A_170, %reduce_sum3A_171 [2] : vector<128x16x3xf32> to vector<128x16xf32>
    %add3A_173 = arith.constant 9.99999996E-13 : f32
    %add3A_174 = vector.broadcast %add3A_173 : f32 to vector<128x16xf32>
    %add3A_175 = arith.addf %reduce_sum3A_172, %add3A_174 : vector<128x16xf32>
    %sqrt3A_176 = math.sqrt %add3A_175 : vector<128x16xf32>
    %div3A_177 = arith.constant 2.400000e-01 : f32
    %div3A_178 = vector.broadcast %div3A_177 : f32 to vector<128x16xf32>
    %div3A_179 = arith.divf %sqrt3A_176, %div3A_178 : vector<128x16xf32>
    %sub3A_180 = arith.constant 1.000000e+00 : f32
    %sub3A_181 = vector.broadcast %sub3A_180 : f32 to vector<128x16xf32>
    %sub3A_182 = arith.subf %sub3A_181, %div3A_179 : vector<128x16xf32>
    %max3A_183 = arith.constant 0.000000e+00 : f32
    %max3A_184 = vector.broadcast %max3A_183 : f32 to vector<128x16xf32>
    %max3A_185 = arith.maximumf %sub3A_182, %max3A_184 : vector<128x16xf32>
    %broadcast_in_dim3A_186 = vector.shape_cast %max3A_185 : vector<128x16xf32> to vector<128x16x1xf32>
    %mul3A_187 = vector.broadcast %broadcast_in_dim3A_186 : vector<128x16x1xf32> to vector<128x16x128xf32>
    %mul3A_188 = arith.mulf %mul3A_187, %slice3A : vector<128x16x128xf32>
    %reduce_sum3A_189 = arith.constant dense<0.000000e+00> : vector<128x128xf32>
    %reduce_sum3A_190 = vector.multi_reduction <add>, %mul3A_188, %reduce_sum3A_189 [1] : vector<128x16x128xf32> to vector<128x128xf32>
    %get3A_191 = arith.constant 640 : index
    %get3A_192 = arith.constant 0 : index
    %get3A_193 = vector.load %arg4[%get3A_191, %get3A_192] : memref<2048x128xf32, #tpu.memory_space<vmem>>, vector<128x128xf32>
    %dot_general3A_194 = arith.constant dense<0.000000e+00> : vector<128x128xf32>
    %dot_general3A_195 = tpu.matmul %reduce_sum3A_190, %get3A_193, %dot_general3A_194 {dimension_numbers = #tpu.dot_dimension_numbers<[1], [0], [0], [1], [0, 0, 1, 1], [], []>, transpose_lhs_hint = false} : vector<128x128xf32>, vector<128x128xf32>, vector<128x128xf32> -> vector<128x128xf32>
    %add3A_196 = arith.addf %add3A_164, %dot_general3A_195 : vector<128x128xf32>
    %slice3A_197 = vector.extract_strided_slice %get3A_10 {offsets = [6, 0], sizes = [1, 3], strides = [1, 1]} : vector<16x3xf32> to vector<1x3xf32>
    %squeeze3A_198 = vector.shape_cast %slice3A_197 : vector<1x3xf32> to vector<3xf32>
    %broadcast_in_dim3A_199 = vector.shape_cast %squeeze3A_198 : vector<3xf32> to vector<1x1x3xf32>
    %sub3A_200 = vector.broadcast %broadcast_in_dim3A_199 : vector<1x1x3xf32> to vector<128x16x3xf32>
    %sub3A_201 = arith.subf %sub3A_7, %sub3A_200 : vector<128x16x3xf32>
    %mul3A_202 = arith.mulf %sub3A_201, %sub3A_201 : vector<128x16x3xf32>
    %reduce_sum3A_203 = arith.constant dense<0.000000e+00> : vector<128x16xf32>
    %reduce_sum3A_204 = vector.multi_reduction <add>, %mul3A_202, %reduce_sum3A_203 [2] : vector<128x16x3xf32> to vector<128x16xf32>
    %add3A_205 = arith.constant 9.99999996E-13 : f32
    %add3A_206 = vector.broadcast %add3A_205 : f32 to vector<128x16xf32>
    %add3A_207 = arith.addf %reduce_sum3A_204, %add3A_206 : vector<128x16xf32>
    %sqrt3A_208 = math.sqrt %add3A_207 : vector<128x16xf32>
    %div3A_209 = arith.constant 2.400000e-01 : f32
    %div3A_210 = vector.broadcast %div3A_209 : f32 to vector<128x16xf32>
    %div3A_211 = arith.divf %sqrt3A_208, %div3A_210 : vector<128x16xf32>
    %sub3A_212 = arith.constant 1.000000e+00 : f32
    %sub3A_213 = vector.broadcast %sub3A_212 : f32 to vector<128x16xf32>
    %sub3A_214 = arith.subf %sub3A_213, %div3A_211 : vector<128x16xf32>
    %max3A_215 = arith.constant 0.000000e+00 : f32
    %max3A_216 = vector.broadcast %max3A_215 : f32 to vector<128x16xf32>
    %max3A_217 = arith.maximumf %sub3A_214, %max3A_216 : vector<128x16xf32>
    %broadcast_in_dim3A_218 = vector.shape_cast %max3A_217 : vector<128x16xf32> to vector<128x16x1xf32>
    %mul3A_219 = vector.broadcast %broadcast_in_dim3A_218 : vector<128x16x1xf32> to vector<128x16x128xf32>
    %mul3A_220 = arith.mulf %mul3A_219, %slice3A : vector<128x16x128xf32>
    %reduce_sum3A_221 = arith.constant dense<0.000000e+00> : vector<128x128xf32>
    %reduce_sum3A_222 = vector.multi_reduction <add>, %mul3A_220, %reduce_sum3A_221 [1] : vector<128x16x128xf32> to vector<128x128xf32>
    %get3A_223 = arith.constant 768 : index
    %get3A_224 = arith.constant 0 : index
    %get3A_225 = vector.load %arg4[%get3A_223, %get3A_224] : memref<2048x128xf32, #tpu.memory_space<vmem>>, vector<128x128xf32>
    %dot_general3A_226 = arith.constant dense<0.000000e+00> : vector<128x128xf32>
    %dot_general3A_227 = tpu.matmul %reduce_sum3A_222, %get3A_225, %dot_general3A_226 {dimension_numbers = #tpu.dot_dimension_numbers<[1], [0], [0], [1], [0, 0, 1, 1], [], []>, transpose_lhs_hint = false} : vector<128x128xf32>, vector<128x128xf32>, vector<128x128xf32> -> vector<128x128xf32>
    %add3A_228 = arith.addf %add3A_196, %dot_general3A_227 : vector<128x128xf32>
    %slice3A_229 = vector.extract_strided_slice %get3A_10 {offsets = [7, 0], sizes = [1, 3], strides = [1, 1]} : vector<16x3xf32> to vector<1x3xf32>
    %squeeze3A_230 = vector.shape_cast %slice3A_229 : vector<1x3xf32> to vector<3xf32>
    %broadcast_in_dim3A_231 = vector.shape_cast %squeeze3A_230 : vector<3xf32> to vector<1x1x3xf32>
    %sub3A_232 = vector.broadcast %broadcast_in_dim3A_231 : vector<1x1x3xf32> to vector<128x16x3xf32>
    %sub3A_233 = arith.subf %sub3A_7, %sub3A_232 : vector<128x16x3xf32>
    %mul3A_234 = arith.mulf %sub3A_233, %sub3A_233 : vector<128x16x3xf32>
    %reduce_sum3A_235 = arith.constant dense<0.000000e+00> : vector<128x16xf32>
    %reduce_sum3A_236 = vector.multi_reduction <add>, %mul3A_234, %reduce_sum3A_235 [2] : vector<128x16x3xf32> to vector<128x16xf32>
    %add3A_237 = arith.constant 9.99999996E-13 : f32
    %add3A_238 = vector.broadcast %add3A_237 : f32 to vector<128x16xf32>
    %add3A_239 = arith.addf %reduce_sum3A_236, %add3A_238 : vector<128x16xf32>
    %sqrt3A_240 = math.sqrt %add3A_239 : vector<128x16xf32>
    %div3A_241 = arith.constant 2.400000e-01 : f32
    %div3A_242 = vector.broadcast %div3A_241 : f32 to vector<128x16xf32>
    %div3A_243 = arith.divf %sqrt3A_240, %div3A_242 : vector<128x16xf32>
    %sub3A_244 = arith.constant 1.000000e+00 : f32
    %sub3A_245 = vector.broadcast %sub3A_244 : f32 to vector<128x16xf32>
    %sub3A_246 = arith.subf %sub3A_245, %div3A_243 : vector<128x16xf32>
    %max3A_247 = arith.constant 0.000000e+00 : f32
    %max3A_248 = vector.broadcast %max3A_247 : f32 to vector<128x16xf32>
    %max3A_249 = arith.maximumf %sub3A_246, %max3A_248 : vector<128x16xf32>
    %broadcast_in_dim3A_250 = vector.shape_cast %max3A_249 : vector<128x16xf32> to vector<128x16x1xf32>
    %mul3A_251 = vector.broadcast %broadcast_in_dim3A_250 : vector<128x16x1xf32> to vector<128x16x128xf32>
    %mul3A_252 = arith.mulf %mul3A_251, %slice3A : vector<128x16x128xf32>
    %reduce_sum3A_253 = arith.constant dense<0.000000e+00> : vector<128x128xf32>
    %reduce_sum3A_254 = vector.multi_reduction <add>, %mul3A_252, %reduce_sum3A_253 [1] : vector<128x16x128xf32> to vector<128x128xf32>
    %get3A_255 = arith.constant 896 : index
    %get3A_256 = arith.constant 0 : index
    %get3A_257 = vector.load %arg4[%get3A_255, %get3A_256] : memref<2048x128xf32, #tpu.memory_space<vmem>>, vector<128x128xf32>
    %dot_general3A_258 = arith.constant dense<0.000000e+00> : vector<128x128xf32>
    %dot_general3A_259 = tpu.matmul %reduce_sum3A_254, %get3A_257, %dot_general3A_258 {dimension_numbers = #tpu.dot_dimension_numbers<[1], [0], [0], [1], [0, 0, 1, 1], [], []>, transpose_lhs_hint = false} : vector<128x128xf32>, vector<128x128xf32>, vector<128x128xf32> -> vector<128x128xf32>
    %add3A_260 = arith.addf %add3A_228, %dot_general3A_259 : vector<128x128xf32>
    %slice3A_261 = vector.extract_strided_slice %get3A_10 {offsets = [8, 0], sizes = [1, 3], strides = [1, 1]} : vector<16x3xf32> to vector<1x3xf32>
    %squeeze3A_262 = vector.shape_cast %slice3A_261 : vector<1x3xf32> to vector<3xf32>
    %broadcast_in_dim3A_263 = vector.shape_cast %squeeze3A_262 : vector<3xf32> to vector<1x1x3xf32>
    %sub3A_264 = vector.broadcast %broadcast_in_dim3A_263 : vector<1x1x3xf32> to vector<128x16x3xf32>
    %sub3A_265 = arith.subf %sub3A_7, %sub3A_264 : vector<128x16x3xf32>
    %mul3A_266 = arith.mulf %sub3A_265, %sub3A_265 : vector<128x16x3xf32>
    %reduce_sum3A_267 = arith.constant dense<0.000000e+00> : vector<128x16xf32>
    %reduce_sum3A_268 = vector.multi_reduction <add>, %mul3A_266, %reduce_sum3A_267 [2] : vector<128x16x3xf32> to vector<128x16xf32>
    %add3A_269 = arith.constant 9.99999996E-13 : f32
    %add3A_270 = vector.broadcast %add3A_269 : f32 to vector<128x16xf32>
    %add3A_271 = arith.addf %reduce_sum3A_268, %add3A_270 : vector<128x16xf32>
    %sqrt3A_272 = math.sqrt %add3A_271 : vector<128x16xf32>
    %div3A_273 = arith.constant 2.400000e-01 : f32
    %div3A_274 = vector.broadcast %div3A_273 : f32 to vector<128x16xf32>
    %div3A_275 = arith.divf %sqrt3A_272, %div3A_274 : vector<128x16xf32>
    %sub3A_276 = arith.constant 1.000000e+00 : f32
    %sub3A_277 = vector.broadcast %sub3A_276 : f32 to vector<128x16xf32>
    %sub3A_278 = arith.subf %sub3A_277, %div3A_275 : vector<128x16xf32>
    %max3A_279 = arith.constant 0.000000e+00 : f32
    %max3A_280 = vector.broadcast %max3A_279 : f32 to vector<128x16xf32>
    %max3A_281 = arith.maximumf %sub3A_278, %max3A_280 : vector<128x16xf32>
    %broadcast_in_dim3A_282 = vector.shape_cast %max3A_281 : vector<128x16xf32> to vector<128x16x1xf32>
    %mul3A_283 = vector.broadcast %broadcast_in_dim3A_282 : vector<128x16x1xf32> to vector<128x16x128xf32>
    %mul3A_284 = arith.mulf %mul3A_283, %slice3A : vector<128x16x128xf32>
    %reduce_sum3A_285 = arith.constant dense<0.000000e+00> : vector<128x128xf32>
    %reduce_sum3A_286 = vector.multi_reduction <add>, %mul3A_284, %reduce_sum3A_285 [1] : vector<128x16x128xf32> to vector<128x128xf32>
    %get3A_287 = arith.constant 1024 : index
    %get3A_288 = arith.constant 0 : index
    %get3A_289 = vector.load %arg4[%get3A_287, %get3A_288] : memref<2048x128xf32, #tpu.memory_space<vmem>>, vector<128x128xf32>
    %dot_general3A_290 = arith.constant dense<0.000000e+00> : vector<128x128xf32>
    %dot_general3A_291 = tpu.matmul %reduce_sum3A_286, %get3A_289, %dot_general3A_290 {dimension_numbers = #tpu.dot_dimension_numbers<[1], [0], [0], [1], [0, 0, 1, 1], [], []>, transpose_lhs_hint = false} : vector<128x128xf32>, vector<128x128xf32>, vector<128x128xf32> -> vector<128x128xf32>
    %add3A_292 = arith.addf %add3A_260, %dot_general3A_291 : vector<128x128xf32>
    %slice3A_293 = vector.extract_strided_slice %get3A_10 {offsets = [9, 0], sizes = [1, 3], strides = [1, 1]} : vector<16x3xf32> to vector<1x3xf32>
    %squeeze3A_294 = vector.shape_cast %slice3A_293 : vector<1x3xf32> to vector<3xf32>
    %broadcast_in_dim3A_295 = vector.shape_cast %squeeze3A_294 : vector<3xf32> to vector<1x1x3xf32>
    %sub3A_296 = vector.broadcast %broadcast_in_dim3A_295 : vector<1x1x3xf32> to vector<128x16x3xf32>
    %sub3A_297 = arith.subf %sub3A_7, %sub3A_296 : vector<128x16x3xf32>
    %mul3A_298 = arith.mulf %sub3A_297, %sub3A_297 : vector<128x16x3xf32>
    %reduce_sum3A_299 = arith.constant dense<0.000000e+00> : vector<128x16xf32>
    %reduce_sum3A_300 = vector.multi_reduction <add>, %mul3A_298, %reduce_sum3A_299 [2] : vector<128x16x3xf32> to vector<128x16xf32>
    %add3A_301 = arith.constant 9.99999996E-13 : f32
    %add3A_302 = vector.broadcast %add3A_301 : f32 to vector<128x16xf32>
    %add3A_303 = arith.addf %reduce_sum3A_300, %add3A_302 : vector<128x16xf32>
    %sqrt3A_304 = math.sqrt %add3A_303 : vector<128x16xf32>
    %div3A_305 = arith.constant 2.400000e-01 : f32
    %div3A_306 = vector.broadcast %div3A_305 : f32 to vector<128x16xf32>
    %div3A_307 = arith.divf %sqrt3A_304, %div3A_306 : vector<128x16xf32>
    %sub3A_308 = arith.constant 1.000000e+00 : f32
    %sub3A_309 = vector.broadcast %sub3A_308 : f32 to vector<128x16xf32>
    %sub3A_310 = arith.subf %sub3A_309, %div3A_307 : vector<128x16xf32>
    %max3A_311 = arith.constant 0.000000e+00 : f32
    %max3A_312 = vector.broadcast %max3A_311 : f32 to vector<128x16xf32>
    %max3A_313 = arith.maximumf %sub3A_310, %max3A_312 : vector<128x16xf32>
    %broadcast_in_dim3A_314 = vector.shape_cast %max3A_313 : vector<128x16xf32> to vector<128x16x1xf32>
    %mul3A_315 = vector.broadcast %broadcast_in_dim3A_314 : vector<128x16x1xf32> to vector<128x16x128xf32>
    %mul3A_316 = arith.mulf %mul3A_315, %slice3A : vector<128x16x128xf32>
    %reduce_sum3A_317 = arith.constant dense<0.000000e+00> : vector<128x128xf32>
    %reduce_sum3A_318 = vector.multi_reduction <add>, %mul3A_316, %reduce_sum3A_317 [1] : vector<128x16x128xf32> to vector<128x128xf32>
    %get3A_319 = arith.constant 1152 : index
    %get3A_320 = arith.constant 0 : index
    %get3A_321 = vector.load %arg4[%get3A_319, %get3A_320] : memref<2048x128xf32, #tpu.memory_space<vmem>>, vector<128x128xf32>
    %dot_general3A_322 = arith.constant dense<0.000000e+00> : vector<128x128xf32>
    %dot_general3A_323 = tpu.matmul %reduce_sum3A_318, %get3A_321, %dot_general3A_322 {dimension_numbers = #tpu.dot_dimension_numbers<[1], [0], [0], [1], [0, 0, 1, 1], [], []>, transpose_lhs_hint = false} : vector<128x128xf32>, vector<128x128xf32>, vector<128x128xf32> -> vector<128x128xf32>
    %add3A_324 = arith.addf %add3A_292, %dot_general3A_323 : vector<128x128xf32>
    %slice3A_325 = vector.extract_strided_slice %get3A_10 {offsets = [10, 0], sizes = [1, 3], strides = [1, 1]} : vector<16x3xf32> to vector<1x3xf32>
    %squeeze3A_326 = vector.shape_cast %slice3A_325 : vector<1x3xf32> to vector<3xf32>
    %broadcast_in_dim3A_327 = vector.shape_cast %squeeze3A_326 : vector<3xf32> to vector<1x1x3xf32>
    %sub3A_328 = vector.broadcast %broadcast_in_dim3A_327 : vector<1x1x3xf32> to vector<128x16x3xf32>
    %sub3A_329 = arith.subf %sub3A_7, %sub3A_328 : vector<128x16x3xf32>
    %mul3A_330 = arith.mulf %sub3A_329, %sub3A_329 : vector<128x16x3xf32>
    %reduce_sum3A_331 = arith.constant dense<0.000000e+00> : vector<128x16xf32>
    %reduce_sum3A_332 = vector.multi_reduction <add>, %mul3A_330, %reduce_sum3A_331 [2] : vector<128x16x3xf32> to vector<128x16xf32>
    %add3A_333 = arith.constant 9.99999996E-13 : f32
    %add3A_334 = vector.broadcast %add3A_333 : f32 to vector<128x16xf32>
    %add3A_335 = arith.addf %reduce_sum3A_332, %add3A_334 : vector<128x16xf32>
    %sqrt3A_336 = math.sqrt %add3A_335 : vector<128x16xf32>
    %div3A_337 = arith.constant 2.400000e-01 : f32
    %div3A_338 = vector.broadcast %div3A_337 : f32 to vector<128x16xf32>
    %div3A_339 = arith.divf %sqrt3A_336, %div3A_338 : vector<128x16xf32>
    %sub3A_340 = arith.constant 1.000000e+00 : f32
    %sub3A_341 = vector.broadcast %sub3A_340 : f32 to vector<128x16xf32>
    %sub3A_342 = arith.subf %sub3A_341, %div3A_339 : vector<128x16xf32>
    %max3A_343 = arith.constant 0.000000e+00 : f32
    %max3A_344 = vector.broadcast %max3A_343 : f32 to vector<128x16xf32>
    %max3A_345 = arith.maximumf %sub3A_342, %max3A_344 : vector<128x16xf32>
    %broadcast_in_dim3A_346 = vector.shape_cast %max3A_345 : vector<128x16xf32> to vector<128x16x1xf32>
    %mul3A_347 = vector.broadcast %broadcast_in_dim3A_346 : vector<128x16x1xf32> to vector<128x16x128xf32>
    %mul3A_348 = arith.mulf %mul3A_347, %slice3A : vector<128x16x128xf32>
    %reduce_sum3A_349 = arith.constant dense<0.000000e+00> : vector<128x128xf32>
    %reduce_sum3A_350 = vector.multi_reduction <add>, %mul3A_348, %reduce_sum3A_349 [1] : vector<128x16x128xf32> to vector<128x128xf32>
    %get3A_351 = arith.constant 1280 : index
    %get3A_352 = arith.constant 0 : index
    %get3A_353 = vector.load %arg4[%get3A_351, %get3A_352] : memref<2048x128xf32, #tpu.memory_space<vmem>>, vector<128x128xf32>
    %dot_general3A_354 = arith.constant dense<0.000000e+00> : vector<128x128xf32>
    %dot_general3A_355 = tpu.matmul %reduce_sum3A_350, %get3A_353, %dot_general3A_354 {dimension_numbers = #tpu.dot_dimension_numbers<[1], [0], [0], [1], [0, 0, 1, 1], [], []>, transpose_lhs_hint = false} : vector<128x128xf32>, vector<128x128xf32>, vector<128x128xf32> -> vector<128x128xf32>
    %add3A_356 = arith.addf %add3A_324, %dot_general3A_355 : vector<128x128xf32>
    %slice3A_357 = vector.extract_strided_slice %get3A_10 {offsets = [11, 0], sizes = [1, 3], strides = [1, 1]} : vector<16x3xf32> to vector<1x3xf32>
    %squeeze3A_358 = vector.shape_cast %slice3A_357 : vector<1x3xf32> to vector<3xf32>
    %broadcast_in_dim3A_359 = vector.shape_cast %squeeze3A_358 : vector<3xf32> to vector<1x1x3xf32>
    %sub3A_360 = vector.broadcast %broadcast_in_dim3A_359 : vector<1x1x3xf32> to vector<128x16x3xf32>
    %sub3A_361 = arith.subf %sub3A_7, %sub3A_360 : vector<128x16x3xf32>
    %mul3A_362 = arith.mulf %sub3A_361, %sub3A_361 : vector<128x16x3xf32>
    %reduce_sum3A_363 = arith.constant dense<0.000000e+00> : vector<128x16xf32>
    %reduce_sum3A_364 = vector.multi_reduction <add>, %mul3A_362, %reduce_sum3A_363 [2] : vector<128x16x3xf32> to vector<128x16xf32>
    %add3A_365 = arith.constant 9.99999996E-13 : f32
    %add3A_366 = vector.broadcast %add3A_365 : f32 to vector<128x16xf32>
    %add3A_367 = arith.addf %reduce_sum3A_364, %add3A_366 : vector<128x16xf32>
    %sqrt3A_368 = math.sqrt %add3A_367 : vector<128x16xf32>
    %div3A_369 = arith.constant 2.400000e-01 : f32
    %div3A_370 = vector.broadcast %div3A_369 : f32 to vector<128x16xf32>
    %div3A_371 = arith.divf %sqrt3A_368, %div3A_370 : vector<128x16xf32>
    %sub3A_372 = arith.constant 1.000000e+00 : f32
    %sub3A_373 = vector.broadcast %sub3A_372 : f32 to vector<128x16xf32>
    %sub3A_374 = arith.subf %sub3A_373, %div3A_371 : vector<128x16xf32>
    %max3A_375 = arith.constant 0.000000e+00 : f32
    %max3A_376 = vector.broadcast %max3A_375 : f32 to vector<128x16xf32>
    %max3A_377 = arith.maximumf %sub3A_374, %max3A_376 : vector<128x16xf32>
    %broadcast_in_dim3A_378 = vector.shape_cast %max3A_377 : vector<128x16xf32> to vector<128x16x1xf32>
    %mul3A_379 = vector.broadcast %broadcast_in_dim3A_378 : vector<128x16x1xf32> to vector<128x16x128xf32>
    %mul3A_380 = arith.mulf %mul3A_379, %slice3A : vector<128x16x128xf32>
    %reduce_sum3A_381 = arith.constant dense<0.000000e+00> : vector<128x128xf32>
    %reduce_sum3A_382 = vector.multi_reduction <add>, %mul3A_380, %reduce_sum3A_381 [1] : vector<128x16x128xf32> to vector<128x128xf32>
    %get3A_383 = arith.constant 1408 : index
    %get3A_384 = arith.constant 0 : index
    %get3A_385 = vector.load %arg4[%get3A_383, %get3A_384] : memref<2048x128xf32, #tpu.memory_space<vmem>>, vector<128x128xf32>
    %dot_general3A_386 = arith.constant dense<0.000000e+00> : vector<128x128xf32>
    %dot_general3A_387 = tpu.matmul %reduce_sum3A_382, %get3A_385, %dot_general3A_386 {dimension_numbers = #tpu.dot_dimension_numbers<[1], [0], [0], [1], [0, 0, 1, 1], [], []>, transpose_lhs_hint = false} : vector<128x128xf32>, vector<128x128xf32>, vector<128x128xf32> -> vector<128x128xf32>
    %add3A_388 = arith.addf %add3A_356, %dot_general3A_387 : vector<128x128xf32>
    %slice3A_389 = vector.extract_strided_slice %get3A_10 {offsets = [12, 0], sizes = [1, 3], strides = [1, 1]} : vector<16x3xf32> to vector<1x3xf32>
    %squeeze3A_390 = vector.shape_cast %slice3A_389 : vector<1x3xf32> to vector<3xf32>
    %broadcast_in_dim3A_391 = vector.shape_cast %squeeze3A_390 : vector<3xf32> to vector<1x1x3xf32>
    %sub3A_392 = vector.broadcast %broadcast_in_dim3A_391 : vector<1x1x3xf32> to vector<128x16x3xf32>
    %sub3A_393 = arith.subf %sub3A_7, %sub3A_392 : vector<128x16x3xf32>
    %mul3A_394 = arith.mulf %sub3A_393, %sub3A_393 : vector<128x16x3xf32>
    %reduce_sum3A_395 = arith.constant dense<0.000000e+00> : vector<128x16xf32>
    %reduce_sum3A_396 = vector.multi_reduction <add>, %mul3A_394, %reduce_sum3A_395 [2] : vector<128x16x3xf32> to vector<128x16xf32>
    %add3A_397 = arith.constant 9.99999996E-13 : f32
    %add3A_398 = vector.broadcast %add3A_397 : f32 to vector<128x16xf32>
    %add3A_399 = arith.addf %reduce_sum3A_396, %add3A_398 : vector<128x16xf32>
    %sqrt3A_400 = math.sqrt %add3A_399 : vector<128x16xf32>
    %div3A_401 = arith.constant 2.400000e-01 : f32
    %div3A_402 = vector.broadcast %div3A_401 : f32 to vector<128x16xf32>
    %div3A_403 = arith.divf %sqrt3A_400, %div3A_402 : vector<128x16xf32>
    %sub3A_404 = arith.constant 1.000000e+00 : f32
    %sub3A_405 = vector.broadcast %sub3A_404 : f32 to vector<128x16xf32>
    %sub3A_406 = arith.subf %sub3A_405, %div3A_403 : vector<128x16xf32>
    %max3A_407 = arith.constant 0.000000e+00 : f32
    %max3A_408 = vector.broadcast %max3A_407 : f32 to vector<128x16xf32>
    %max3A_409 = arith.maximumf %sub3A_406, %max3A_408 : vector<128x16xf32>
    %broadcast_in_dim3A_410 = vector.shape_cast %max3A_409 : vector<128x16xf32> to vector<128x16x1xf32>
    %mul3A_411 = vector.broadcast %broadcast_in_dim3A_410 : vector<128x16x1xf32> to vector<128x16x128xf32>
    %mul3A_412 = arith.mulf %mul3A_411, %slice3A : vector<128x16x128xf32>
    %reduce_sum3A_413 = arith.constant dense<0.000000e+00> : vector<128x128xf32>
    %reduce_sum3A_414 = vector.multi_reduction <add>, %mul3A_412, %reduce_sum3A_413 [1] : vector<128x16x128xf32> to vector<128x128xf32>
    %get3A_415 = arith.constant 1536 : index
    %get3A_416 = arith.constant 0 : index
    %get3A_417 = vector.load %arg4[%get3A_415, %get3A_416] : memref<2048x128xf32, #tpu.memory_space<vmem>>, vector<128x128xf32>
    %dot_general3A_418 = arith.constant dense<0.000000e+00> : vector<128x128xf32>
    %dot_general3A_419 = tpu.matmul %reduce_sum3A_414, %get3A_417, %dot_general3A_418 {dimension_numbers = #tpu.dot_dimension_numbers<[1], [0], [0], [1], [0, 0, 1, 1], [], []>, transpose_lhs_hint = false} : vector<128x128xf32>, vector<128x128xf32>, vector<128x128xf32> -> vector<128x128xf32>
    %add3A_420 = arith.addf %add3A_388, %dot_general3A_419 : vector<128x128xf32>
    %slice3A_421 = vector.extract_strided_slice %get3A_10 {offsets = [13, 0], sizes = [1, 3], strides = [1, 1]} : vector<16x3xf32> to vector<1x3xf32>
    %squeeze3A_422 = vector.shape_cast %slice3A_421 : vector<1x3xf32> to vector<3xf32>
    %broadcast_in_dim3A_423 = vector.shape_cast %squeeze3A_422 : vector<3xf32> to vector<1x1x3xf32>
    %sub3A_424 = vector.broadcast %broadcast_in_dim3A_423 : vector<1x1x3xf32> to vector<128x16x3xf32>
    %sub3A_425 = arith.subf %sub3A_7, %sub3A_424 : vector<128x16x3xf32>
    %mul3A_426 = arith.mulf %sub3A_425, %sub3A_425 : vector<128x16x3xf32>
    %reduce_sum3A_427 = arith.constant dense<0.000000e+00> : vector<128x16xf32>
    %reduce_sum3A_428 = vector.multi_reduction <add>, %mul3A_426, %reduce_sum3A_427 [2] : vector<128x16x3xf32> to vector<128x16xf32>
    %add3A_429 = arith.constant 9.99999996E-13 : f32
    %add3A_430 = vector.broadcast %add3A_429 : f32 to vector<128x16xf32>
    %add3A_431 = arith.addf %reduce_sum3A_428, %add3A_430 : vector<128x16xf32>
    %sqrt3A_432 = math.sqrt %add3A_431 : vector<128x16xf32>
    %div3A_433 = arith.constant 2.400000e-01 : f32
    %div3A_434 = vector.broadcast %div3A_433 : f32 to vector<128x16xf32>
    %div3A_435 = arith.divf %sqrt3A_432, %div3A_434 : vector<128x16xf32>
    %sub3A_436 = arith.constant 1.000000e+00 : f32
    %sub3A_437 = vector.broadcast %sub3A_436 : f32 to vector<128x16xf32>
    %sub3A_438 = arith.subf %sub3A_437, %div3A_435 : vector<128x16xf32>
    %max3A_439 = arith.constant 0.000000e+00 : f32
    %max3A_440 = vector.broadcast %max3A_439 : f32 to vector<128x16xf32>
    %max3A_441 = arith.maximumf %sub3A_438, %max3A_440 : vector<128x16xf32>
    %broadcast_in_dim3A_442 = vector.shape_cast %max3A_441 : vector<128x16xf32> to vector<128x16x1xf32>
    %mul3A_443 = vector.broadcast %broadcast_in_dim3A_442 : vector<128x16x1xf32> to vector<128x16x128xf32>
    %mul3A_444 = arith.mulf %mul3A_443, %slice3A : vector<128x16x128xf32>
    %reduce_sum3A_445 = arith.constant dense<0.000000e+00> : vector<128x128xf32>
    %reduce_sum3A_446 = vector.multi_reduction <add>, %mul3A_444, %reduce_sum3A_445 [1] : vector<128x16x128xf32> to vector<128x128xf32>
    %get3A_447 = arith.constant 1664 : index
    %get3A_448 = arith.constant 0 : index
    %get3A_449 = vector.load %arg4[%get3A_447, %get3A_448] : memref<2048x128xf32, #tpu.memory_space<vmem>>, vector<128x128xf32>
    %dot_general3A_450 = arith.constant dense<0.000000e+00> : vector<128x128xf32>
    %dot_general3A_451 = tpu.matmul %reduce_sum3A_446, %get3A_449, %dot_general3A_450 {dimension_numbers = #tpu.dot_dimension_numbers<[1], [0], [0], [1], [0, 0, 1, 1], [], []>, transpose_lhs_hint = false} : vector<128x128xf32>, vector<128x128xf32>, vector<128x128xf32> -> vector<128x128xf32>
    %add3A_452 = arith.addf %add3A_420, %dot_general3A_451 : vector<128x128xf32>
    %slice3A_453 = vector.extract_strided_slice %get3A_10 {offsets = [14, 0], sizes = [1, 3], strides = [1, 1]} : vector<16x3xf32> to vector<1x3xf32>
    %squeeze3A_454 = vector.shape_cast %slice3A_453 : vector<1x3xf32> to vector<3xf32>
    %broadcast_in_dim3A_455 = vector.shape_cast %squeeze3A_454 : vector<3xf32> to vector<1x1x3xf32>
    %sub3A_456 = vector.broadcast %broadcast_in_dim3A_455 : vector<1x1x3xf32> to vector<128x16x3xf32>
    %sub3A_457 = arith.subf %sub3A_7, %sub3A_456 : vector<128x16x3xf32>
    %mul3A_458 = arith.mulf %sub3A_457, %sub3A_457 : vector<128x16x3xf32>
    %reduce_sum3A_459 = arith.constant dense<0.000000e+00> : vector<128x16xf32>
    %reduce_sum3A_460 = vector.multi_reduction <add>, %mul3A_458, %reduce_sum3A_459 [2] : vector<128x16x3xf32> to vector<128x16xf32>
    %add3A_461 = arith.constant 9.99999996E-13 : f32
    %add3A_462 = vector.broadcast %add3A_461 : f32 to vector<128x16xf32>
    %add3A_463 = arith.addf %reduce_sum3A_460, %add3A_462 : vector<128x16xf32>
    %sqrt3A_464 = math.sqrt %add3A_463 : vector<128x16xf32>
    %div3A_465 = arith.constant 2.400000e-01 : f32
    %div3A_466 = vector.broadcast %div3A_465 : f32 to vector<128x16xf32>
    %div3A_467 = arith.divf %sqrt3A_464, %div3A_466 : vector<128x16xf32>
    %sub3A_468 = arith.constant 1.000000e+00 : f32
    %sub3A_469 = vector.broadcast %sub3A_468 : f32 to vector<128x16xf32>
    %sub3A_470 = arith.subf %sub3A_469, %div3A_467 : vector<128x16xf32>
    %max3A_471 = arith.constant 0.000000e+00 : f32
    %max3A_472 = vector.broadcast %max3A_471 : f32 to vector<128x16xf32>
    %max3A_473 = arith.maximumf %sub3A_470, %max3A_472 : vector<128x16xf32>
    %broadcast_in_dim3A_474 = vector.shape_cast %max3A_473 : vector<128x16xf32> to vector<128x16x1xf32>
    %mul3A_475 = vector.broadcast %broadcast_in_dim3A_474 : vector<128x16x1xf32> to vector<128x16x128xf32>
    %mul3A_476 = arith.mulf %mul3A_475, %slice3A : vector<128x16x128xf32>
    %reduce_sum3A_477 = arith.constant dense<0.000000e+00> : vector<128x128xf32>
    %reduce_sum3A_478 = vector.multi_reduction <add>, %mul3A_476, %reduce_sum3A_477 [1] : vector<128x16x128xf32> to vector<128x128xf32>
    %get3A_479 = arith.constant 1792 : index
    %get3A_480 = arith.constant 0 : index
    %get3A_481 = vector.load %arg4[%get3A_479, %get3A_480] : memref<2048x128xf32, #tpu.memory_space<vmem>>, vector<128x128xf32>
    %dot_general3A_482 = arith.constant dense<0.000000e+00> : vector<128x128xf32>
    %dot_general3A_483 = tpu.matmul %reduce_sum3A_478, %get3A_481, %dot_general3A_482 {dimension_numbers = #tpu.dot_dimension_numbers<[1], [0], [0], [1], [0, 0, 1, 1], [], []>, transpose_lhs_hint = false} : vector<128x128xf32>, vector<128x128xf32>, vector<128x128xf32> -> vector<128x128xf32>
    %add3A_484 = arith.addf %add3A_452, %dot_general3A_483 : vector<128x128xf32>
    %slice3A_485 = vector.extract_strided_slice %get3A_10 {offsets = [15, 0], sizes = [1, 3], strides = [1, 1]} : vector<16x3xf32> to vector<1x3xf32>
    %squeeze3A_486 = vector.shape_cast %slice3A_485 : vector<1x3xf32> to vector<3xf32>
    %broadcast_in_dim3A_487 = vector.shape_cast %squeeze3A_486 : vector<3xf32> to vector<1x1x3xf32>
    %sub3A_488 = vector.broadcast %broadcast_in_dim3A_487 : vector<1x1x3xf32> to vector<128x16x3xf32>
    %sub3A_489 = arith.subf %sub3A_7, %sub3A_488 : vector<128x16x3xf32>
    %mul3A_490 = arith.mulf %sub3A_489, %sub3A_489 : vector<128x16x3xf32>
    %reduce_sum3A_491 = arith.constant dense<0.000000e+00> : vector<128x16xf32>
    %reduce_sum3A_492 = vector.multi_reduction <add>, %mul3A_490, %reduce_sum3A_491 [2] : vector<128x16x3xf32> to vector<128x16xf32>
    %add3A_493 = arith.constant 9.99999996E-13 : f32
    %add3A_494 = vector.broadcast %add3A_493 : f32 to vector<128x16xf32>
    %add3A_495 = arith.addf %reduce_sum3A_492, %add3A_494 : vector<128x16xf32>
    %sqrt3A_496 = math.sqrt %add3A_495 : vector<128x16xf32>
    %div3A_497 = arith.constant 2.400000e-01 : f32
    %div3A_498 = vector.broadcast %div3A_497 : f32 to vector<128x16xf32>
    %div3A_499 = arith.divf %sqrt3A_496, %div3A_498 : vector<128x16xf32>
    %sub3A_500 = arith.constant 1.000000e+00 : f32
    %sub3A_501 = vector.broadcast %sub3A_500 : f32 to vector<128x16xf32>
    %sub3A_502 = arith.subf %sub3A_501, %div3A_499 : vector<128x16xf32>
    %max3A_503 = arith.constant 0.000000e+00 : f32
    %max3A_504 = vector.broadcast %max3A_503 : f32 to vector<128x16xf32>
    %max3A_505 = arith.maximumf %sub3A_502, %max3A_504 : vector<128x16xf32>
    %broadcast_in_dim3A_506 = vector.shape_cast %max3A_505 : vector<128x16xf32> to vector<128x16x1xf32>
    %mul3A_507 = vector.broadcast %broadcast_in_dim3A_506 : vector<128x16x1xf32> to vector<128x16x128xf32>
    %mul3A_508 = arith.mulf %mul3A_507, %slice3A : vector<128x16x128xf32>
    %reduce_sum3A_509 = arith.constant dense<0.000000e+00> : vector<128x128xf32>
    %reduce_sum3A_510 = vector.multi_reduction <add>, %mul3A_508, %reduce_sum3A_509 [1] : vector<128x16x128xf32> to vector<128x128xf32>
    %get3A_511 = arith.constant 1920 : index
    %get3A_512 = arith.constant 0 : index
    %get3A_513 = vector.load %arg4[%get3A_511, %get3A_512] : memref<2048x128xf32, #tpu.memory_space<vmem>>, vector<128x128xf32>
    %dot_general3A_514 = arith.constant dense<0.000000e+00> : vector<128x128xf32>
    %dot_general3A_515 = tpu.matmul %reduce_sum3A_510, %get3A_513, %dot_general3A_514 {dimension_numbers = #tpu.dot_dimension_numbers<[1], [0], [0], [1], [0, 0, 1, 1], [], []>, transpose_lhs_hint = false} : vector<128x128xf32>, vector<128x128xf32>, vector<128x128xf32> -> vector<128x128xf32>
    %add3A_516 = arith.addf %add3A_484, %dot_general3A_515 : vector<128x128xf32>
    %swap3A = arith.constant 0 : index
    %swap3A_517 = arith.constant 0 : index
    %swap3A_518 = vector.load %arg5[%swap3A, %swap3A_517] : memref<128x128xf32, #tpu.memory_space<vmem>>, vector<128x128xf32>
    tpu.vector_store %arg5[%swap3A, %swap3A_517], %add3A_516 {strides = array<i32>} : memref<128x128xf32, #tpu.memory_space<vmem>>, vector<128x128xf32>,
    %mul3A_519 = arith.constant 128 : i32
    %mul3A_520 = arith.muli %arg0, %mul3A_519 : i32
    %iota3A = tpu.iota {dimensions = array<i32: 0>} : vector<128x1xi32>
    %add3A_521 = vector.broadcast %mul3A_520 : i32 to vector<128x1xi32>
    %add3A_522 = arith.addi %add3A_521, %iota3A : vector<128x1xi32>
    %lt3A = arith.constant 12500 : i32
    %lt3A_523 = vector.broadcast %lt3A : i32 to vector<128x1xi32>
    %lt3A_524 = arith.cmpi slt, %add3A_522, %lt3A_523 : vector<128x1xi32>
    %jit3A = arith.constant 1.000000e+00 : f32
    %jit3A_525 = arith.constant 0.000000e+00 : f32
    %broadcast_in_dim3A_526 = vector.broadcast %jit3A : f32 to vector<128x1xf32>
    %broadcast_in_dim3A_527 = vector.broadcast %jit3A_525 : f32 to vector<128x1xf32>
    %select_n3A = arith.select %lt3A_524, %broadcast_in_dim3A_526, %broadcast_in_dim3A_527 : vector<128x1xi1>, vector<128x1xf32>
    %mul3A_528 = vector.broadcast %select_n3A : vector<128x1xf32> to vector<128x128xf32>
    %mul3A_529 = arith.mulf %add3A_516, %mul3A_528 : vector<128x128xf32>
    %reduce_sum3A_530 = arith.constant dense<0.000000e+00> : vector<128xf32>
    %reduce_sum3A_531 = vector.multi_reduction <add>, %mul3A_529, %reduce_sum3A_530 [0] : vector<128x128xf32> to vector<128xf32>
    %broadcast_in_dim3A_532 = vector.shape_cast %reduce_sum3A_531 : vector<128xf32> to vector<1x128xf32>
    %mul3A_533 = arith.mulf %mul3A_529, %mul3A_529 : vector<128x128xf32>
    %reduce_sum3A_534 = arith.constant dense<0.000000e+00> : vector<128xf32>
    %reduce_sum3A_535 = vector.multi_reduction <add>, %mul3A_533, %reduce_sum3A_534 [0] : vector<128x128xf32> to vector<128xf32>
    %broadcast_in_dim3A_536 = vector.shape_cast %reduce_sum3A_535 : vector<128xf32> to vector<1x128xf32>
    %eq3A = arith.constant 0 : i32
    %eq3A_537 = arith.cmpi eq, %arg0, %eq3A : i32
    %convert_element_type3A = arith.extui %eq3A_537 : i1 to i32
    %cond3A = arith.constant 0 : i32
    %cond3A_538 = arith.cmpi ne, %convert_element_type3A, %cond3A : i32
    scf.if %cond3A_538 {
      %swap3A_543 = arith.constant 0 : index
      %swap3A_544 = arith.constant 0 : index
      %swap3A_545 = vector.load %arg6[%swap3A_543, %swap3A_544] : memref<1x128xf32, #tpu.memory_space<vmem>>, vector<1x128xf32>
      tpu.vector_store %arg6[%swap3A_543, %swap3A_544], %broadcast_in_dim3A_532 {strides = array<i32>} : memref<1x128xf32, #tpu.memory_space<vmem>>, vector<1x128xf32>,
      %swap3A_546 = arith.constant 0 : index
      %swap3A_547 = arith.constant 0 : index
      %swap3A_548 = vector.load %arg7[%swap3A_546, %swap3A_547] : memref<1x128xf32, #tpu.memory_space<vmem>>, vector<1x128xf32>
      tpu.vector_store %arg7[%swap3A_546, %swap3A_547], %broadcast_in_dim3A_536 {strides = array<i32>} : memref<1x128xf32, #tpu.memory_space<vmem>>, vector<1x128xf32>,
    } else {
    }
    %gt3A = arith.constant 0 : i32
    %gt3A_539 = arith.cmpi sgt, %arg0, %gt3A : i32
    %convert_element_type3A_540 = arith.extui %gt3A_539 : i1 to i32
    %cond3A_541 = arith.constant 0 : i32
    %cond3A_542 = arith.cmpi ne, %convert_element_type3A_540, %cond3A_541 : i32
    scf.if %cond3A_542 {
      %get3A_543 = arith.constant 0 : index
      %get3A_544 = arith.constant 0 : index
      %get3A_545 = vector.load %arg6[%get3A_543, %get3A_544] : memref<1x128xf32, #tpu.memory_space<vmem>>, vector<1x128xf32>
      %add3A_546 = arith.addf %get3A_545, %broadcast_in_dim3A_532 : vector<1x128xf32>
      %swap3A_547 = arith.constant 0 : index
      %swap3A_548 = arith.constant 0 : index
      %swap3A_549 = vector.load %arg6[%swap3A_547, %swap3A_548] : memref<1x128xf32, #tpu.memory_space<vmem>>, vector<1x128xf32>
      tpu.vector_store %arg6[%swap3A_547, %swap3A_548], %add3A_546 {strides = array<i32>} : memref<1x128xf32, #tpu.memory_space<vmem>>, vector<1x128xf32>,
      %get3A_550 = arith.constant 0 : index
      %get3A_551 = arith.constant 0 : index
      %get3A_552 = vector.load %arg7[%get3A_550, %get3A_551] : memref<1x128xf32, #tpu.memory_space<vmem>>, vector<1x128xf32>
      %add3A_553 = arith.addf %get3A_552, %broadcast_in_dim3A_536 : vector<1x128xf32>
      %swap3A_554 = arith.constant 0 : index
      %swap3A_555 = arith.constant 0 : index
      %swap3A_556 = vector.load %arg7[%swap3A_554, %swap3A_555] : memref<1x128xf32, #tpu.memory_space<vmem>>, vector<1x128xf32>
      tpu.vector_store %arg7[%swap3A_554, %swap3A_555], %add3A_553 {strides = array<i32>} : memref<1x128xf32, #tpu.memory_space<vmem>>, vector<1x128xf32>,
    } else {
    }
    return
  }
  func.func @transform_0(%arg0: i32) -> (i32, i32, i32) {
    %c0_i32 = arith.constant 0 : i32
    %c0_i32_0 = arith.constant 0 : i32
    %c0_i32_1 = arith.constant 0 : i32
    return %arg0, %c0_i32, %c0_i32_0 : i32, i32, i32
  }
  func.func @transform_1(%arg0: i32) -> (i32, i32) {
    %c0_i32 = arith.constant 0 : i32
    %c0_i32_0 = arith.constant 0 : i32
    return %arg0, %c0_i32 : i32, i32
  }
  func.func @transform_2(%arg0: i32) -> (i32, i32) {
    %c0_i32 = arith.constant 0 : i32
    %c0_i32_0 = arith.constant 0 : i32
    %c0_i32_1 = arith.constant 0 : i32
    return %c0_i32, %c0_i32_0 : i32, i32
  }
  func.func @transform_3(%arg0: i32) -> (i32, i32) {
    %c0_i32 = arith.constant 0 : i32
    %c0_i32_0 = arith.constant 0 : i32
    %c0_i32_1 = arith.constant 0 : i32
    return %c0_i32, %c0_i32_0 : i32, i32
  }
  func.func @transform_4(%arg0: i32) -> (i32, i32) {
    %c0_i32 = arith.constant 0 : i32
    %c0_i32_0 = arith.constant 0 : i32
    return %arg0, %c0_i32 : i32, i32
  }
  func.func @transform_5(%arg0: i32) -> (i32, i32) {
    %c0_i32 = arith.constant 0 : i32
    %c0_i32_0 = arith.constant 0 : i32
    %c0_i32_1 = arith.constant 0 : i32
    return %c0_i32, %c0_i32_0 : i32, i32
  }
  func.func @transform_6(%arg0: i32) -> (i32, i32) {
    %c0_i32 = arith.constant 0 : i32
    %c0_i32_0 = arith.constant 0 : i32
    %c0_i32_1 = arith.constant 0 : i32
    return %c0_i32, %c0_i32_0 : i32, i32
  }
}

module attributes {stable_mosaic.version = 14 : i64} {
  func.func @body(%arg0: i32, %arg1: memref<512x128xf32, #tpu.memory_space<vmem>>, %arg2: memref<1x128xf32, #tpu.memory_space<vmem>>, %arg3: memref<1x128xf32, #tpu.memory_space<vmem>>, %arg4: memref<1x128xf32, #tpu.memory_space<vmem>>, %arg5: memref<1x128xf32, #tpu.memory_space<vmem>>, %arg6: memref<512x128xf32, #tpu.memory_space<vmem>>) attributes {dimension_semantics = [#tpu.dimension_semantics<arbitrary>], iteration_bounds = array<i64: 25>, scalar_prefetch = 0 : i64, scratch_operands = 0 : i64, tpu.core_type = #tpu.core_type<tc>, window_params = [{transform_indices = @transform_0, window_bounds = array<i64: 512, 128>}, {pipeline_mode = #tpu.pipeline_mode<synchronous>, transform_indices = @transform_1, window_bounds = array<i64: 1, 128>}, {pipeline_mode = #tpu.pipeline_mode<synchronous>, transform_indices = @transform_2, window_bounds = array<i64: 1, 128>}, {pipeline_mode = #tpu.pipeline_mode<synchronous>, transform_indices = @transform_3, window_bounds = array<i64: 1, 128>}, {pipeline_mode = #tpu.pipeline_mode<synchronous>, transform_indices = @transform_4, window_bounds = array<i64: 1, 128>}, {transform_indices = @transform_5, window_bounds = array<i64: 512, 128>}]} {
    %get3A = arith.constant 0 : index
    %get3A_0 = arith.constant 0 : index
    %get3A_1 = vector.load %arg2[%get3A, %get3A_0] : memref<1x128xf32, #tpu.memory_space<vmem>>, vector<1x128xf32>
    %div3A = arith.constant 1.250000e+04 : f32
    %div3A_2 = vector.broadcast %div3A : f32 to vector<1x128xf32>
    %div3A_3 = arith.divf %get3A_1, %div3A_2 : vector<1x128xf32>
    %get3A_4 = arith.constant 0 : index
    %get3A_5 = arith.constant 0 : index
    %get3A_6 = vector.load %arg3[%get3A_4, %get3A_5] : memref<1x128xf32, #tpu.memory_space<vmem>>, vector<1x128xf32>
    %div3A_7 = arith.constant 1.250000e+04 : f32
    %div3A_8 = vector.broadcast %div3A_7 : f32 to vector<1x128xf32>
    %div3A_9 = arith.divf %get3A_6, %div3A_8 : vector<1x128xf32>
    %mul3A = arith.mulf %div3A_3, %div3A_3 : vector<1x128xf32>
    %sub3A = arith.subf %div3A_9, %mul3A : vector<1x128xf32>
    %add3A = arith.constant 9.99999974E-6 : f32
    %add3A_10 = vector.broadcast %add3A : f32 to vector<1x128xf32>
    %add3A_11 = arith.addf %sub3A, %add3A_10 : vector<1x128xf32>
    %rsqrt3A = math.rsqrt %add3A_11 : vector<1x128xf32>
    %get3A_12 = arith.constant 0 : index
    %get3A_13 = arith.constant 0 : index
    %get3A_14 = vector.load %arg4[%get3A_12, %get3A_13] : memref<1x128xf32, #tpu.memory_space<vmem>>, vector<1x128xf32>
    %mul3A_15 = arith.mulf %rsqrt3A, %get3A_14 : vector<1x128xf32>
    %get3A_16 = arith.constant 0 : index
    %get3A_17 = arith.constant 0 : index
    %get3A_18 = vector.load %arg1[%get3A_16, %get3A_17] : memref<512x128xf32, #tpu.memory_space<vmem>>, vector<512x128xf32>
    %sub3A_19 = vector.broadcast %div3A_3 : vector<1x128xf32> to vector<512x128xf32>
    %sub3A_20 = arith.subf %get3A_18, %sub3A_19 : vector<512x128xf32>
    %mul3A_21 = vector.broadcast %mul3A_15 : vector<1x128xf32> to vector<512x128xf32>
    %mul3A_22 = arith.mulf %sub3A_20, %mul3A_21 : vector<512x128xf32>
    %get3A_23 = arith.constant 0 : index
    %get3A_24 = arith.constant 0 : index
    %get3A_25 = vector.load %arg5[%get3A_23, %get3A_24] : memref<1x128xf32, #tpu.memory_space<vmem>>, vector<1x128xf32>
    %add3A_26 = vector.broadcast %get3A_25 : vector<1x128xf32> to vector<512x128xf32>
    %add3A_27 = arith.addf %mul3A_22, %add3A_26 : vector<512x128xf32>
    %ge3A = arith.constant 0.000000e+00 : f32
    %ge3A_28 = vector.broadcast %ge3A : f32 to vector<512x128xf32>
    %ge3A_29 = arith.cmpf oge, %add3A_27, %ge3A_28 : vector<512x128xf32>
    %mul3A_30 = arith.constant 1.000000e-01 : f32
    %mul3A_31 = vector.broadcast %mul3A_30 : f32 to vector<512x128xf32>
    %mul3A_32 = arith.mulf %mul3A_31, %add3A_27 : vector<512x128xf32>
    %select_n3A = arith.select %ge3A_29, %add3A_27, %mul3A_32 : vector<512x128xi1>, vector<512x128xf32>
    %swap3A = arith.constant 0 : index
    %swap3A_33 = arith.constant 0 : index
    %swap3A_34 = vector.load %arg6[%swap3A, %swap3A_33] : memref<512x128xf32, #tpu.memory_space<vmem>>, vector<512x128xf32>
    tpu.vector_store %arg6[%swap3A, %swap3A_33], %select_n3A {strides = array<i32>} : memref<512x128xf32, #tpu.memory_space<vmem>>, vector<512x128xf32>,
    return
  }
  func.func @transform_0(%arg0: i32) -> (i32, i32) {
    %c0_i32 = arith.constant 0 : i32
    %c0_i32_0 = arith.constant 0 : i32
    return %arg0, %c0_i32 : i32, i32
  }
  func.func @transform_1(%arg0: i32) -> (i32, i32) {
    %c0_i32 = arith.constant 0 : i32
    %c0_i32_0 = arith.constant 0 : i32
    %c0_i32_1 = arith.constant 0 : i32
    return %c0_i32, %c0_i32_0 : i32, i32
  }
  func.func @transform_2(%arg0: i32) -> (i32, i32) {
    %c0_i32 = arith.constant 0 : i32
    %c0_i32_0 = arith.constant 0 : i32
    %c0_i32_1 = arith.constant 0 : i32
    return %c0_i32, %c0_i32_0 : i32, i32
  }
  func.func @transform_3(%arg0: i32) -> (i32, i32) {
    %c0_i32 = arith.constant 0 : i32
    %c0_i32_0 = arith.constant 0 : i32
    %c0_i32_1 = arith.constant 0 : i32
    return %c0_i32, %c0_i32_0 : i32, i32
  }
  func.func @transform_4(%arg0: i32) -> (i32, i32) {
    %c0_i32 = arith.constant 0 : i32
    %c0_i32_0 = arith.constant 0 : i32
    %c0_i32_1 = arith.constant 0 : i32
    return %c0_i32, %c0_i32_0 : i32, i32
  }
  func.func @transform_5(%arg0: i32) -> (i32, i32) {
    %c0_i32 = arith.constant 0 : i32
    %c0_i32_0 = arith.constant 0 : i32
    return %arg0, %c0_i32 : i32, i32
  }
}

module attributes {stable_mosaic.version = 14 : i64} {
  func.func @body(%arg0: i32, %arg1: memref<2048x128xf32, #tpu.memory_space<vmem>>, %arg2: memref<2048x72xf32, #tpu.memory_space<vmem>>, %arg3: memref<192x128xf32, #tpu.memory_space<vmem>>, %arg4: memref<2048x128xf32, #tpu.memory_space<vmem>>, %arg5: memref<1x128xf32, #tpu.memory_space<vmem>>, %arg6: memref<1x128xf32, #tpu.memory_space<vmem>>) attributes {dimension_semantics = [#tpu.dimension_semantics<arbitrary>], iteration_bounds = array<i64: 25>, scalar_prefetch = 0 : i64, scratch_operands = 0 : i64, tpu.core_type = #tpu.core_type<tc>, window_params = [{transform_indices = @transform_0, window_bounds = array<i64: 2048, 128>}, {transform_indices = @transform_1, window_bounds = array<i64: 2048, 72>}, {pipeline_mode = #tpu.pipeline_mode<synchronous>, transform_indices = @transform_2, window_bounds = array<i64: 192, 128>}, {transform_indices = @transform_3, window_bounds = array<i64: 2048, 128>}, {pipeline_mode = #tpu.pipeline_mode<synchronous>, transform_indices = @transform_4, window_bounds = array<i64: 1, 128>}, {pipeline_mode = #tpu.pipeline_mode<synchronous>, transform_indices = @transform_5, window_bounds = array<i64: 1, 128>}]} {
    %get3A = arith.constant 0 : index
    %get3A_0 = arith.constant 0 : index
    %get3A_1 = vector.load %arg1[%get3A, %get3A_0] : memref<2048x128xf32, #tpu.memory_space<vmem>>, vector<2048x128xf32>
    %get3A_2 = arith.constant 0 : index
    %get3A_3 = arith.constant 0 : index
    %get3A_4 = vector.load %arg2[%get3A_2, %get3A_3] : memref<2048x72xf32, #tpu.memory_space<vmem>>, vector<2048x72xf32>
    %slice3A = vector.extract_strided_slice %get3A_4 {offsets = [0, 0], sizes = [2048, 64], strides = [1, 1]} : vector<2048x72xf32> to vector<2048x64xf32>
    %concatenate3A = tpu.concatenate %get3A_1, %slice3A in 1 : vector<2048x128xf32>, vector<2048x64xf32> -> vector<2048x192xf32>
    %get3A_5 = arith.constant 0 : index
    %get3A_6 = arith.constant 0 : index
    %get3A_7 = vector.load %arg3[%get3A_5, %get3A_6] : memref<192x128xf32, #tpu.memory_space<vmem>>, vector<192x128xf32>
    %dot_general3A = arith.constant dense<0.000000e+00> : vector<2048x128xf32>
    %dot_general3A_8 = tpu.matmul %concatenate3A, %get3A_7, %dot_general3A {dimension_numbers = #tpu.dot_dimension_numbers<[1], [0], [0], [1], [0, 0, 1, 1], [], []>, transpose_lhs_hint = false} : vector<2048x192xf32>, vector<192x128xf32>, vector<2048x128xf32> -> vector<2048x128xf32>
    %swap3A = arith.constant 0 : index
    %swap3A_9 = arith.constant 0 : index
    %swap3A_10 = vector.load %arg4[%swap3A, %swap3A_9] : memref<2048x128xf32, #tpu.memory_space<vmem>>, vector<2048x128xf32>
    tpu.vector_store %arg4[%swap3A, %swap3A_9], %dot_general3A_8 {strides = array<i32>} : memref<2048x128xf32, #tpu.memory_space<vmem>>, vector<2048x128xf32>,
    %mul3A = arith.constant 2048 : i32
    %mul3A_11 = arith.muli %arg0, %mul3A : i32
    %iota3A = tpu.iota {dimensions = array<i32: 0>} : vector<2048x1xi32>
    %add3A = vector.broadcast %mul3A_11 : i32 to vector<2048x1xi32>
    %add3A_12 = arith.addi %add3A, %iota3A : vector<2048x1xi32>
    %lt3A = arith.constant 50000 : i32
    %lt3A_13 = vector.broadcast %lt3A : i32 to vector<2048x1xi32>
    %lt3A_14 = arith.cmpi slt, %add3A_12, %lt3A_13 : vector<2048x1xi32>
    %jit3A = arith.constant 1.000000e+00 : f32
    %jit3A_15 = arith.constant 0.000000e+00 : f32
    %broadcast_in_dim3A = vector.broadcast %jit3A : f32 to vector<2048x1xf32>
    %broadcast_in_dim3A_16 = vector.broadcast %jit3A_15 : f32 to vector<2048x1xf32>
    %select_n3A = arith.select %lt3A_14, %broadcast_in_dim3A, %broadcast_in_dim3A_16 : vector<2048x1xi1>, vector<2048x1xf32>
    %mul3A_17 = vector.broadcast %select_n3A : vector<2048x1xf32> to vector<2048x128xf32>
    %mul3A_18 = arith.mulf %dot_general3A_8, %mul3A_17 : vector<2048x128xf32>
    %reduce_sum3A = arith.constant dense<0.000000e+00> : vector<128xf32>
    %reduce_sum3A_19 = vector.multi_reduction <add>, %mul3A_18, %reduce_sum3A [0] : vector<2048x128xf32> to vector<128xf32>
    %broadcast_in_dim3A_20 = vector.shape_cast %reduce_sum3A_19 : vector<128xf32> to vector<1x128xf32>
    %mul3A_21 = arith.mulf %mul3A_18, %mul3A_18 : vector<2048x128xf32>
    %reduce_sum3A_22 = arith.constant dense<0.000000e+00> : vector<128xf32>
    %reduce_sum3A_23 = vector.multi_reduction <add>, %mul3A_21, %reduce_sum3A_22 [0] : vector<2048x128xf32> to vector<128xf32>
    %broadcast_in_dim3A_24 = vector.shape_cast %reduce_sum3A_23 : vector<128xf32> to vector<1x128xf32>
    %eq3A = arith.constant 0 : i32
    %eq3A_25 = arith.cmpi eq, %arg0, %eq3A : i32
    %convert_element_type3A = arith.extui %eq3A_25 : i1 to i32
    %cond3A = arith.constant 0 : i32
    %cond3A_26 = arith.cmpi ne, %convert_element_type3A, %cond3A : i32
    scf.if %cond3A_26 {
      %swap3A_31 = arith.constant 0 : index
      %swap3A_32 = arith.constant 0 : index
      %swap3A_33 = vector.load %arg5[%swap3A_31, %swap3A_32] : memref<1x128xf32, #tpu.memory_space<vmem>>, vector<1x128xf32>
      tpu.vector_store %arg5[%swap3A_31, %swap3A_32], %broadcast_in_dim3A_20 {strides = array<i32>} : memref<1x128xf32, #tpu.memory_space<vmem>>, vector<1x128xf32>,
      %swap3A_34 = arith.constant 0 : index
      %swap3A_35 = arith.constant 0 : index
      %swap3A_36 = vector.load %arg6[%swap3A_34, %swap3A_35] : memref<1x128xf32, #tpu.memory_space<vmem>>, vector<1x128xf32>
      tpu.vector_store %arg6[%swap3A_34, %swap3A_35], %broadcast_in_dim3A_24 {strides = array<i32>} : memref<1x128xf32, #tpu.memory_space<vmem>>, vector<1x128xf32>,
    } else {
    }
    %gt3A = arith.constant 0 : i32
    %gt3A_27 = arith.cmpi sgt, %arg0, %gt3A : i32
    %convert_element_type3A_28 = arith.extui %gt3A_27 : i1 to i32
    %cond3A_29 = arith.constant 0 : i32
    %cond3A_30 = arith.cmpi ne, %convert_element_type3A_28, %cond3A_29 : i32
    scf.if %cond3A_30 {
      %get3A_31 = arith.constant 0 : index
      %get3A_32 = arith.constant 0 : index
      %get3A_33 = vector.load %arg5[%get3A_31, %get3A_32] : memref<1x128xf32, #tpu.memory_space<vmem>>, vector<1x128xf32>
      %add3A_34 = arith.addf %get3A_33, %broadcast_in_dim3A_20 : vector<1x128xf32>
      %swap3A_35 = arith.constant 0 : index
      %swap3A_36 = arith.constant 0 : index
      %swap3A_37 = vector.load %arg5[%swap3A_35, %swap3A_36] : memref<1x128xf32, #tpu.memory_space<vmem>>, vector<1x128xf32>
      tpu.vector_store %arg5[%swap3A_35, %swap3A_36], %add3A_34 {strides = array<i32>} : memref<1x128xf32, #tpu.memory_space<vmem>>, vector<1x128xf32>,
      %get3A_38 = arith.constant 0 : index
      %get3A_39 = arith.constant 0 : index
      %get3A_40 = vector.load %arg6[%get3A_38, %get3A_39] : memref<1x128xf32, #tpu.memory_space<vmem>>, vector<1x128xf32>
      %add3A_41 = arith.addf %get3A_40, %broadcast_in_dim3A_24 : vector<1x128xf32>
      %swap3A_42 = arith.constant 0 : index
      %swap3A_43 = arith.constant 0 : index
      %swap3A_44 = vector.load %arg6[%swap3A_42, %swap3A_43] : memref<1x128xf32, #tpu.memory_space<vmem>>, vector<1x128xf32>
      tpu.vector_store %arg6[%swap3A_42, %swap3A_43], %add3A_41 {strides = array<i32>} : memref<1x128xf32, #tpu.memory_space<vmem>>, vector<1x128xf32>,
    } else {
    }
    return
  }
  func.func @transform_0(%arg0: i32) -> (i32, i32) {
    %c0_i32 = arith.constant 0 : i32
    %c0_i32_0 = arith.constant 0 : i32
    return %arg0, %c0_i32 : i32, i32
  }
  func.func @transform_1(%arg0: i32) -> (i32, i32) {
    %c0_i32 = arith.constant 0 : i32
    %c0_i32_0 = arith.constant 0 : i32
    return %arg0, %c0_i32 : i32, i32
  }
  func.func @transform_2(%arg0: i32) -> (i32, i32) {
    %c0_i32 = arith.constant 0 : i32
    %c0_i32_0 = arith.constant 0 : i32
    %c0_i32_1 = arith.constant 0 : i32
    return %c0_i32, %c0_i32_0 : i32, i32
  }
  func.func @transform_3(%arg0: i32) -> (i32, i32) {
    %c0_i32 = arith.constant 0 : i32
    %c0_i32_0 = arith.constant 0 : i32
    return %arg0, %c0_i32 : i32, i32
  }
  func.func @transform_4(%arg0: i32) -> (i32, i32) {
    %c0_i32 = arith.constant 0 : i32
    %c0_i32_0 = arith.constant 0 : i32
    %c0_i32_1 = arith.constant 0 : i32
    return %c0_i32, %c0_i32_0 : i32, i32
  }
  func.func @transform_5(%arg0: i32) -> (i32, i32) {
    %c0_i32 = arith.constant 0 : i32
    %c0_i32_0 = arith.constant 0 : i32
    %c0_i32_1 = arith.constant 0 : i32
    return %c0_i32, %c0_i32_0 : i32, i32
  }
}

module attributes {stable_mosaic.version = 14 : i64} {
  func.func @body(%arg0: i32, %arg1: memref<2048x128xf32, #tpu.memory_space<vmem>>, %arg2: memref<1x128xf32, #tpu.memory_space<vmem>>, %arg3: memref<1x128xf32, #tpu.memory_space<vmem>>, %arg4: memref<1x128xf32, #tpu.memory_space<vmem>>, %arg5: memref<1x128xf32, #tpu.memory_space<vmem>>, %arg6: memref<128x128xf32, #tpu.memory_space<vmem>>, %arg7: memref<1x128xf32, #tpu.memory_space<vmem>>, %arg8: memref<128x19xf32, #tpu.memory_space<vmem>>, %arg9: memref<1x19xf32, #tpu.memory_space<vmem>>, %arg10: memref<2048x19xf32, #tpu.memory_space<vmem>>) attributes {dimension_semantics = [#tpu.dimension_semantics<arbitrary>], iteration_bounds = array<i64: 25>, scalar_prefetch = 0 : i64, scratch_operands = 0 : i64, tpu.core_type = #tpu.core_type<tc>, window_params = [{transform_indices = @transform_0, window_bounds = array<i64: 2048, 128>}, {pipeline_mode = #tpu.pipeline_mode<synchronous>, transform_indices = @transform_1, window_bounds = array<i64: 1, 128>}, {pipeline_mode = #tpu.pipeline_mode<synchronous>, transform_indices = @transform_2, window_bounds = array<i64: 1, 128>}, {pipeline_mode = #tpu.pipeline_mode<synchronous>, transform_indices = @transform_3, window_bounds = array<i64: 1, 128>}, {pipeline_mode = #tpu.pipeline_mode<synchronous>, transform_indices = @transform_4, window_bounds = array<i64: 1, 128>}, {pipeline_mode = #tpu.pipeline_mode<synchronous>, transform_indices = @transform_5, window_bounds = array<i64: 128, 128>}, {pipeline_mode = #tpu.pipeline_mode<synchronous>, transform_indices = @transform_6, window_bounds = array<i64: 1, 128>}, {pipeline_mode = #tpu.pipeline_mode<synchronous>, transform_indices = @transform_7, window_bounds = array<i64: 128, 19>}, {pipeline_mode = #tpu.pipeline_mode<synchronous>, transform_indices = @transform_8, window_bounds = array<i64: 1, 19>}, {transform_indices = @transform_9, window_bounds = array<i64: 2048, 19>}]} {
    %get3A = arith.constant 0 : index
    %get3A_0 = arith.constant 0 : index
    %get3A_1 = vector.load %arg2[%get3A, %get3A_0] : memref<1x128xf32, #tpu.memory_space<vmem>>, vector<1x128xf32>
    %div3A = arith.constant 5.000000e+04 : f32
    %div3A_2 = vector.broadcast %div3A : f32 to vector<1x128xf32>
    %div3A_3 = arith.divf %get3A_1, %div3A_2 : vector<1x128xf32>
    %get3A_4 = arith.constant 0 : index
    %get3A_5 = arith.constant 0 : index
    %get3A_6 = vector.load %arg3[%get3A_4, %get3A_5] : memref<1x128xf32, #tpu.memory_space<vmem>>, vector<1x128xf32>
    %div3A_7 = arith.constant 5.000000e+04 : f32
    %div3A_8 = vector.broadcast %div3A_7 : f32 to vector<1x128xf32>
    %div3A_9 = arith.divf %get3A_6, %div3A_8 : vector<1x128xf32>
    %mul3A = arith.mulf %div3A_3, %div3A_3 : vector<1x128xf32>
    %sub3A = arith.subf %div3A_9, %mul3A : vector<1x128xf32>
    %add3A = arith.constant 9.99999974E-6 : f32
    %add3A_10 = vector.broadcast %add3A : f32 to vector<1x128xf32>
    %add3A_11 = arith.addf %sub3A, %add3A_10 : vector<1x128xf32>
    %rsqrt3A = math.rsqrt %add3A_11 : vector<1x128xf32>
    %get3A_12 = arith.constant 0 : index
    %get3A_13 = arith.constant 0 : index
    %get3A_14 = vector.load %arg4[%get3A_12, %get3A_13] : memref<1x128xf32, #tpu.memory_space<vmem>>, vector<1x128xf32>
    %mul3A_15 = arith.mulf %rsqrt3A, %get3A_14 : vector<1x128xf32>
    %get3A_16 = arith.constant 0 : index
    %get3A_17 = arith.constant 0 : index
    %get3A_18 = vector.load %arg1[%get3A_16, %get3A_17] : memref<2048x128xf32, #tpu.memory_space<vmem>>, vector<2048x128xf32>
    %sub3A_19 = vector.broadcast %div3A_3 : vector<1x128xf32> to vector<2048x128xf32>
    %sub3A_20 = arith.subf %get3A_18, %sub3A_19 : vector<2048x128xf32>
    %mul3A_21 = vector.broadcast %mul3A_15 : vector<1x128xf32> to vector<2048x128xf32>
    %mul3A_22 = arith.mulf %sub3A_20, %mul3A_21 : vector<2048x128xf32>
    %get3A_23 = arith.constant 0 : index
    %get3A_24 = arith.constant 0 : index
    %get3A_25 = vector.load %arg5[%get3A_23, %get3A_24] : memref<1x128xf32, #tpu.memory_space<vmem>>, vector<1x128xf32>
    %add3A_26 = vector.broadcast %get3A_25 : vector<1x128xf32> to vector<2048x128xf32>
    %add3A_27 = arith.addf %mul3A_22, %add3A_26 : vector<2048x128xf32>
    %ge3A = arith.constant 0.000000e+00 : f32
    %ge3A_28 = vector.broadcast %ge3A : f32 to vector<2048x128xf32>
    %ge3A_29 = arith.cmpf oge, %add3A_27, %ge3A_28 : vector<2048x128xf32>
    %mul3A_30 = arith.constant 1.000000e-01 : f32
    %mul3A_31 = vector.broadcast %mul3A_30 : f32 to vector<2048x128xf32>
    %mul3A_32 = arith.mulf %mul3A_31, %add3A_27 : vector<2048x128xf32>
    %select_n3A = arith.select %ge3A_29, %add3A_27, %mul3A_32 : vector<2048x128xi1>, vector<2048x128xf32>
    %get3A_33 = arith.constant 0 : index
    %get3A_34 = arith.constant 0 : index
    %get3A_35 = vector.load %arg6[%get3A_33, %get3A_34] : memref<128x128xf32, #tpu.memory_space<vmem>>, vector<128x128xf32>
    %dot_general3A = arith.constant dense<0.000000e+00> : vector<2048x128xf32>
    %dot_general3A_36 = tpu.matmul %select_n3A, %get3A_35, %dot_general3A {dimension_numbers = #tpu.dot_dimension_numbers<[1], [0], [0], [1], [0, 0, 1, 1], [], []>, transpose_lhs_hint = false} : vector<2048x128xf32>, vector<128x128xf32>, vector<2048x128xf32> -> vector<2048x128xf32>
    %get3A_37 = arith.constant 0 : index
    %get3A_38 = arith.constant 0 : index
    %get3A_39 = vector.load %arg7[%get3A_37, %get3A_38] : memref<1x128xf32, #tpu.memory_space<vmem>>, vector<1x128xf32>
    %add3A_40 = vector.broadcast %get3A_39 : vector<1x128xf32> to vector<2048x128xf32>
    %add3A_41 = arith.addf %dot_general3A_36, %add3A_40 : vector<2048x128xf32>
    %ge3A_42 = arith.constant 0.000000e+00 : f32
    %ge3A_43 = vector.broadcast %ge3A_42 : f32 to vector<2048x128xf32>
    %ge3A_44 = arith.cmpf oge, %add3A_41, %ge3A_43 : vector<2048x128xf32>
    %mul3A_45 = arith.constant 1.000000e-01 : f32
    %mul3A_46 = vector.broadcast %mul3A_45 : f32 to vector<2048x128xf32>
    %mul3A_47 = arith.mulf %mul3A_46, %add3A_41 : vector<2048x128xf32>
    %select_n3A_48 = arith.select %ge3A_44, %add3A_41, %mul3A_47 : vector<2048x128xi1>, vector<2048x128xf32>
    %get3A_49 = arith.constant 0 : index
    %get3A_50 = arith.constant 0 : index
    %get3A_51 = vector.load %arg8[%get3A_49, %get3A_50] : memref<128x19xf32, #tpu.memory_space<vmem>>, vector<128x19xf32>
    %dot_general3A_52 = arith.constant dense<0.000000e+00> : vector<2048x19xf32>
    %dot_general3A_53 = tpu.matmul %select_n3A_48, %get3A_51, %dot_general3A_52 {dimension_numbers = #tpu.dot_dimension_numbers<[1], [0], [0], [1], [0, 0, 1, 1], [], []>, transpose_lhs_hint = false} : vector<2048x128xf32>, vector<128x19xf32>, vector<2048x19xf32> -> vector<2048x19xf32>
    %get3A_54 = arith.constant 0 : index
    %get3A_55 = arith.constant 0 : index
    %get3A_56 = vector.load %arg9[%get3A_54, %get3A_55] : memref<1x19xf32, #tpu.memory_space<vmem>>, vector<1x19xf32>
    %add3A_57 = vector.broadcast %get3A_56 : vector<1x19xf32> to vector<2048x19xf32>
    %add3A_58 = arith.addf %dot_general3A_53, %add3A_57 : vector<2048x19xf32>
    %swap3A = arith.constant 0 : index
    %swap3A_59 = arith.constant 0 : index
    %swap3A_60 = vector.load %arg10[%swap3A, %swap3A_59] : memref<2048x19xf32, #tpu.memory_space<vmem>>, vector<2048x19xf32>
    tpu.vector_store %arg10[%swap3A, %swap3A_59], %add3A_58 {strides = array<i32>} : memref<2048x19xf32, #tpu.memory_space<vmem>>, vector<2048x19xf32>,
    return
  }
  func.func @transform_0(%arg0: i32) -> (i32, i32) {
    %c0_i32 = arith.constant 0 : i32
    %c0_i32_0 = arith.constant 0 : i32
    return %arg0, %c0_i32 : i32, i32
  }
  func.func @transform_1(%arg0: i32) -> (i32, i32) {
    %c0_i32 = arith.constant 0 : i32
    %c0_i32_0 = arith.constant 0 : i32
    %c0_i32_1 = arith.constant 0 : i32
    return %c0_i32, %c0_i32_0 : i32, i32
  }
  func.func @transform_2(%arg0: i32) -> (i32, i32) {
    %c0_i32 = arith.constant 0 : i32
    %c0_i32_0 = arith.constant 0 : i32
    %c0_i32_1 = arith.constant 0 : i32
    return %c0_i32, %c0_i32_0 : i32, i32
  }
  func.func @transform_3(%arg0: i32) -> (i32, i32) {
    %c0_i32 = arith.constant 0 : i32
    %c0_i32_0 = arith.constant 0 : i32
    %c0_i32_1 = arith.constant 0 : i32
    return %c0_i32, %c0_i32_0 : i32, i32
  }
  func.func @transform_4(%arg0: i32) -> (i32, i32) {
    %c0_i32 = arith.constant 0 : i32
    %c0_i32_0 = arith.constant 0 : i32
    %c0_i32_1 = arith.constant 0 : i32
    return %c0_i32, %c0_i32_0 : i32, i32
  }
  func.func @transform_5(%arg0: i32) -> (i32, i32) {
    %c0_i32 = arith.constant 0 : i32
    %c0_i32_0 = arith.constant 0 : i32
    %c0_i32_1 = arith.constant 0 : i32
    return %c0_i32, %c0_i32_0 : i32, i32
  }
  func.func @transform_6(%arg0: i32) -> (i32, i32) {
    %c0_i32 = arith.constant 0 : i32
    %c0_i32_0 = arith.constant 0 : i32
    %c0_i32_1 = arith.constant 0 : i32
    return %c0_i32, %c0_i32_0 : i32, i32
  }
  func.func @transform_7(%arg0: i32) -> (i32, i32) {
    %c0_i32 = arith.constant 0 : i32
    %c0_i32_0 = arith.constant 0 : i32
    %c0_i32_1 = arith.constant 0 : i32
    return %c0_i32, %c0_i32_0 : i32, i32
  }
  func.func @transform_8(%arg0: i32) -> (i32, i32) {
    %c0_i32 = arith.constant 0 : i32
    %c0_i32_0 = arith.constant 0 : i32
    %c0_i32_1 = arith.constant 0 : i32
    return %c0_i32, %c0_i32_0 : i32, i32
  }
  func.func @transform_9(%arg0: i32) -> (i32, i32) {
    %c0_i32 = arith.constant 0 : i32
    %c0_i32_0 = arith.constant 0 : i32
    return %arg0, %c0_i32 : i32, i32
  }
}

</mosaic_0001>

<sc_bundles>
// kernel: kernel.14.cloned.1.call-start
scs
__scs_entry_jumppad:
0x0: {  	(pc) =	sbr.rel $0x88, $3  }
0x1: {  	(tag) =	ssettag $0x0;
	lr =	simm.s32 $0x1  }
0x2: {  	[smem:$0x3F88] =	sst lr;
	_ =	strace $0xD0000000  }
0x3: {  	_ = 	snop  }
0x4: {  	_ = 	snop  }
0x5: {  	_ = 	snop  }
0x6: {  	_ = 	snop  }
0x7: {  	_ = 	snop  }
__scs_overlays_trampoline_lowered:
0x8: {  	[smem:$0x3F97] =	sst s0  }
0x9: {  	[smem:$0x3F98] =	sst s1  }
0xa: {  	[smem:$0x3F99] =	sst s2  }
0xb: {  	[smem:$0x3F9A] =	sst s3  }
0xc: {  	[smem:$0x3F9B] =	sst s4  }
0xd: {  	[smem:$0x3F9C] =	sst s5  }
0xe: {  	[smem:$0x3F9D] =	sst s6  }
0xf: {  	[smem:$0x3F9E] =	sst s7  }
0x10: {  	[smem:$0x3F9F] =	sst s8  }
0x11: {  	[smem:$0x3FA0] =	sst s9;
	s0 =	simm.s32 @!p0 $0x0  }
0x12: {  	s1 =	sld [smem:$0x3F86];
	s0 =	simm.s32 @p0 $0x1  }
0x13: {  	[smem:$0x3FA1] =	sst s0;
	s0 =	simm.s32 @!p1 $0x0  }
0x14: {  	s2 =	sld [smem:$0x3F85];
	s0 =	simm.s32 @p1 $0x1  }
0x15: {  	[smem:$0x3FA2] =	sst s0;
	s0 =	simm.s32 @!p2 $0x0  }
0x16: {  	s3 =	sld [smem:$0x3FDB];
	s0 =	simm.s32 @p2 $0x1  }
0x17: {  	s4 =	simm.s32 $0x1BF5;
	[smem:$0x3FA4] =	sst s0  }
0x18: {  	s0 =	sld [smem:$0x3F87];
	_ =	swait.ge [sflag:s4], $0x0  }
0x19: {  	s7 =	sld [smem:$0x3F88]  }
0x1a: {  	s8 =	sadd.s32 $0xFFFFE003, lr  }
0x1b: {  	s9 =	sadd.s32 $0xFFFFFEF7, lr;
	s5 =	simm.s32 $0xFFFFFFFF;
	p2 =	slt.u32 s8, $0xFFFFF086  }
0x1c: {  	p1 =	slt.u32 s9, $0xF7A;
	s5 =	simm.s32 @!p2 $0x0  }
0x1d: {  	s5 =	simm.s32 @p1 $0x1;
	p0 =	seq.s32 s7, s2  }
0x1e: {  	s7 =	smul.u32 @!p0 $0xF7A, s2;
	p2 =	seq.s32 @!p0 s5, $0x0  }
0x1f: {  	s9 =	smul.u32 $0xF7A, s1;
	s8 =	simm.s32 @!p0 $0x1BF5;
	p2 =	por !p2, p0  }
0x20: {  	[sflag:s8] =	ssyncset.s32 @!p0 $0xFFFFF086;
	s6 =	sadd.s32 @!p0 s3, s7;
	s7 =	simm.s32 @!p0 $0x108  }
0x21: {  	s3 =	sadd.s32 s3, s9;
	s6 =	sadd.s32 @!p0 $0x88, s6;
	s7 =	simm.s32 @p2 $0x1082  }
0x22: {  	[simem:s7], [sflag:s8] =	dma.local @!p0 [hbm:s6], $0xF7A  }
0x23: {  	s9 =	sor.u32 $0xD0000000, s2;
	s6 =	simm.s32 $0x108;
	_ =	swait.ge @!p0 [sflag:s8], $0x0  }
0x24: {  	s3 =	sadd.s32 $0x88, s3;
	s6 =	simm.s32 @!p1 $0x1082;
	[sflag:s4] =	ssyncset.s32 $0xFFFFF086  }
0x25: {  	[simem:s6], [sflag:s4] =	dma.local [hbm:s3], $0xF7A  }
0x26: {  	[smem:$0x3F88] =	sst s1;
	(tag) =	ssettag s2;
	_ =	strace s9  }
0x27: {  	s1 =	sld [smem:$0x3F98]  }
0x28: {  	s2 =	sld [smem:$0x3F99]  }
0x29: {  	s4 =	sld [smem:$0x3F9B]  }
0x2a: {  	p0 =	seq.s32 s5, $0x0;
	s5 =	sld [smem:$0x3F9C]  }
0x2b: {  	s6 =	sld [smem:$0x3F9D]  }
0x2c: {  	s7 =	sld [smem:$0x3F9E]  }
0x2d: {  	s3 =	simm.s32 $0x108;
	s8 =	sld [smem:$0x3F9F]  }
0x2e: {  	s3 =	simm.s32 @!p0 $0x1082;
	s9 =	sld [smem:$0x3FA0]  }
0x2f: {  	lr =	sadd.s32 s0, s3;
	s0 =	sld [smem:$0x3F97]  }
0x30: {  	s3 =	sld [smem:$0x3F9A]  }
0x31: {  	[smem:$0x3FA3] =	sst s10  }
0x32: {  	s10 =	sld [smem:$0x3FA1];
	_ =	sdelay $0x3  }
0x33: {  	p0 =	seq.s32 s10, $0x1;
	s10 =	sld [smem:$0x3FA3];
	_ =	sdelay $0x3  }
0x34: {  	[smem:$0x3FA3] =	sst s10  }
0x35: {  	s10 =	sld [smem:$0x3FA2];
	_ =	sdelay $0x3  }
0x36: {  	p1 =	seq.s32 s10, $0x1;
	s10 =	sld [smem:$0x3FA3];
	_ =	sdelay $0x3  }
0x37: {  	[smem:$0x3FA3] =	sst s10  }
0x38: {  	s10 =	sld [smem:$0x3FA4]  }
0x39: {  	_ = 	snop;
	(pc) =	sbr.ind lr, $3  }
0x3a: {  	_ = 	snop  }
0x3b: {  	_ = 	snop  }
0x3c: {  	p2 =	seq.s32 s10, $0x1;
	s10 =	sld [smem:$0x3FA3]  }
0x3d: {  	_ =	shalt  }
0x3e: {  	_ =	shalt  }
0x3f: {  	_ =	shalt  }
0x40: {  	_ =	shalt  }
0x41: {  	_ =	shalt  }
0x42: {  	_ =	shalt  }
0x43: {  	_ =	shalt  }
0x44: {  	_ =	shalt  }
0x45: {  	_ =	shalt  }
0x46: {  	_ =	shalt  }
0x47: {  	_ =	shalt  }
0x48: {  	_ =	shalt  }
0x49: {  	_ =	shalt  }
0x4a: {  	_ =	shalt  }
0x4b: {  	_ =	shalt  }
0x4c: {  	_ =	shalt  }
0x4d: {  	_ =	shalt  }
0x4e: {  	_ =	shalt  }
0x4f: {  	_ =	shalt  }
0x50: {  	_ =	shalt  }
0x51: {  	_ =	shalt  }
0x52: {  	_ =	shalt  }
0x53: {  	_ =	shalt  }
0x54: {  	_ =	shalt  }
0x55: {  	_ =	shalt  }
0x56: {  	_ =	shalt  }
0x57: {  	_ =	shalt  }
0x58: {  	_ =	shalt  }
0x59: {  	_ =	shalt  }
0x5a: {  	_ =	shalt  }
0x5b: {  	_ =	shalt  }
0x5c: {  	_ =	shalt  }
0x5d: {  	_ =	shalt  }
0x5e: {  	_ =	shalt  }
0x5f: {  	_ =	shalt  }
0x60: {  	_ =	shalt  }
0x61: {  	_ =	shalt  }
0x62: {  	_ =	shalt  }
0x63: {  	_ =	shalt  }
0x64: {  	_ =	shalt  }
0x65: {  	_ =	shalt  }
0x66: {  	_ =	shalt  }
0x67: {  	_ =	shalt  }
0x68: {  	_ =	shalt  }
0x69: {  	_ =	shalt  }
0x6a: {  	_ =	shalt  }
0x6b: {  	_ =	shalt  }
0x6c: {  	_ =	shalt  }
0x6d: {  	_ =	shalt  }
0x6e: {  	_ =	shalt  }
0x6f: {  	_ =	shalt  }
0x70: {  	_ =	shalt  }
0x71: {  	_ =	shalt  }
0x72: {  	_ =	shalt  }
0x73: {  	_ =	shalt  }
0x74: {  	_ =	shalt  }
0x75: {  	_ =	shalt  }
0x76: {  	_ =	shalt  }
0x77: {  	_ =	shalt  }
0x78: {  	_ =	shalt  }
0x79: {  	_ =	shalt  }
0x7a: {  	_ =	shalt  }
0x7b: {  	_ =	shalt  }
0x7c: {  	_ =	shalt  }
0x7d: {  	_ =	shalt  }
0x7e: {  	_ =	shalt  }
0x7f: {  	_ =	shalt  }
0x80: {  	_ =	shalt  }
0x81: {  	_ =	shalt  }
0x82: {  	_ =	shalt  }
0x83: {  	_ =	shalt  }
0x84: {  	_ =	shalt  }
0x85: {  	_ =	shalt  }
0x86: {  	_ =	shalt  }
0x87: {  	_ =	shalt  }
.Lfunc_end0:
.L_simem_size_0:
called_computation_lowered:
.L_overlay_start_0:
0x88: {  	s2 =	sld [smem:$0x3FD9]  }
0x89: {  	s3 =	sld [smem:$0x3FFE];
	_ =	sdelay $0x1  }
0x8a: {  	s1 =	srdreg.scid  }
0x8b: {  	s0 =	sand.u32 $0x1, s1  }
0x8c: {  	s17 =	sshll.u32 s0, $0xA;
	s2 =	sadd.s32 s3, s2  }
0x8d: {  	s2 =	sadd.s32 s2, s17  }
0x8e: {  	[smem:$0x3FAF] =	sst s2  }
0x8f: {  	_ = 	snop  }
0x90: {  	s2 =	sld [smem:$0x3FD0];
	(tm) =	ssettm $0x1  }
0x91: {  	s18 =	sld [smem:$0x3FFB];
	_ =	sdelay $0x3  }
0x92: {  	_ =	strace s18  }
0x93: {  	s3 =	sld [smem:$0x3FFC];
	_ =	sdelay $0x3  }
0x94: {  	_ =	strace s3  }
0x95: {  	s3 =	sld [smem:$0x3FFD];
	_ =	sdelay $0x3  }
0x96: {  	_ =	strace s3  }
0x97: {  	_ =	strace $0x8FFFFFFF  }
0x98: {  	s19 =	sld [smem:$0x3FDB];
	_ =	sdelay $0x1  }
0x99: {  	s4 =	simm.s32 $_scs_section_size  }
0x9a: {  	s5 =	simm.s32 $_size__tile_overlayer_lowered;
	s6 =	simm.s32 $_tile_overlayer_lowered  }
0x9b: {  	s22 =	simm.s32 $0x1BFF;
	s21 =	sshll.u32 s6, $0x1;
	s3 =	sadd.s32 s4, s19  }
0x9c: {  	s7 =	simm.s32 $0x0;
	s20 =	sshll.u32 s5, $0x1;
	s5 =	sadd.s32 s21, s3  }
0x9d: {  	[timem:s7], [sflag:s22] =	dma.local [hbm:s5], s20  }
0x9e: {  	_ =	swait.ge [sflag:s22], s20  }
0x9f: {  	s4 =	ssub.s32 $0x0, s20;
	[sflag:s22] =	ssyncset.done $0x0  }
0xa0: {  	[sflag:s22] =	ssyncadd.s32 s4;
	_ =	sdelay $0x1  }
0xa1: {  	s23 =	simm.s32 $0x1B8B  }
0xa2: {  	_ =	swait.ge [sflag:s23], $0x1  }
0xa3: {  	[sflag:s23] =	ssyncset.done $0x0  }
0xa4: {  	s25 =	simm.s32 $0x1B8E;
	s24 =	sld [smem:$0x3FFE];
	[sflag:s23] =	ssyncadd.s32 $0xFFFFFFFF  }
0xa5: {  	s26 =	simm.s32 $execute0_lowered;
	[smem:$0x3FD2] =	sst s25  }
0xa6: {  	s5 =	sshll.u32 s26, $0x1;
	_ =	strace $0x80000046;
	[dreg:$0x1] =	wrdreg $0xFFFFFFFF  }
0xa7: {  	s28 =	simm.s32 $_size_execute0_lowered;
	s3 =	sadd.s32 s3, s5;
	[dreg:$0x0] =	wrdreg $0x0  }
0xa8: {  	s5 =	sshll.u32 s28, $0x1;
	[dreg:$0x2] =	wrdreg s3  }
0xa9: {  	[dreg:$0x3] =	wrdreg s5  }
0xaa: {  	[dreg:$0x4] =	wrdreg $0xC0  }
0xab: {  	_ =	task [dreg:s7], $0x5FFFF  }
0xac: {  	[dreg:$0x1] =	wrdreg $0xFFFFFFFF  }
0xad: {  	[dreg:$0x0] =	wrdreg $0x60  }
0xae: {  	[dreg:$0x2] =	wrdreg s24  }
0xaf: {  	[dreg:$0x3] =	wrdreg s2  }
0xb0: {  	[dreg:$0x4] =	wrdreg $0x9  }
0xb1: {  	_ =	task.clear_ibuf [dreg:s7], $0x5FFFF;
	_ =	strace $0x90000046  }
0xb2: {  	s29 =	simm.s32 $0x9;
	_ =	strace $0x80000048  }
0xb3: {  	_ =	swait.ge [sflag:s29], $0x1  }
0xb4: {  	[sflag:s29] =	ssyncadd.s32 $0xFFFFFFFF  }
0xb5: {  	_ =	strace $0x90000048  }
0xb6: {  	_ =	sfence  }
0xb7: {  	s30 =	sld [smem:$0x0];
	_ =	sdelay $0x2  }
0xb8: {  	s31 =	sshll.u32 s1, $0xD;
	s1 =	sshrl.u32 s1, $0x2  }
0xb9: {  	s3 =	sand.u32 $0x4000, s31;
	s1 =	sadd.s32 s1, s30  }
0xba: {  	s0 =	sor.u32 s3, s0;
	s1 =	sshll.u32 s1, $0x11  }
0xbb: {  	s0 =	sor.u32 s1, s0  }
0xbc: {  	s0 =	sadd.s32 $0x8F2B, s0  }
0xbd: {  	[sflag:s0] =	ssyncadd.remote.s32 $0x1  }
0xbe: {  	_ =	sfence.sel $0xFFFF  }
0xbf: {  	[dreg:$0x0] =	wrdreg $0xFFFFFFFF;
	(pc) =	sbr.abs _section_cstart, $3  }
0xc0: {  	[dreg:$0x1] =	wrdreg $0xFFFFFFFF  }
0xc1: {  	_ =	task.clear_ibuf [dreg:s7], $0x2FFFF;
	_ =	strace $0x9FFFFFFF  }
0xc2: {  	(tm) =	ssettm $0x7FFFFFFF  }
0xc3: {  	_ =	shalt  }
tec
execute0_lowered:
.L_overlay_start_1:
0x0: {  	(tag) =	ssettag $0x1  }
0x1: {  	s4 =	rddreg [dreg:$0x0]  }
0x2: {  	s5 =	rddreg [dreg:$0x1]  }
0x3: {  	s0 =	rddreg [dreg:$0x2]  }
0x4: {  	s1 =	stileid.u32;
	s3 =	srdreg.scid  }
0x5: {  	s2 =	simm.s32 $0x0;
	s11 =	simm.s32 $0x0;
	s6 =	sand.u32 $0x1, s3  }
0x6: {  	s30 =	sshll.u32 s1, $0x1;
	[smem:$0x7FF] =	sst s2;
	s7 =	smul.u32 $0x19000, s1  }
0x7: {  	s3 =	sor.u32 s6, s30;
	s8 =	ssub.s32 $0x2, s6;
	s6 =	smul.u32 $0xC800, s6  }
0x8: {  	_ =	strace $0x80000047;
	s9 =	smul.u32 $0x6400, s3;
	s10 =	sshrl.u32 s8, $0x1  }
0x9: {  	s3 =	sadd.s32 $0x5600, s4;
	s7 =	sadd.s32 s7, s4;
	s8 =	ssub.s32 s8, s10  }
0xa: {  	s6 =	sadd.s32 s6, s7;
	s7 =	simm.s32 $0x2;
	s10 =	simm.s32 $0x1  }
0xb: {  	s31 =	sshrl.u32 s9, $0x3;
	s6 =	sadd.s32 $0x1DE00, s6;
	s9 =	simm.s32 $0x6400  }
0xc: {  	s4 =	sadd.s32 s5, s31;
	s5 =	smax.u32 s8, $0x1;
	s8 =	simm.s32 $0x80  }
.LBB2_1:
0xd: {  	[tilespmem:s2], [sflag:$0x2] =	stream.linear.gather [hbm4b:s4+s2], $0x6400, $0x38;
	[tilespmem:$0x6C00] =	vst v63  }
0xe: {  	_ =	swait.ge [sflag:s7], $0x6400  }
0xf: {  	[sflag:s7] =	ssyncset.done $0x0  }
0x10: {  	[sflag:s7] =	ssyncadd.s32 $0xFFFF9C00  }
0x11: {  	[tilespmem:s9], [sflag:$0x1] =	stream.indirect.gather [hbm4b:s3+s8], $0x10, s2, s8, $0xb8;
	[tilespmem:$0x6C00] =	vst v63  }
0x12: {  	_ =	swait.ge [sflag:s10], $0x800  }
0x13: {  	[sflag:s10] =	ssyncset.done $0x0  }
0x14: {  	s12 =	sadd.s32 $0x0, s6;
	[sflag:s10] =	ssyncadd.s32 $0xFFFFF800  }
0x15: {  	[hbm4b:s12+s2] =	stream.linear.scatter [tilespmem:s9], [sflag:$0x2], $0x800, $0x38;
	[tilespmem:$0x6C00] =	vst v63  }
0x16: {  	_ =	swait.ge [sflag:s7], $0x800  }
0x17: {  	s13 =	simm.s32 $0x0;
	s12 =	simm.s32 $0x100;
	[sflag:s7] =	ssyncset.done $0x0  }
.LBB2_2:
0x18: {  	p0 =	sne.s32 s12, $0xC700;
	[sflag:s7] =	ssyncadd.s32 $0xFFFFF800;
	s13 =	sadd.s32 $0x80, s13  }
0x19: {  	[tilespmem:s9], [sflag:$0x1] =	stream.indirect.gather [hbm4b:s3+s8], $0x10, s13, s8, $0xb8;
	[tilespmem:$0x6C00] =	vst v63  }
0x1a: {  	s14 =	smov.u32 s12;
	s12 =	sadd.s32 $0x100, s12;
	_ =	swait.ge [sflag:s10], $0x800  }
.Ltmp0:
0x1b: {  	[sflag:s10] =	ssyncset.done $0x0;
	(pc) =	sbr.rel @p0 .LBB2_2-.Ltmp0, $4  }
0x1c: {  	s14 =	sadd.s32 s14, s6;
	[sflag:s10] =	ssyncadd.s32 $0xFFFFF800  }
0x1d: {  	[hbm4b:s14+s2] =	stream.linear.scatter [tilespmem:s9], [sflag:$0x2], $0x800, $0x38;
	[tilespmem:$0x6C00] =	vst v63  }
0x1e: {  	_ =	swait.ge [sflag:s7], $0x800  }
0x1f: {  	[sflag:s7] =	ssyncset.done $0x0  }
0x20: {  	s11 =	sadd.s32 $0x1, s11  }
0x21: {  	p0 =	sne.s32 s11, s5  }
.Ltmp1:
0x22: {  	_ = 	snop;
	(pc) =	sbr.rel @p0 .LBB2_1-.Ltmp1, $2  }
0x23: {  	_ =	sdelay $0x2  }
0x24: {  	[sflag:s7] =	ssyncadd.s32 $0xFFFFF800  }
0x25: {  	_ =	sfence.sel $0x180000  }
0x26: {  	[bflag:$0x0] =	sbarrier.arrive $0xFFFF  }
0x27: {  	p0 =	sne.s32 s1, $0x0;
	_ =	strace $0x90000047  }
0x28: {  	s0 =	sadd.s32 @!p0 $0x100000, s0;
	[bflag:$0x2] =	sbarrier.arrive $0xFFFF  }
0x29: {  	[sflag:s0] =	ssyncadd.tile.s32 @!p0 $0x1;
	_ =	shalt  }
.Lfunc_end2:
_tile_overlayer_lowered:
.L_overlay_start_2:
0x2a: {  	(tag) =	ssettag $0x2  }
0x2b: {  	s0 =	rddreg [dreg:$0x0];
	s2 =	stileid.u32  }
0x2c: {  	s1 =	rddreg [dreg:$0x1];
	p0 =	sne.s32 s2, $0x0  }
0x2d: {  	s3 =	rddreg [dreg:$0x2];
	[bflag:$0x3] =	sbarrier.arrive $0xFFFF;
	s2 =	simm.s32 @!p0 $0x1C02  }
0x2e: {  	[timem:s3], [sflag:s2] =	dma.local @!p0 [hbm:s0], s1  }
0x2f: {  	s0 =	simm.s32 @!p0 $0x2  }
0x30: {  	_ =	swait.ge @!p0 [sflag:s0], s1  }
0x31: {  	s1 =	ssub.s32 @!p0 $0x0, s1;
	[sflag:s0] =	ssyncset.done @!p0 $0x0  }
0x32: {  	[sflag:s0] =	ssyncadd.s32 @!p0 s1  }
0x33: {  	[bflag:$0x3] =	sbarrier.arrive $0xFFFF  }
0x34: {  	_ =	shalt  }

// kernel: kernel.17.cloned.1.call-start
scs
__scs_entry_jumppad:
0x0: {  	(pc) =	sbr.rel $0x88, $3  }
0x1: {  	(tag) =	ssettag $0x0;
	lr =	simm.s32 $0x1  }
0x2: {  	[smem:$0x3F88] =	sst lr;
	_ =	strace $0xD0000000  }
0x3: {  	_ = 	snop  }
0x4: {  	_ = 	snop  }
0x5: {  	_ = 	snop  }
0x6: {  	_ = 	snop  }
0x7: {  	_ = 	snop  }
__scs_overlays_trampoline_lowered:
0x8: {  	[smem:$0x3F97] =	sst s0  }
0x9: {  	[smem:$0x3F98] =	sst s1  }
0xa: {  	[smem:$0x3F99] =	sst s2  }
0xb: {  	[smem:$0x3F9A] =	sst s3  }
0xc: {  	[smem:$0x3F9B] =	sst s4  }
0xd: {  	[smem:$0x3F9C] =	sst s5  }
0xe: {  	[smem:$0x3F9D] =	sst s6  }
0xf: {  	[smem:$0x3F9E] =	sst s7  }
0x10: {  	[smem:$0x3F9F] =	sst s8  }
0x11: {  	[smem:$0x3FA0] =	sst s9;
	s0 =	simm.s32 @!p0 $0x0  }
0x12: {  	s1 =	sld [smem:$0x3F86];
	s0 =	simm.s32 @p0 $0x1  }
0x13: {  	[smem:$0x3FA1] =	sst s0;
	s0 =	simm.s32 @!p1 $0x0  }
0x14: {  	s2 =	sld [smem:$0x3F85];
	s0 =	simm.s32 @p1 $0x1  }
0x15: {  	[smem:$0x3FA2] =	sst s0;
	s0 =	simm.s32 @!p2 $0x0  }
0x16: {  	s3 =	sld [smem:$0x3FDB];
	s0 =	simm.s32 @p2 $0x1  }
0x17: {  	s4 =	simm.s32 $0x1BF5;
	[smem:$0x3FA4] =	sst s0  }
0x18: {  	s0 =	sld [smem:$0x3F87];
	_ =	swait.ge [sflag:s4], $0x0  }
0x19: {  	s7 =	sld [smem:$0x3F88]  }
0x1a: {  	s8 =	sadd.s32 $0xFFFFE003, lr  }
0x1b: {  	s9 =	sadd.s32 $0xFFFFFEF7, lr;
	s5 =	simm.s32 $0xFFFFFFFF;
	p2 =	slt.u32 s8, $0xFFFFF086  }
0x1c: {  	p1 =	slt.u32 s9, $0xF7A;
	s5 =	simm.s32 @!p2 $0x0  }
0x1d: {  	s5 =	simm.s32 @p1 $0x1;
	p0 =	seq.s32 s7, s2  }
0x1e: {  	s7 =	smul.u32 @!p0 $0xF7A, s2;
	p2 =	seq.s32 @!p0 s5, $0x0  }
0x1f: {  	s9 =	smul.u32 $0xF7A, s1;
	s8 =	simm.s32 @!p0 $0x1BF5;
	p2 =	por !p2, p0  }
0x20: {  	[sflag:s8] =	ssyncset.s32 @!p0 $0xFFFFF086;
	s6 =	sadd.s32 @!p0 s3, s7;
	s7 =	simm.s32 @!p0 $0x108  }
0x21: {  	s3 =	sadd.s32 s3, s9;
	s6 =	sadd.s32 @!p0 $0x88, s6;
	s7 =	simm.s32 @p2 $0x1082  }
0x22: {  	[simem:s7], [sflag:s8] =	dma.local @!p0 [hbm:s6], $0xF7A  }
0x23: {  	s9 =	sor.u32 $0xD0000000, s2;
	s6 =	simm.s32 $0x108;
	_ =	swait.ge @!p0 [sflag:s8], $0x0  }
0x24: {  	s3 =	sadd.s32 $0x88, s3;
	s6 =	simm.s32 @!p1 $0x1082;
	[sflag:s4] =	ssyncset.s32 $0xFFFFF086  }
0x25: {  	[simem:s6], [sflag:s4] =	dma.local [hbm:s3], $0xF7A  }
0x26: {  	[smem:$0x3F88] =	sst s1;
	(tag) =	ssettag s2;
	_ =	strace s9  }
0x27: {  	s1 =	sld [smem:$0x3F98]  }
0x28: {  	s2 =	sld [smem:$0x3F99]  }
0x29: {  	s4 =	sld [smem:$0x3F9B]  }
0x2a: {  	p0 =	seq.s32 s5, $0x0;
	s5 =	sld [smem:$0x3F9C]  }
0x2b: {  	s6 =	sld [smem:$0x3F9D]  }
0x2c: {  	s7 =	sld [smem:$0x3F9E]  }
0x2d: {  	s3 =	simm.s32 $0x108;
	s8 =	sld [smem:$0x3F9F]  }
0x2e: {  	s3 =	simm.s32 @!p0 $0x1082;
	s9 =	sld [smem:$0x3FA0]  }
0x2f: {  	lr =	sadd.s32 s0, s3;
	s0 =	sld [smem:$0x3F97]  }
0x30: {  	s3 =	sld [smem:$0x3F9A]  }
0x31: {  	[smem:$0x3FA3] =	sst s10  }
0x32: {  	s10 =	sld [smem:$0x3FA1];
	_ =	sdelay $0x3  }
0x33: {  	p0 =	seq.s32 s10, $0x1;
	s10 =	sld [smem:$0x3FA3];
	_ =	sdelay $0x3  }
0x34: {  	[smem:$0x3FA3] =	sst s10  }
0x35: {  	s10 =	sld [smem:$0x3FA2];
	_ =	sdelay $0x3  }
0x36: {  	p1 =	seq.s32 s10, $0x1;
	s10 =	sld [smem:$0x3FA3];
	_ =	sdelay $0x3  }
0x37: {  	[smem:$0x3FA3] =	sst s10  }
0x38: {  	s10 =	sld [smem:$0x3FA4]  }
0x39: {  	_ = 	snop;
	(pc) =	sbr.ind lr, $3  }
0x3a: {  	_ = 	snop  }
0x3b: {  	_ = 	snop  }
0x3c: {  	p2 =	seq.s32 s10, $0x1;
	s10 =	sld [smem:$0x3FA3]  }
0x3d: {  	_ =	shalt  }
0x3e: {  	_ =	shalt  }
0x3f: {  	_ =	shalt  }
0x40: {  	_ =	shalt  }
0x41: {  	_ =	shalt  }
0x42: {  	_ =	shalt  }
0x43: {  	_ =	shalt  }
0x44: {  	_ =	shalt  }
0x45: {  	_ =	shalt  }
0x46: {  	_ =	shalt  }
0x47: {  	_ =	shalt  }
0x48: {  	_ =	shalt  }
0x49: {  	_ =	shalt  }
0x4a: {  	_ =	shalt  }
0x4b: {  	_ =	shalt  }
0x4c: {  	_ =	shalt  }
0x4d: {  	_ =	shalt  }
0x4e: {  	_ =	shalt  }
0x4f: {  	_ =	shalt  }
0x50: {  	_ =	shalt  }
0x51: {  	_ =	shalt  }
0x52: {  	_ =	shalt  }
0x53: {  	_ =	shalt  }
0x54: {  	_ =	shalt  }
0x55: {  	_ =	shalt  }
0x56: {  	_ =	shalt  }
0x57: {  	_ =	shalt  }
0x58: {  	_ =	shalt  }
0x59: {  	_ =	shalt  }
0x5a: {  	_ =	shalt  }
0x5b: {  	_ =	shalt  }
0x5c: {  	_ =	shalt  }
0x5d: {  	_ =	shalt  }
0x5e: {  	_ =	shalt  }
0x5f: {  	_ =	shalt  }
0x60: {  	_ =	shalt  }
0x61: {  	_ =	shalt  }
0x62: {  	_ =	shalt  }
0x63: {  	_ =	shalt  }
0x64: {  	_ =	shalt  }
0x65: {  	_ =	shalt  }
0x66: {  	_ =	shalt  }
0x67: {  	_ =	shalt  }
0x68: {  	_ =	shalt  }
0x69: {  	_ =	shalt  }
0x6a: {  	_ =	shalt  }
0x6b: {  	_ =	shalt  }
0x6c: {  	_ =	shalt  }
0x6d: {  	_ =	shalt  }
0x6e: {  	_ =	shalt  }
0x6f: {  	_ =	shalt  }
0x70: {  	_ =	shalt  }
0x71: {  	_ =	shalt  }
0x72: {  	_ =	shalt  }
0x73: {  	_ =	shalt  }
0x74: {  	_ =	shalt  }
0x75: {  	_ =	shalt  }
0x76: {  	_ =	shalt  }
0x77: {  	_ =	shalt  }
0x78: {  	_ =	shalt  }
0x79: {  	_ =	shalt  }
0x7a: {  	_ =	shalt  }
0x7b: {  	_ =	shalt  }
0x7c: {  	_ =	shalt  }
0x7d: {  	_ =	shalt  }
0x7e: {  	_ =	shalt  }
0x7f: {  	_ =	shalt  }
0x80: {  	_ =	shalt  }
0x81: {  	_ =	shalt  }
0x82: {  	_ =	shalt  }
0x83: {  	_ =	shalt  }
0x84: {  	_ =	shalt  }
0x85: {  	_ =	shalt  }
0x86: {  	_ =	shalt  }
0x87: {  	_ =	shalt  }
.Lfunc_end0:
.L_simem_size_0:
called_computation.1_lowered:
.L_overlay_start_0:
0x88: {  	s2 =	sld [smem:$0x3FD9]  }
0x89: {  	s3 =	sld [smem:$0x3FFE];
	_ =	sdelay $0x1  }
0x8a: {  	s1 =	srdreg.scid  }
0x8b: {  	s0 =	sand.u32 $0x1, s1  }
0x8c: {  	s16 =	sshll.u32 s0, $0xA;
	s2 =	sadd.s32 s3, s2  }
0x8d: {  	s2 =	sadd.s32 s2, s16  }
0x8e: {  	[smem:$0x3FAF] =	sst s2  }
0x8f: {  	_ = 	snop  }
0x90: {  	(tm) =	ssettm $0x1  }
0x91: {  	s17 =	sld [smem:$0x3FFB];
	_ =	sdelay $0x3  }
0x92: {  	_ =	strace s17  }
0x93: {  	s2 =	sld [smem:$0x3FFC];
	_ =	sdelay $0x3  }
0x94: {  	_ =	strace s2  }
0x95: {  	s2 =	sld [smem:$0x3FFD];
	_ =	sdelay $0x3  }
0x96: {  	_ =	strace s2  }
0x97: {  	_ =	strace $0x8FFFFFFF  }
0x98: {  	s18 =	sld [smem:$0x3FDB];
	_ =	sdelay $0x1  }
0x99: {  	s19 =	simm.s32 $_scs_section_size  }
0x9a: {  	s4 =	simm.s32 $_size__tile_overlayer_lowered;
	s5 =	simm.s32 $_tile_overlayer_lowered  }
0x9b: {  	s22 =	simm.s32 $0x1BFF;
	s21 =	sshll.u32 s5, $0x1;
	s2 =	sadd.s32 s19, s18  }
0x9c: {  	s6 =	simm.s32 $0x0;
	s20 =	sshll.u32 s4, $0x1;
	s4 =	sadd.s32 s21, s2  }
0x9d: {  	[timem:s6], [sflag:s22] =	dma.local [hbm:s4], s20  }
0x9e: {  	_ =	swait.ge [sflag:s22], s20  }
0x9f: {  	s3 =	ssub.s32 $0x0, s20;
	[sflag:s22] =	ssyncset.done $0x0  }
0xa0: {  	[sflag:s22] =	ssyncadd.s32 s3;
	_ =	sdelay $0x1  }
0xa1: {  	s23 =	simm.s32 $0x1B8B  }
0xa2: {  	_ =	swait.ge [sflag:s23], $0x1  }
0xa3: {  	[sflag:s23] =	ssyncset.done $0x0  }
0xa4: {  	s25 =	simm.s32 $0x1B8E;
	s24 =	sld [smem:$0x3FFE];
	[sflag:s23] =	ssyncadd.s32 $0xFFFFFFFF  }
0xa5: {  	s26 =	simm.s32 $execute0_lowered;
	[smem:$0x3FD2] =	sst s25  }
0xa6: {  	s4 =	sshll.u32 s26, $0x1;
	_ =	strace $0x80000049;
	[dreg:$0x1] =	wrdreg $0xFFFFFFFF  }
0xa7: {  	s28 =	simm.s32 $_size_execute0_lowered;
	s2 =	sadd.s32 s2, s4;
	[dreg:$0x0] =	wrdreg $0x0  }
0xa8: {  	s4 =	sshll.u32 s28, $0x1;
	[dreg:$0x2] =	wrdreg s2  }
0xa9: {  	[dreg:$0x3] =	wrdreg s4  }
0xaa: {  	[dreg:$0x4] =	wrdreg $0xC0  }
0xab: {  	_ =	task [dreg:s6], $0x5FFFF  }
0xac: {  	[dreg:$0x1] =	wrdreg $0xFFFFFFFF  }
0xad: {  	[dreg:$0x0] =	wrdreg $0x60  }
0xae: {  	[dreg:$0x2] =	wrdreg s24  }
0xaf: {  	[dreg:$0x3] =	wrdreg $0x9  }
0xb0: {  	_ =	task.clear_ibuf [dreg:s6], $0x4FFFF;
	_ =	strace $0x90000049  }
0xb1: {  	s29 =	simm.s32 $0x9;
	_ =	strace $0x8000004B  }
0xb2: {  	_ =	swait.ge [sflag:s29], $0x1  }
0xb3: {  	[sflag:s29] =	ssyncadd.s32 $0xFFFFFFFF  }
0xb4: {  	_ =	strace $0x9000004B  }
0xb5: {  	_ =	sfence  }
0xb6: {  	s30 =	sld [smem:$0x0];
	_ =	sdelay $0x2  }
0xb7: {  	s31 =	sshll.u32 s1, $0xD;
	s1 =	sshrl.u32 s1, $0x2  }
0xb8: {  	s3 =	sand.u32 $0x4000, s31;
	s1 =	sadd.s32 s1, s30  }
0xb9: {  	s0 =	sor.u32 s3, s0;
	s1 =	sshll.u32 s1, $0x11  }
0xba: {  	s0 =	sor.u32 s1, s0  }
0xbb: {  	s0 =	sadd.s32 $0x8F2B, s0  }
0xbc: {  	[sflag:s0] =	ssyncadd.remote.s32 $0x1  }
0xbd: {  	_ =	sfence.sel $0xFFFF  }
0xbe: {  	[dreg:$0x0] =	wrdreg $0xFFFFFFFF;
	(pc) =	sbr.abs _section_cstart, $3  }
0xbf: {  	[dreg:$0x1] =	wrdreg $0xFFFFFFFF  }
0xc0: {  	_ =	task.clear_ibuf [dreg:s6], $0x2FFFF;
	_ =	strace $0x9FFFFFFF  }
0xc1: {  	(tm) =	ssettm $0x7FFFFFFF  }
tec
execute0_lowered:
.L_overlay_start_1:
0x0: {  	(tag) =	ssettag $0x1  }
0x1: {  	s4 =	rddreg [dreg:$0x0]  }
0x2: {  	s0 =	rddreg [dreg:$0x1]  }
0x3: {  	s3 =	srdreg.scid;
	s1 =	stileid.u32;
	s2 =	simm.s32 $0x0  }
0x4: {  	s11 =	simm.s32 $0x0;
	s5 =	sand.u32 $0x1, s3;
	s28 =	sshll.u32 s1, $0x1  }
0x5: {  	[smem:$0x7FF] =	sst s2;
	s7 =	smul.u32 $0x1C200, s1;
	s3 =	sor.u32 s5, s28  }
0x6: {  	_ =	strace $0x8000004A;
	s8 =	ssub.s32 $0x2, s5;
	s10 =	smul.u32 $0xE100, s5  }
0x7: {  	s6 =	smul.u32 $0x1900, s3;
	s3 =	sadd.s32 $0x5600, s4;
	s9 =	sshrl.u32 s8, $0x1  }
0x8: {  	s30 =	sadd.s32 s7, s4;
	s7 =	simm.s32 $0x2;
	s31 =	ssub.s32 s8, s9  }
0x9: {  	s8 =	simm.s32 $0x80;
	s9 =	simm.s32 $0x1900;
	s6 =	sshrl.u32 s6, $0x3  }
0xa: {  	s5 =	smax.u32 s31, $0x1;
	s29 =	sadd.s32 s6, s4;
	s6 =	sadd.s32 s10, s30  }
0xb: {  	s10 =	simm.s32 $0x1;
	s4 =	sadd.s32 $0x276000, s29;
	s6 =	sadd.s32 $0x27C400, s6  }
.LBB2_1:
0xc: {  	[tilespmem:s2], [sflag:$0x2] =	stream.linear.gather [hbm4b:s4+s2], $0x1900, $0x38;
	[tilespmem:$0x3D00] =	vst v63  }
0xd: {  	_ =	swait.ge [sflag:s7], $0x1900  }
0xe: {  	[sflag:s7] =	ssyncset.done $0x0  }
0xf: {  	s12 =	simm.s32 $0x0;
	[sflag:s7] =	ssyncadd.s32 $0xFFFFE700  }
0x10: {  	[tilespmem:s9], [sflag:$0x1] =	stream.indirect.gather [hbm4b:s3+s8], $0x48, s12, s8, $0xb8;
	[tilespmem:$0x3D00] =	vst v63  }
0x11: {  	_ =	swait.ge [sflag:s10], $0x2400  }
0x12: {  	[sflag:s10] =	ssyncset.done $0x0  }
0x13: {  	[sflag:s10] =	ssyncadd.s32 $0xFFFFDC00  }
0x14: {  	[hbm4b:s6+s2] =	stream.linear.scatter [tilespmem:s9], [sflag:$0x2], $0x2400, $0x38;
	[tilespmem:$0x3D00] =	vst v63  }
0x15: {  	s13 =	simm.s32 $0x200;
	_ =	swait.ge [sflag:s7], $0x2400  }
0x16: {  	s14 =	simm.s32 $0x400;
	s12 =	sadd.s32 $0x480, s6;
	[sflag:s7] =	ssyncset.done $0x0  }
.LBB2_2:
0x17: {  	s15 =	sshra.s32 s13, $0x2  }
0x18: {  	[sflag:s7] =	ssyncadd.s32 $0xFFFFDC00;
	s13 =	smov.u32 s14;
	s16 =	sadd.s32 $0x200, s14  }
0x19: {  	[tilespmem:s9], [sflag:$0x1] =	stream.indirect.gather [hbm4b:s3+s8], $0x48, s15, s8, $0xb8;
	[tilespmem:$0x3D00] =	vst v63  }
0x1a: {  	p0 =	sne.s32 s14, $0x6200;
	_ =	swait.ge [sflag:s10], $0x2400  }
.Ltmp0:
0x1b: {  	[sflag:s10] =	ssyncset.done $0x0;
	(pc) =	sbr.rel @p0 .LBB2_2-.Ltmp0, $4  }
0x1c: {  	[sflag:s10] =	ssyncadd.s32 $0xFFFFDC00  }
0x1d: {  	[hbm4b:s12+s2] =	stream.linear.scatter [tilespmem:s9], [sflag:$0x2], $0x2400, $0x38;
	[tilespmem:$0x3D00] =	vst v63  }
0x1e: {  	_ =	swait.ge [sflag:s7], $0x2400  }
0x1f: {  	s14 =	smov.u32 s16;
	s12 =	sadd.s32 $0x480, s12;
	[sflag:s7] =	ssyncset.done $0x0  }
0x20: {  	s13 =	sshra.s32 s13, $0x2;
	[sflag:s7] =	ssyncadd.s32 $0xFFFFDC00  }
0x21: {  	[tilespmem:s9], [sflag:$0x1] =	stream.indirect.gather [hbm4b:s3+s8], $0x48, s13, s8, $0xb8;
	[tilespmem:$0x3D00] =	vst v63  }
0x22: {  	s11 =	sadd.s32 $0x1, s11;
	_ =	swait.ge [sflag:s10], $0x2400  }
0x23: {  	p0 =	sne.s32 s11, s5;
	[sflag:s10] =	ssyncset.done $0x0  }
.Ltmp1:
0x24: {  	[sflag:s10] =	ssyncadd.s32 $0xFFFFDC00;
	(pc) =	sbr.rel @p0 .LBB2_1-.Ltmp1, $4  }
0x25: {  	[hbm4b:s12+s2] =	stream.linear.scatter [tilespmem:s9], [sflag:$0x2], $0x2400, $0x38;
	[tilespmem:$0x3D00] =	vst v63  }
0x26: {  	_ =	swait.ge [sflag:s7], $0x2400  }
0x27: {  	[sflag:s7] =	ssyncset.done $0x0  }
0x28: {  	[sflag:s7] =	ssyncadd.s32 $0xFFFFDC00  }
0x29: {  	_ =	sfence.sel $0x180000  }
0x2a: {  	[bflag:$0x0] =	sbarrier.arrive $0xFFFF  }
0x2b: {  	p0 =	sne.s32 s1, $0x0;
	_ =	strace $0x9000004A  }
0x2c: {  	s0 =	sadd.s32 @!p0 $0x100000, s0;
	[bflag:$0x2] =	sbarrier.arrive $0xFFFF  }
0x2d: {  	[sflag:s0] =	ssyncadd.tile.s32 @!p0 $0x1;
	_ =	shalt  }
.Lfunc_end2:
_tile_overlayer_lowered:
.L_overlay_start_2:
0x2e: {  	(tag) =	ssettag $0x2  }
0x2f: {  	s0 =	rddreg [dreg:$0x0];
	s2 =	stileid.u32  }
0x30: {  	s1 =	rddreg [dreg:$0x1];
	p0 =	sne.s32 s2, $0x0  }
0x31: {  	s3 =	rddreg [dreg:$0x2];
	[bflag:$0x3] =	sbarrier.arrive $0xFFFF;
	s2 =	simm.s32 @!p0 $0x1C02  }
0x32: {  	[timem:s3], [sflag:s2] =	dma.local @!p0 [hbm:s0], s1  }
0x33: {  	s0 =	simm.s32 @!p0 $0x2  }
0x34: {  	_ =	swait.ge @!p0 [sflag:s0], s1  }
0x35: {  	s1 =	ssub.s32 @!p0 $0x0, s1;
	[sflag:s0] =	ssyncset.done @!p0 $0x0  }
0x36: {  	[sflag:s0] =	ssyncadd.s32 @!p0 s1  }
0x37: {  	[bflag:$0x3] =	sbarrier.arrive $0xFFFF  }
0x38: {  	_ =	shalt  }

// kernel: kernel.20.cloned.1.call-start
scs
__scs_entry_jumppad:
0x0: {  	(pc) =	sbr.rel $0x88, $3  }
0x1: {  	(tag) =	ssettag $0x0;
	lr =	simm.s32 $0x1  }
0x2: {  	[smem:$0x3F88] =	sst lr;
	_ =	strace $0xD0000000  }
0x3: {  	_ = 	snop  }
0x4: {  	_ = 	snop  }
0x5: {  	_ = 	snop  }
0x6: {  	_ = 	snop  }
0x7: {  	_ = 	snop  }
__scs_overlays_trampoline_lowered:
0x8: {  	[smem:$0x3F97] =	sst s0  }
0x9: {  	[smem:$0x3F98] =	sst s1  }
0xa: {  	[smem:$0x3F99] =	sst s2  }
0xb: {  	[smem:$0x3F9A] =	sst s3  }
0xc: {  	[smem:$0x3F9B] =	sst s4  }
0xd: {  	[smem:$0x3F9C] =	sst s5  }
0xe: {  	[smem:$0x3F9D] =	sst s6  }
0xf: {  	[smem:$0x3F9E] =	sst s7  }
0x10: {  	[smem:$0x3F9F] =	sst s8  }
0x11: {  	[smem:$0x3FA0] =	sst s9;
	s0 =	simm.s32 @!p0 $0x0  }
0x12: {  	s1 =	sld [smem:$0x3F86];
	s0 =	simm.s32 @p0 $0x1  }
0x13: {  	[smem:$0x3FA1] =	sst s0;
	s0 =	simm.s32 @!p1 $0x0  }
0x14: {  	s2 =	sld [smem:$0x3F85];
	s0 =	simm.s32 @p1 $0x1  }
0x15: {  	[smem:$0x3FA2] =	sst s0;
	s0 =	simm.s32 @!p2 $0x0  }
0x16: {  	s3 =	sld [smem:$0x3FDB];
	s0 =	simm.s32 @p2 $0x1  }
0x17: {  	s4 =	simm.s32 $0x1BF5;
	[smem:$0x3FA4] =	sst s0  }
0x18: {  	s0 =	sld [smem:$0x3F87];
	_ =	swait.ge [sflag:s4], $0x0  }
0x19: {  	s7 =	sld [smem:$0x3F88]  }
0x1a: {  	s8 =	sadd.s32 $0xFFFFE003, lr  }
0x1b: {  	s9 =	sadd.s32 $0xFFFFFEF7, lr;
	s5 =	simm.s32 $0xFFFFFFFF;
	p2 =	slt.u32 s8, $0xFFFFF086  }
0x1c: {  	p1 =	slt.u32 s9, $0xF7A;
	s5 =	simm.s32 @!p2 $0x0  }
0x1d: {  	s5 =	simm.s32 @p1 $0x1;
	p0 =	seq.s32 s7, s2  }
0x1e: {  	s7 =	smul.u32 @!p0 $0xF7A, s2;
	p2 =	seq.s32 @!p0 s5, $0x0  }
0x1f: {  	s9 =	smul.u32 $0xF7A, s1;
	s8 =	simm.s32 @!p0 $0x1BF5;
	p2 =	por !p2, p0  }
0x20: {  	[sflag:s8] =	ssyncset.s32 @!p0 $0xFFFFF086;
	s6 =	sadd.s32 @!p0 s3, s7;
	s7 =	simm.s32 @!p0 $0x108  }
0x21: {  	s3 =	sadd.s32 s3, s9;
	s6 =	sadd.s32 @!p0 $0x88, s6;
	s7 =	simm.s32 @p2 $0x1082  }
0x22: {  	[simem:s7], [sflag:s8] =	dma.local @!p0 [hbm:s6], $0xF7A  }
0x23: {  	s9 =	sor.u32 $0xD0000000, s2;
	s6 =	simm.s32 $0x108;
	_ =	swait.ge @!p0 [sflag:s8], $0x0  }
0x24: {  	s3 =	sadd.s32 $0x88, s3;
	s6 =	simm.s32 @!p1 $0x1082;
	[sflag:s4] =	ssyncset.s32 $0xFFFFF086  }
0x25: {  	[simem:s6], [sflag:s4] =	dma.local [hbm:s3], $0xF7A  }
0x26: {  	[smem:$0x3F88] =	sst s1;
	(tag) =	ssettag s2;
	_ =	strace s9  }
0x27: {  	s1 =	sld [smem:$0x3F98]  }
0x28: {  	s2 =	sld [smem:$0x3F99]  }
0x29: {  	s4 =	sld [smem:$0x3F9B]  }
0x2a: {  	p0 =	seq.s32 s5, $0x0;
	s5 =	sld [smem:$0x3F9C]  }
0x2b: {  	s6 =	sld [smem:$0x3F9D]  }
0x2c: {  	s7 =	sld [smem:$0x3F9E]  }
0x2d: {  	s3 =	simm.s32 $0x108;
	s8 =	sld [smem:$0x3F9F]  }
0x2e: {  	s3 =	simm.s32 @!p0 $0x1082;
	s9 =	sld [smem:$0x3FA0]  }
0x2f: {  	lr =	sadd.s32 s0, s3;
	s0 =	sld [smem:$0x3F97]  }
0x30: {  	s3 =	sld [smem:$0x3F9A]  }
0x31: {  	[smem:$0x3FA3] =	sst s10  }
0x32: {  	s10 =	sld [smem:$0x3FA1];
	_ =	sdelay $0x3  }
0x33: {  	p0 =	seq.s32 s10, $0x1;
	s10 =	sld [smem:$0x3FA3];
	_ =	sdelay $0x3  }
0x34: {  	[smem:$0x3FA3] =	sst s10  }
0x35: {  	s10 =	sld [smem:$0x3FA2];
	_ =	sdelay $0x3  }
0x36: {  	p1 =	seq.s32 s10, $0x1;
	s10 =	sld [smem:$0x3FA3];
	_ =	sdelay $0x3  }
0x37: {  	[smem:$0x3FA3] =	sst s10  }
0x38: {  	s10 =	sld [smem:$0x3FA4]  }
0x39: {  	_ = 	snop;
	(pc) =	sbr.ind lr, $3  }
0x3a: {  	_ = 	snop  }
0x3b: {  	_ = 	snop  }
0x3c: {  	p2 =	seq.s32 s10, $0x1;
	s10 =	sld [smem:$0x3FA3]  }
0x3d: {  	_ =	shalt  }
0x3e: {  	_ =	shalt  }
0x3f: {  	_ =	shalt  }
0x40: {  	_ =	shalt  }
0x41: {  	_ =	shalt  }
0x42: {  	_ =	shalt  }
0x43: {  	_ =	shalt  }
0x44: {  	_ =	shalt  }
0x45: {  	_ =	shalt  }
0x46: {  	_ =	shalt  }
0x47: {  	_ =	shalt  }
0x48: {  	_ =	shalt  }
0x49: {  	_ =	shalt  }
0x4a: {  	_ =	shalt  }
0x4b: {  	_ =	shalt  }
0x4c: {  	_ =	shalt  }
0x4d: {  	_ =	shalt  }
0x4e: {  	_ =	shalt  }
0x4f: {  	_ =	shalt  }
0x50: {  	_ =	shalt  }
0x51: {  	_ =	shalt  }
0x52: {  	_ =	shalt  }
0x53: {  	_ =	shalt  }
0x54: {  	_ =	shalt  }
0x55: {  	_ =	shalt  }
0x56: {  	_ =	shalt  }
0x57: {  	_ =	shalt  }
0x58: {  	_ =	shalt  }
0x59: {  	_ =	shalt  }
0x5a: {  	_ =	shalt  }
0x5b: {  	_ =	shalt  }
0x5c: {  	_ =	shalt  }
0x5d: {  	_ =	shalt  }
0x5e: {  	_ =	shalt  }
0x5f: {  	_ =	shalt  }
0x60: {  	_ =	shalt  }
0x61: {  	_ =	shalt  }
0x62: {  	_ =	shalt  }
0x63: {  	_ =	shalt  }
0x64: {  	_ =	shalt  }
0x65: {  	_ =	shalt  }
0x66: {  	_ =	shalt  }
0x67: {  	_ =	shalt  }
0x68: {  	_ =	shalt  }
0x69: {  	_ =	shalt  }
0x6a: {  	_ =	shalt  }
0x6b: {  	_ =	shalt  }
0x6c: {  	_ =	shalt  }
0x6d: {  	_ =	shalt  }
0x6e: {  	_ =	shalt  }
0x6f: {  	_ =	shalt  }
0x70: {  	_ =	shalt  }
0x71: {  	_ =	shalt  }
0x72: {  	_ =	shalt  }
0x73: {  	_ =	shalt  }
0x74: {  	_ =	shalt  }
0x75: {  	_ =	shalt  }
0x76: {  	_ =	shalt  }
0x77: {  	_ =	shalt  }
0x78: {  	_ =	shalt  }
0x79: {  	_ =	shalt  }
0x7a: {  	_ =	shalt  }
0x7b: {  	_ =	shalt  }
0x7c: {  	_ =	shalt  }
0x7d: {  	_ =	shalt  }
0x7e: {  	_ =	shalt  }
0x7f: {  	_ =	shalt  }
0x80: {  	_ =	shalt  }
0x81: {  	_ =	shalt  }
0x82: {  	_ =	shalt  }
0x83: {  	_ =	shalt  }
0x84: {  	_ =	shalt  }
0x85: {  	_ =	shalt  }
0x86: {  	_ =	shalt  }
0x87: {  	_ =	shalt  }
.Lfunc_end0:
.L_simem_size_0:
called_computation.2_lowered:
.L_overlay_start_0:
0x88: {  	s2 =	sld [smem:$0x3FD9]  }
0x89: {  	s3 =	sld [smem:$0x3FFE];
	_ =	sdelay $0x1  }
0x8a: {  	s1 =	srdreg.scid  }
0x8b: {  	s0 =	sand.u32 $0x1, s1  }
0x8c: {  	s17 =	sshll.u32 s0, $0xA;
	s2 =	sadd.s32 s3, s2  }
0x8d: {  	s2 =	sadd.s32 s2, s17  }
0x8e: {  	[smem:$0x3FAF] =	sst s2  }
0x8f: {  	_ = 	snop  }
0x90: {  	s2 =	sld [smem:$0x3FD0];
	(tm) =	ssettm $0x1  }
0x91: {  	s18 =	sld [smem:$0x3FFB];
	_ =	sdelay $0x3  }
0x92: {  	_ =	strace s18  }
0x93: {  	s3 =	sld [smem:$0x3FFC];
	_ =	sdelay $0x3  }
0x94: {  	_ =	strace s3  }
0x95: {  	s3 =	sld [smem:$0x3FFD];
	_ =	sdelay $0x3  }
0x96: {  	_ =	strace s3  }
0x97: {  	_ =	strace $0x8FFFFFFF  }
0x98: {  	s19 =	sld [smem:$0x3FDB];
	_ =	sdelay $0x1  }
0x99: {  	s4 =	simm.s32 $_scs_section_size  }
0x9a: {  	s5 =	simm.s32 $_size__tile_overlayer_lowered;
	s6 =	simm.s32 $_tile_overlayer_lowered  }
0x9b: {  	s22 =	simm.s32 $0x1BFF;
	s21 =	sshll.u32 s6, $0x1;
	s3 =	sadd.s32 s4, s19  }
0x9c: {  	s7 =	simm.s32 $0x0;
	s20 =	sshll.u32 s5, $0x1;
	s5 =	sadd.s32 s21, s3  }
0x9d: {  	[timem:s7], [sflag:s22] =	dma.local [hbm:s5], s20  }
0x9e: {  	_ =	swait.ge [sflag:s22], s20  }
0x9f: {  	s4 =	ssub.s32 $0x0, s20;
	[sflag:s22] =	ssyncset.done $0x0  }
0xa0: {  	[sflag:s22] =	ssyncadd.s32 s4;
	_ =	sdelay $0x1  }
0xa1: {  	s23 =	simm.s32 $0x1B8B  }
0xa2: {  	_ =	swait.ge [sflag:s23], $0x1  }
0xa3: {  	[sflag:s23] =	ssyncset.done $0x0  }
0xa4: {  	s25 =	simm.s32 $0x1B8E;
	s24 =	sld [smem:$0x3FFE];
	[sflag:s23] =	ssyncadd.s32 $0xFFFFFFFF  }
0xa5: {  	s26 =	simm.s32 $execute0_lowered;
	[smem:$0x3FD2] =	sst s25  }
0xa6: {  	s5 =	sshll.u32 s26, $0x1;
	_ =	strace $0x8000004C;
	[dreg:$0x1] =	wrdreg $0xFFFFFFFF  }
0xa7: {  	s28 =	simm.s32 $_size_execute0_lowered;
	s3 =	sadd.s32 s3, s5;
	[dreg:$0x0] =	wrdreg $0x0  }
0xa8: {  	s5 =	sshll.u32 s28, $0x1;
	[dreg:$0x2] =	wrdreg s3  }
0xa9: {  	[dreg:$0x3] =	wrdreg s5  }
0xaa: {  	[dreg:$0x4] =	wrdreg $0xC0  }
0xab: {  	_ =	task [dreg:s7], $0x5FFFF  }
0xac: {  	[dreg:$0x1] =	wrdreg $0xFFFFFFFF  }
0xad: {  	[dreg:$0x0] =	wrdreg $0x60  }
0xae: {  	[dreg:$0x2] =	wrdreg s24  }
0xaf: {  	[dreg:$0x3] =	wrdreg s2  }
0xb0: {  	[dreg:$0x4] =	wrdreg $0x9  }
0xb1: {  	_ =	task.clear_ibuf [dreg:s7], $0x5FFFF;
	_ =	strace $0x9000004C  }
0xb2: {  	s29 =	simm.s32 $0x9;
	_ =	strace $0x8000004E  }
0xb3: {  	_ =	swait.ge [sflag:s29], $0x1  }
0xb4: {  	[sflag:s29] =	ssyncadd.s32 $0xFFFFFFFF  }
0xb5: {  	_ =	strace $0x9000004E  }
0xb6: {  	_ =	sfence  }
0xb7: {  	s30 =	sld [smem:$0x0];
	_ =	sdelay $0x2  }
0xb8: {  	s31 =	sshll.u32 s1, $0xD;
	s1 =	sshrl.u32 s1, $0x2  }
0xb9: {  	s3 =	sand.u32 $0x4000, s31;
	s1 =	sadd.s32 s1, s30  }
0xba: {  	s0 =	sor.u32 s3, s0;
	s1 =	sshll.u32 s1, $0x11  }
0xbb: {  	s0 =	sor.u32 s1, s0  }
0xbc: {  	s0 =	sadd.s32 $0x8F2B, s0  }
0xbd: {  	[sflag:s0] =	ssyncadd.remote.s32 $0x1  }
0xbe: {  	_ =	sfence.sel $0xFFFF  }
0xbf: {  	[dreg:$0x0] =	wrdreg $0xFFFFFFFF;
	(pc) =	sbr.abs _section_cstart, $3  }
0xc0: {  	[dreg:$0x1] =	wrdreg $0xFFFFFFFF  }
0xc1: {  	_ =	task.clear_ibuf [dreg:s7], $0x2FFFF;
	_ =	strace $0x9FFFFFFF  }
0xc2: {  	(tm) =	ssettm $0x7FFFFFFF  }
0xc3: {  	_ =	shalt  }
tec
execute0_lowered:
.L_overlay_start_1:
0x0: {  	(tag) =	ssettag $0x1  }
0x1: {  	s4 =	rddreg [dreg:$0x0]  }
0x2: {  	s5 =	rddreg [dreg:$0x1]  }
0x3: {  	s0 =	rddreg [dreg:$0x2]  }
0x4: {  	s1 =	stileid.u32;
	s3 =	srdreg.scid  }
0x5: {  	s2 =	simm.s32 $0x0;
	s11 =	simm.s32 $0x0;
	s6 =	sand.u32 $0x1, s3  }
0x6: {  	s30 =	sshll.u32 s1, $0x1;
	[smem:$0x7FF] =	sst s2;
	s7 =	smul.u32 $0x35200, s1  }
0x7: {  	s3 =	sor.u32 s6, s30;
	s8 =	ssub.s32 $0x2, s6;
	s6 =	smul.u32 $0x1A900, s6  }
0x8: {  	_ =	strace $0x8000004D;
	s9 =	smul.u32 $0x1900, s3;
	s10 =	sshrl.u32 s8, $0x1  }
0x9: {  	s3 =	sadd.s32 $0x195600, s4;
	s7 =	sadd.s32 s7, s4;
	s8 =	ssub.s32 s8, s10  }
0xa: {  	s6 =	sadd.s32 s6, s7;
	s7 =	simm.s32 $0x2;
	s10 =	simm.s32 $0x1  }
0xb: {  	s31 =	sshrl.u32 s9, $0x3;
	s6 =	sadd.s32 $0x1CA800, s6;
	s9 =	simm.s32 $0x1900  }
0xc: {  	s4 =	sadd.s32 s5, s31;
	s5 =	smax.u32 s8, $0x1;
	s8 =	simm.s32 $0x80  }
.LBB2_1:
0xd: {  	[tilespmem:s2], [sflag:$0x2] =	stream.linear.gather [hbm4b:s4+s2], $0x1900, $0x38;
	[tilespmem:$0x5D00] =	vst v63  }
0xe: {  	_ =	swait.ge [sflag:s7], $0x1900  }
0xf: {  	[sflag:s7] =	ssyncset.done $0x0  }
0x10: {  	s12 =	simm.s32 $0x0;
	[sflag:s7] =	ssyncadd.s32 $0xFFFFE700  }
0x11: {  	[tilespmem:s9], [sflag:$0x1] =	stream.indirect.gather [hbm4b:s3+s8], $0x88, s12, s8, $0xb8;
	[tilespmem:$0x5D00] =	vst v63  }
0x12: {  	_ =	swait.ge [sflag:s10], $0x4400  }
0x13: {  	[sflag:s10] =	ssyncset.done $0x0  }
0x14: {  	[sflag:s10] =	ssyncadd.s32 $0xFFFFBC00  }
0x15: {  	[hbm4b:s6+s2] =	stream.linear.scatter [tilespmem:s9], [sflag:$0x2], $0x4400, $0x38;
	[tilespmem:$0x5D00] =	vst v63  }
0x16: {  	s13 =	simm.s32 $0x200;
	_ =	swait.ge [sflag:s7], $0x4400  }
0x17: {  	s14 =	simm.s32 $0x400;
	s12 =	sadd.s32 $0x880, s6;
	[sflag:s7] =	ssyncset.done $0x0  }
.LBB2_2:
0x18: {  	s15 =	sshra.s32 s13, $0x2  }
0x19: {  	[sflag:s7] =	ssyncadd.s32 $0xFFFFBC00;
	s13 =	smov.u32 s14;
	s16 =	sadd.s32 $0x200, s14  }
0x1a: {  	[tilespmem:s9], [sflag:$0x1] =	stream.indirect.gather [hbm4b:s3+s8], $0x88, s15, s8, $0xb8;
	[tilespmem:$0x5D00] =	vst v63  }
0x1b: {  	p0 =	sne.s32 s14, $0x6200;
	_ =	swait.ge [sflag:s10], $0x4400  }
.Ltmp0:
0x1c: {  	[sflag:s10] =	ssyncset.done $0x0;
	(pc) =	sbr.rel @p0 .LBB2_2-.Ltmp0, $4  }
0x1d: {  	[sflag:s10] =	ssyncadd.s32 $0xFFFFBC00  }
0x1e: {  	[hbm4b:s12+s2] =	stream.linear.scatter [tilespmem:s9], [sflag:$0x2], $0x4400, $0x38;
	[tilespmem:$0x5D00] =	vst v63  }
0x1f: {  	_ =	swait.ge [sflag:s7], $0x4400  }
0x20: {  	s14 =	smov.u32 s16;
	s12 =	sadd.s32 $0x880, s12;
	[sflag:s7] =	ssyncset.done $0x0  }
0x21: {  	s13 =	sshra.s32 s13, $0x2;
	[sflag:s7] =	ssyncadd.s32 $0xFFFFBC00  }
0x22: {  	[tilespmem:s9], [sflag:$0x1] =	stream.indirect.gather [hbm4b:s3+s8], $0x88, s13, s8, $0xb8;
	[tilespmem:$0x5D00] =	vst v63  }
0x23: {  	s11 =	sadd.s32 $0x1, s11;
	_ =	swait.ge [sflag:s10], $0x4400  }
0x24: {  	p0 =	sne.s32 s11, s5;
	[sflag:s10] =	ssyncset.done $0x0  }
.Ltmp1:
0x25: {  	[sflag:s10] =	ssyncadd.s32 $0xFFFFBC00;
	(pc) =	sbr.rel @p0 .LBB2_1-.Ltmp1, $4  }
0x26: {  	[hbm4b:s12+s2] =	stream.linear.scatter [tilespmem:s9], [sflag:$0x2], $0x4400, $0x38;
	[tilespmem:$0x5D00] =	vst v63  }
0x27: {  	_ =	swait.ge [sflag:s7], $0x4400  }
0x28: {  	[sflag:s7] =	ssyncset.done $0x0  }
0x29: {  	[sflag:s7] =	ssyncadd.s32 $0xFFFFBC00  }
0x2a: {  	_ =	sfence.sel $0x180000  }
0x2b: {  	[bflag:$0x0] =	sbarrier.arrive $0xFFFF  }
0x2c: {  	p0 =	sne.s32 s1, $0x0;
	_ =	strace $0x9000004D  }
0x2d: {  	s0 =	sadd.s32 @!p0 $0x100000, s0;
	[bflag:$0x2] =	sbarrier.arrive $0xFFFF  }
0x2e: {  	[sflag:s0] =	ssyncadd.tile.s32 @!p0 $0x1;
	_ =	shalt  }
.Lfunc_end2:
_tile_overlayer_lowered:
.L_overlay_start_2:
0x2f: {  	(tag) =	ssettag $0x2  }
0x30: {  	s0 =	rddreg [dreg:$0x0];
	s2 =	stileid.u32  }
0x31: {  	s1 =	rddreg [dreg:$0x1];
	p0 =	sne.s32 s2, $0x0  }
0x32: {  	s3 =	rddreg [dreg:$0x2];
	[bflag:$0x3] =	sbarrier.arrive $0xFFFF;
	s2 =	simm.s32 @!p0 $0x1C02  }
0x33: {  	[timem:s3], [sflag:s2] =	dma.local @!p0 [hbm:s0], s1  }
0x34: {  	s0 =	simm.s32 @!p0 $0x2  }
0x35: {  	_ =	swait.ge @!p0 [sflag:s0], s1  }
0x36: {  	s1 =	ssub.s32 @!p0 $0x0, s1;
	[sflag:s0] =	ssyncset.done @!p0 $0x0  }
0x37: {  	[sflag:s0] =	ssyncadd.s32 @!p0 s1  }
0x38: {  	[bflag:$0x3] =	sbarrier.arrive $0xFFFF  }
0x39: {  	_ =	shalt  }

// kernel: kernel.23.cloned.1.call-start
scs
__scs_entry_jumppad:
0x0: {  	(pc) =	sbr.rel $0x88, $3  }
0x1: {  	(tag) =	ssettag $0x0;
	lr =	simm.s32 $0x1  }
0x2: {  	[smem:$0x3F88] =	sst lr;
	_ =	strace $0xD0000000  }
0x3: {  	_ = 	snop  }
0x4: {  	_ = 	snop  }
0x5: {  	_ = 	snop  }
0x6: {  	_ = 	snop  }
0x7: {  	_ = 	snop  }
__scs_overlays_trampoline_lowered:
0x8: {  	[smem:$0x3F97] =	sst s0  }
0x9: {  	[smem:$0x3F98] =	sst s1  }
0xa: {  	[smem:$0x3F99] =	sst s2  }
0xb: {  	[smem:$0x3F9A] =	sst s3  }
0xc: {  	[smem:$0x3F9B] =	sst s4  }
0xd: {  	[smem:$0x3F9C] =	sst s5  }
0xe: {  	[smem:$0x3F9D] =	sst s6  }
0xf: {  	[smem:$0x3F9E] =	sst s7  }
0x10: {  	[smem:$0x3F9F] =	sst s8  }
0x11: {  	[smem:$0x3FA0] =	sst s9;
	s0 =	simm.s32 @!p0 $0x0  }
0x12: {  	s1 =	sld [smem:$0x3F86];
	s0 =	simm.s32 @p0 $0x1  }
0x13: {  	[smem:$0x3FA1] =	sst s0;
	s0 =	simm.s32 @!p1 $0x0  }
0x14: {  	s2 =	sld [smem:$0x3F85];
	s0 =	simm.s32 @p1 $0x1  }
0x15: {  	[smem:$0x3FA2] =	sst s0;
	s0 =	simm.s32 @!p2 $0x0  }
0x16: {  	s3 =	sld [smem:$0x3FDB];
	s0 =	simm.s32 @p2 $0x1  }
0x17: {  	s4 =	simm.s32 $0x1BF5;
	[smem:$0x3FA4] =	sst s0  }
0x18: {  	s0 =	sld [smem:$0x3F87];
	_ =	swait.ge [sflag:s4], $0x0  }
0x19: {  	s7 =	sld [smem:$0x3F88]  }
0x1a: {  	s8 =	sadd.s32 $0xFFFFE003, lr  }
0x1b: {  	s9 =	sadd.s32 $0xFFFFFEF7, lr;
	s5 =	simm.s32 $0xFFFFFFFF;
	p2 =	slt.u32 s8, $0xFFFFF086  }
0x1c: {  	p1 =	slt.u32 s9, $0xF7A;
	s5 =	simm.s32 @!p2 $0x0  }
0x1d: {  	s5 =	simm.s32 @p1 $0x1;
	p0 =	seq.s32 s7, s2  }
0x1e: {  	s7 =	smul.u32 @!p0 $0xF7A, s2;
	p2 =	seq.s32 @!p0 s5, $0x0  }
0x1f: {  	s9 =	smul.u32 $0xF7A, s1;
	s8 =	simm.s32 @!p0 $0x1BF5;
	p2 =	por !p2, p0  }
0x20: {  	[sflag:s8] =	ssyncset.s32 @!p0 $0xFFFFF086;
	s6 =	sadd.s32 @!p0 s3, s7;
	s7 =	simm.s32 @!p0 $0x108  }
0x21: {  	s3 =	sadd.s32 s3, s9;
	s6 =	sadd.s32 @!p0 $0x88, s6;
	s7 =	simm.s32 @p2 $0x1082  }
0x22: {  	[simem:s7], [sflag:s8] =	dma.local @!p0 [hbm:s6], $0xF7A  }
0x23: {  	s9 =	sor.u32 $0xD0000000, s2;
	s6 =	simm.s32 $0x108;
	_ =	swait.ge @!p0 [sflag:s8], $0x0  }
0x24: {  	s3 =	sadd.s32 $0x88, s3;
	s6 =	simm.s32 @!p1 $0x1082;
	[sflag:s4] =	ssyncset.s32 $0xFFFFF086  }
0x25: {  	[simem:s6], [sflag:s4] =	dma.local [hbm:s3], $0xF7A  }
0x26: {  	[smem:$0x3F88] =	sst s1;
	(tag) =	ssettag s2;
	_ =	strace s9  }
0x27: {  	s1 =	sld [smem:$0x3F98]  }
0x28: {  	s2 =	sld [smem:$0x3F99]  }
0x29: {  	s4 =	sld [smem:$0x3F9B]  }
0x2a: {  	p0 =	seq.s32 s5, $0x0;
	s5 =	sld [smem:$0x3F9C]  }
0x2b: {  	s6 =	sld [smem:$0x3F9D]  }
0x2c: {  	s7 =	sld [smem:$0x3F9E]  }
0x2d: {  	s3 =	simm.s32 $0x108;
	s8 =	sld [smem:$0x3F9F]  }
0x2e: {  	s3 =	simm.s32 @!p0 $0x1082;
	s9 =	sld [smem:$0x3FA0]  }
0x2f: {  	lr =	sadd.s32 s0, s3;
	s0 =	sld [smem:$0x3F97]  }
0x30: {  	s3 =	sld [smem:$0x3F9A]  }
0x31: {  	[smem:$0x3FA3] =	sst s10  }
0x32: {  	s10 =	sld [smem:$0x3FA1];
	_ =	sdelay $0x3  }
0x33: {  	p0 =	seq.s32 s10, $0x1;
	s10 =	sld [smem:$0x3FA3];
	_ =	sdelay $0x3  }
0x34: {  	[smem:$0x3FA3] =	sst s10  }
0x35: {  	s10 =	sld [smem:$0x3FA2];
	_ =	sdelay $0x3  }
0x36: {  	p1 =	seq.s32 s10, $0x1;
	s10 =	sld [smem:$0x3FA3];
	_ =	sdelay $0x3  }
0x37: {  	[smem:$0x3FA3] =	sst s10  }
0x38: {  	s10 =	sld [smem:$0x3FA4]  }
0x39: {  	_ = 	snop;
	(pc) =	sbr.ind lr, $3  }
0x3a: {  	_ = 	snop  }
0x3b: {  	_ = 	snop  }
0x3c: {  	p2 =	seq.s32 s10, $0x1;
	s10 =	sld [smem:$0x3FA3]  }
0x3d: {  	_ =	shalt  }
0x3e: {  	_ =	shalt  }
0x3f: {  	_ =	shalt  }
0x40: {  	_ =	shalt  }
0x41: {  	_ =	shalt  }
0x42: {  	_ =	shalt  }
0x43: {  	_ =	shalt  }
0x44: {  	_ =	shalt  }
0x45: {  	_ =	shalt  }
0x46: {  	_ =	shalt  }
0x47: {  	_ =	shalt  }
0x48: {  	_ =	shalt  }
0x49: {  	_ =	shalt  }
0x4a: {  	_ =	shalt  }
0x4b: {  	_ =	shalt  }
0x4c: {  	_ =	shalt  }
0x4d: {  	_ =	shalt  }
0x4e: {  	_ =	shalt  }
0x4f: {  	_ =	shalt  }
0x50: {  	_ =	shalt  }
0x51: {  	_ =	shalt  }
0x52: {  	_ =	shalt  }
0x53: {  	_ =	shalt  }
0x54: {  	_ =	shalt  }
0x55: {  	_ =	shalt  }
0x56: {  	_ =	shalt  }
0x57: {  	_ =	shalt  }
0x58: {  	_ =	shalt  }
0x59: {  	_ =	shalt  }
0x5a: {  	_ =	shalt  }
0x5b: {  	_ =	shalt  }
0x5c: {  	_ =	shalt  }
0x5d: {  	_ =	shalt  }
0x5e: {  	_ =	shalt  }
0x5f: {  	_ =	shalt  }
0x60: {  	_ =	shalt  }
0x61: {  	_ =	shalt  }
0x62: {  	_ =	shalt  }
0x63: {  	_ =	shalt  }
0x64: {  	_ =	shalt  }
0x65: {  	_ =	shalt  }
0x66: {  	_ =	shalt  }
0x67: {  	_ =	shalt  }
0x68: {  	_ =	shalt  }
0x69: {  	_ =	shalt  }
0x6a: {  	_ =	shalt  }
0x6b: {  	_ =	shalt  }
0x6c: {  	_ =	shalt  }
0x6d: {  	_ =	shalt  }
0x6e: {  	_ =	shalt  }
0x6f: {  	_ =	shalt  }
0x70: {  	_ =	shalt  }
0x71: {  	_ =	shalt  }
0x72: {  	_ =	shalt  }
0x73: {  	_ =	shalt  }
0x74: {  	_ =	shalt  }
0x75: {  	_ =	shalt  }
0x76: {  	_ =	shalt  }
0x77: {  	_ =	shalt  }
0x78: {  	_ =	shalt  }
0x79: {  	_ =	shalt  }
0x7a: {  	_ =	shalt  }
0x7b: {  	_ =	shalt  }
0x7c: {  	_ =	shalt  }
0x7d: {  	_ =	shalt  }
0x7e: {  	_ =	shalt  }
0x7f: {  	_ =	shalt  }
0x80: {  	_ =	shalt  }
0x81: {  	_ =	shalt  }
0x82: {  	_ =	shalt  }
0x83: {  	_ =	shalt  }
0x84: {  	_ =	shalt  }
0x85: {  	_ =	shalt  }
0x86: {  	_ =	shalt  }
0x87: {  	_ =	shalt  }
.Lfunc_end0:
.L_simem_size_0:
called_computation.3_lowered:
.L_overlay_start_0:
0x88: {  	s2 =	sld [smem:$0x3FD9]  }
0x89: {  	s3 =	sld [smem:$0x3FFE];
	_ =	sdelay $0x1  }
0x8a: {  	s1 =	srdreg.scid  }
0x8b: {  	s0 =	sand.u32 $0x1, s1  }
0x8c: {  	s16 =	sshll.u32 s0, $0xA;
	s2 =	sadd.s32 s3, s2  }
0x8d: {  	s2 =	sadd.s32 s2, s16  }
0x8e: {  	[smem:$0x3FAF] =	sst s2  }
0x8f: {  	_ = 	snop  }
0x90: {  	(tm) =	ssettm $0x1  }
0x91: {  	s17 =	sld [smem:$0x3FFB];
	_ =	sdelay $0x3  }
0x92: {  	_ =	strace s17  }
0x93: {  	s2 =	sld [smem:$0x3FFC];
	_ =	sdelay $0x3  }
0x94: {  	_ =	strace s2  }
0x95: {  	s2 =	sld [smem:$0x3FFD];
	_ =	sdelay $0x3  }
0x96: {  	_ =	strace s2  }
0x97: {  	_ =	strace $0x8FFFFFFF  }
0x98: {  	s18 =	sld [smem:$0x3FDB];
	_ =	sdelay $0x1  }
0x99: {  	s19 =	simm.s32 $_scs_section_size  }
0x9a: {  	s4 =	simm.s32 $_size__tile_overlayer_lowered;
	s5 =	simm.s32 $_tile_overlayer_lowered  }
0x9b: {  	s22 =	simm.s32 $0x1BFF;
	s21 =	sshll.u32 s5, $0x1;
	s2 =	sadd.s32 s19, s18  }
0x9c: {  	s6 =	simm.s32 $0x0;
	s20 =	sshll.u32 s4, $0x1;
	s4 =	sadd.s32 s21, s2  }
0x9d: {  	[timem:s6], [sflag:s22] =	dma.local [hbm:s4], s20  }
0x9e: {  	_ =	swait.ge [sflag:s22], s20  }
0x9f: {  	s3 =	ssub.s32 $0x0, s20;
	[sflag:s22] =	ssyncset.done $0x0  }
0xa0: {  	[sflag:s22] =	ssyncadd.s32 s3;
	_ =	sdelay $0x1  }
0xa1: {  	s23 =	simm.s32 $0x1B8B  }
0xa2: {  	_ =	swait.ge [sflag:s23], $0x1  }
0xa3: {  	[sflag:s23] =	ssyncset.done $0x0  }
0xa4: {  	s25 =	simm.s32 $0x1B8E;
	s24 =	sld [smem:$0x3FFE];
	[sflag:s23] =	ssyncadd.s32 $0xFFFFFFFF  }
0xa5: {  	s26 =	simm.s32 $execute0_lowered;
	[smem:$0x3FD2] =	sst s25  }
0xa6: {  	s4 =	sshll.u32 s26, $0x1;
	_ =	strace $0x8000004F;
	[dreg:$0x1] =	wrdreg $0xFFFFFFFF  }
0xa7: {  	s28 =	simm.s32 $_size_execute0_lowered;
	s2 =	sadd.s32 s2, s4;
	[dreg:$0x0] =	wrdreg $0x0  }
0xa8: {  	s4 =	sshll.u32 s28, $0x1;
	[dreg:$0x2] =	wrdreg s2  }
0xa9: {  	[dreg:$0x3] =	wrdreg s4  }
0xaa: {  	[dreg:$0x4] =	wrdreg $0xC0  }
0xab: {  	_ =	task [dreg:s6], $0x5FFFF  }
0xac: {  	[dreg:$0x1] =	wrdreg $0xFFFFFFFF  }
0xad: {  	[dreg:$0x0] =	wrdreg $0x60  }
0xae: {  	[dreg:$0x2] =	wrdreg s24  }
0xaf: {  	[dreg:$0x3] =	wrdreg $0x9  }
0xb0: {  	_ =	task.clear_ibuf [dreg:s6], $0x4FFFF;
	_ =	strace $0x9000004F  }
0xb1: {  	s29 =	simm.s32 $0x9;
	_ =	strace $0x80000051  }
0xb2: {  	_ =	swait.ge [sflag:s29], $0x1  }
0xb3: {  	[sflag:s29] =	ssyncadd.s32 $0xFFFFFFFF  }
0xb4: {  	_ =	strace $0x90000051  }
0xb5: {  	_ =	sfence  }
0xb6: {  	s30 =	sld [smem:$0x0];
	_ =	sdelay $0x2  }
0xb7: {  	s31 =	sshll.u32 s1, $0xD;
	s1 =	sshrl.u32 s1, $0x2  }
0xb8: {  	s3 =	sand.u32 $0x4000, s31;
	s1 =	sadd.s32 s1, s30  }
0xb9: {  	s0 =	sor.u32 s3, s0;
	s1 =	sshll.u32 s1, $0x11  }
0xba: {  	s0 =	sor.u32 s1, s0  }
0xbb: {  	s0 =	sadd.s32 $0x8F2B, s0  }
0xbc: {  	[sflag:s0] =	ssyncadd.remote.s32 $0x1  }
0xbd: {  	_ =	sfence.sel $0xFFFF  }
0xbe: {  	[dreg:$0x0] =	wrdreg $0xFFFFFFFF;
	(pc) =	sbr.abs _section_cstart, $3  }
0xbf: {  	[dreg:$0x1] =	wrdreg $0xFFFFFFFF  }
0xc0: {  	_ =	task.clear_ibuf [dreg:s6], $0x2FFFF;
	_ =	strace $0x9FFFFFFF  }
0xc1: {  	(tm) =	ssettm $0x7FFFFFFF  }
tec
execute0_lowered:
.L_overlay_start_1:
0x0: {  	(tag) =	ssettag $0x1  }
0x1: {  	s4 =	rddreg [dreg:$0x0]  }
0x2: {  	s0 =	rddreg [dreg:$0x1]  }
0x3: {  	s3 =	srdreg.scid;
	s1 =	stileid.u32;
	s2 =	simm.s32 $0x0  }
0x4: {  	s11 =	simm.s32 $0x0;
	s5 =	sand.u32 $0x1, s3;
	s28 =	sshll.u32 s1, $0x1  }
0x5: {  	[smem:$0x7FF] =	sst s2;
	s7 =	smul.u32 $0xD000, s1;
	s3 =	sor.u32 s5, s28  }
0x6: {  	_ =	strace $0x80000050;
	s8 =	ssub.s32 $0x2, s5;
	s10 =	smul.u32 $0x6800, s5  }
0x7: {  	s6 =	smul.u32 $0x680, s3;
	s3 =	sadd.s32 $0x5600, s4;
	s9 =	sshrl.u32 s8, $0x1  }
0x8: {  	s30 =	sadd.s32 s7, s4;
	s7 =	simm.s32 $0x2;
	s31 =	ssub.s32 s8, s9  }
0x9: {  	s8 =	simm.s32 $0x80;
	s9 =	simm.s32 $0x680;
	s6 =	sshrl.u32 s6, $0x3  }
0xa: {  	s5 =	smax.u32 s31, $0x1;
	s29 =	sadd.s32 s6, s4;
	s6 =	sadd.s32 s10, s30  }
0xb: {  	s10 =	simm.s32 $0x1;
	s4 =	sadd.s32 $0xA7E00, s29;
	s6 =	sadd.s32 $0x195600, s6  }
.LBB2_1:
0xc: {  	[tilespmem:s2], [sflag:$0x2] =	stream.linear.gather [hbm4b:s4+s2], $0x680, $0x38;
	[tilespmem:$0x4680] =	vst v63  }
0xd: {  	_ =	swait.ge [sflag:s7], $0x680  }
0xe: {  	[sflag:s7] =	ssyncset.done $0x0  }
0xf: {  	s12 =	simm.s32 $0x0;
	[sflag:s7] =	ssyncadd.s32 $0xFFFFF980  }
0x10: {  	[tilespmem:s9], [sflag:$0x1] =	stream.indirect.gather [hbm4b:s3+s8], $0x80, s12, s8, $0xb8;
	[tilespmem:$0x4680] =	vst v63  }
0x11: {  	_ =	swait.ge [sflag:s10], $0x4000  }
0x12: {  	[sflag:s10] =	ssyncset.done $0x0  }
0x13: {  	[sflag:s10] =	ssyncadd.s32 $0xFFFFC000  }
0x14: {  	[hbm4b:s6+s2] =	stream.linear.scatter [tilespmem:s9], [sflag:$0x2], $0x4000, $0x38;
	[tilespmem:$0x4680] =	vst v63  }
0x15: {  	s13 =	simm.s32 $0x200;
	_ =	swait.ge [sflag:s7], $0x4000  }
0x16: {  	s14 =	simm.s32 $0x400;
	s12 =	sadd.s32 $0x800, s6;
	[sflag:s7] =	ssyncset.done $0x0  }
.LBB2_2:
0x17: {  	s15 =	sshra.s32 s13, $0x2  }
0x18: {  	[sflag:s7] =	ssyncadd.s32 $0xFFFFC000;
	s13 =	smov.u32 s14;
	s16 =	sadd.s32 $0x200, s14  }
0x19: {  	[tilespmem:s9], [sflag:$0x1] =	stream.indirect.gather [hbm4b:s3+s8], $0x80, s15, s8, $0xb8;
	[tilespmem:$0x4680] =	vst v63  }
0x1a: {  	p0 =	sne.s32 s14, $0x1800;
	_ =	swait.ge [sflag:s10], $0x4000  }
.Ltmp0:
0x1b: {  	[sflag:s10] =	ssyncset.done $0x0;
	(pc) =	sbr.rel @p0 .LBB2_2-.Ltmp0, $4  }
0x1c: {  	[sflag:s10] =	ssyncadd.s32 $0xFFFFC000  }
0x1d: {  	[hbm4b:s12+s2] =	stream.linear.scatter [tilespmem:s9], [sflag:$0x2], $0x4000, $0x38;
	[tilespmem:$0x4680] =	vst v63  }
0x1e: {  	_ =	swait.ge [sflag:s7], $0x4000  }
0x1f: {  	s14 =	smov.u32 s16;
	s12 =	sadd.s32 $0x800, s12;
	[sflag:s7] =	ssyncset.done $0x0  }
0x20: {  	s13 =	sshra.s32 s13, $0x2;
	[sflag:s7] =	ssyncadd.s32 $0xFFFFC000  }
0x21: {  	[tilespmem:s9], [sflag:$0x1] =	stream.indirect.gather [hbm4b:s3+s8], $0x80, s13, s8, $0xb8;
	[tilespmem:$0x4680] =	vst v63  }
0x22: {  	s11 =	sadd.s32 $0x1, s11;
	_ =	swait.ge [sflag:s10], $0x4000  }
0x23: {  	p0 =	sne.s32 s11, s5;
	[sflag:s10] =	ssyncset.done $0x0  }
.Ltmp1:
0x24: {  	[sflag:s10] =	ssyncadd.s32 $0xFFFFC000;
	(pc) =	sbr.rel @p0 .LBB2_1-.Ltmp1, $4  }
0x25: {  	[hbm4b:s12+s2] =	stream.linear.scatter [tilespmem:s9], [sflag:$0x2], $0x4000, $0x38;
	[tilespmem:$0x4680] =	vst v63  }
0x26: {  	_ =	swait.ge [sflag:s7], $0x4000  }
0x27: {  	[sflag:s7] =	ssyncset.done $0x0  }
0x28: {  	[sflag:s7] =	ssyncadd.s32 $0xFFFFC000  }
0x29: {  	_ =	sfence.sel $0x180000  }
0x2a: {  	[bflag:$0x0] =	sbarrier.arrive $0xFFFF  }
0x2b: {  	p0 =	sne.s32 s1, $0x0;
	_ =	strace $0x90000050  }
0x2c: {  	s0 =	sadd.s32 @!p0 $0x100000, s0;
	[bflag:$0x2] =	sbarrier.arrive $0xFFFF  }
0x2d: {  	[sflag:s0] =	ssyncadd.tile.s32 @!p0 $0x1;
	_ =	shalt  }
.Lfunc_end2:
_tile_overlayer_lowered:
.L_overlay_start_2:
0x2e: {  	(tag) =	ssettag $0x2  }
0x2f: {  	s0 =	rddreg [dreg:$0x0];
	s2 =	stileid.u32  }
0x30: {  	s1 =	rddreg [dreg:$0x1];
	p0 =	sne.s32 s2, $0x0  }
0x31: {  	s3 =	rddreg [dreg:$0x2];
	[bflag:$0x3] =	sbarrier.arrive $0xFFFF;
	s2 =	simm.s32 @!p0 $0x1C02  }
0x32: {  	[timem:s3], [sflag:s2] =	dma.local @!p0 [hbm:s0], s1  }
0x33: {  	s0 =	simm.s32 @!p0 $0x2  }
0x34: {  	_ =	swait.ge @!p0 [sflag:s0], s1  }
0x35: {  	s1 =	ssub.s32 @!p0 $0x0, s1;
	[sflag:s0] =	ssyncset.done @!p0 $0x0  }
0x36: {  	[sflag:s0] =	ssyncadd.s32 @!p0 s1  }
0x37: {  	[bflag:$0x3] =	sbarrier.arrive $0xFFFF  }
0x38: {  	_ =	shalt  }

</sc_bundles>
